<compile_context>
chip_gen: v7x
topology: tpu7x:2x2x1
jax: 0.10.2.dev20260603
libtpu: 0.0.44.dev20260713+nightly
codegen_flags: <defaults>
</compile_context>

<pallas_src>
import math

import jax
import jax.numpy as jnp
import numpy as np
from jax.experimental import pallas as pl
from jax.experimental.pallas import tpu as pltpu

_B, _L, _H, _D = 1, 2048, 16, 64
_SAMPLE_K = min(5 * math.ceil(math.log(_L)), _L)
_N_TOP = min(5 * math.ceil(math.log(_L)), _L)
_U = _D
_QT = 1024
_NQ = _L // _QT
_NEG = -1e30


def _threefry2x32(k1, k2, x0, x1):
    rot = ((13, 15, 26, 6), (17, 29, 16, 24))
    ks = (np.uint32(k1), np.uint32(k2),
          np.uint32(k1) ^ np.uint32(k2) ^ np.uint32(0x1BD11BDA))
    x = [x0.astype(np.uint32) + ks[0], x1.astype(np.uint32) + ks[1]]
    for i in range(5):
        for r in rot[i % 2]:
            a = x[0] + x[1]
            b = (x[1] << np.uint32(r)) | (x[1] >> np.uint32(32 - r))
            x = [a, a ^ b]
        x[0] = x[0] + ks[(i + 1) % 3]
        x[1] = x[1] + ks[(i + 2) % 3] + np.uint32(i + 1)
    return x


def _sample_idx() -> np.ndarray:
    n = _L * _SAMPLE_K
    with np.errstate(over="ignore"):
        sk1, sk2 = _threefry2x32(0, 42, np.zeros(2, np.uint32),
                                 np.arange(2, dtype=np.uint32))
        zeros = np.zeros(n, np.uint32)
        iota = np.arange(n, dtype=np.uint32)
        hi1, hi2 = _threefry2x32(sk1[0], sk2[0], zeros, iota)
        lo1, lo2 = _threefry2x32(sk1[1], sk2[1], zeros, iota)
        higher = hi1 ^ hi2
        lower = lo1 ^ lo2
        span = np.uint32(_L)
        mult = np.uint32((2 ** 16 % _L) * (2 ** 16 % _L) % _L)
        off = ((higher % span) * mult + lower % span) % span
    return off.astype(np.int32).reshape(_L, _SAMPLE_K)


def _sample_cnt() -> np.ndarray:
    idx = _sample_idx()
    cnt = np.zeros((_L, _L), np.float32)
    np.add.at(cnt, (np.arange(_L)[:, None], idx), 1.0)
    return cnt


_CNT = _sample_cnt()


def _saliency_kernel(q_ref, k_ref, cnt_ref, m_ref):
    q = q_ref[0]
    k = k_ref[0]
    s = jax.lax.dot_general(
        q, k, (((1,), (1,)), ((), ())),
        preferred_element_type=jnp.float32,
        precision=jax.lax.Precision.DEFAULT)
    c = cnt_ref[...]
    smax = jnp.max(jnp.where(c > 0.0, s, _NEG), axis=1)
    ssum = jnp.sum(s * c, axis=1)
    m_ref[0, 0, :] = smax - ssum / float(_L)


def _context_kernel(m_ref, q_ref, k0_ref, v_ref, updfix_ref, gidx_ref, oh_ref):
    iota = jax.lax.broadcasted_iota(jnp.int32, (_H, _L), 1)
    cur = m_ref[...]
    for t in range(_N_TOP):
        mx = jnp.max(cur, axis=1, keepdims=True)
        hit = cur == mx
        pos = jnp.min(jnp.where(hit, iota, _L), axis=1, keepdims=True)
        sel = iota == pos
        oh_ref[:, t, :] = jnp.where(sel, 1.0, 0.0)
        cur = jnp.where(sel, _NEG, cur)
    j_b = jax.lax.broadcasted_iota(jnp.int32, (_U, _U), 1)
    for h in range(_H):
        oh = oh_ref[h]
        qr = jax.lax.dot_general(
            oh, q_ref[h], (((1,), (0,)), ((), ())),
            preferred_element_type=jnp.float32,
            precision=jax.lax.Precision.HIGHEST)
        qmax = jnp.max(qr, axis=1, keepdims=True)
        e = jnp.exp(qr - qmax)
        attn = e / jnp.sum(e, axis=1, keepdims=True)
        upd = jax.lax.dot_general(
            attn, v_ref[h], (((1,), (0,)), ((), ())),
            preferred_element_type=jnp.float32,
            precision=jax.lax.Precision.DEFAULT)
        upd64 = jnp.concatenate(
            [upd, jnp.zeros((_U - _N_TOP, _D), jnp.float32)], axis=0)
        idx2 = jnp.clip(k0_ref[h].astype(jnp.int32), 0, _L - 1)
        same = idx2[None, :] == idx2[:, None]
        jwin = jnp.max(jnp.where(same, j_b, -1), axis=1, keepdims=True)
        perm = jnp.where(j_b == jwin, 1.0, 0.0)
        winner_rows = jax.lax.dot_general(
            perm, upd64, (((1,), (0,)), ((), ())),
            preferred_element_type=jnp.float32,
            precision=jax.lax.Precision.HIGHEST)
        updfix_ref[h] = jnp.concatenate(
            [winner_rows, jnp.zeros((_U, _PD - _D), jnp.float32)], axis=1)
        gidx_ref[h] = idx2 + h * _L


_ZR = 256
_PD = 128


def _sc_scatter_body(upd_hbm, gidx_hbm, zeros_hbm, out_hbm,
                     upd_v, gidx_v, zero_v, zsem, ssem):
    wid = jax.lax.axis_index("s") * 2 + jax.lax.axis_index("c")

    @pl.when(wid < _H)
    def _():
        h = wid
        pltpu.sync_copy(zeros_hbm, zero_v)
        pltpu.sync_copy(upd_hbm.at[h], upd_v)
        pltpu.sync_copy(gidx_hbm.at[h], gidx_v)
        copies = [
            pltpu.async_copy(
                zero_v, out_hbm.at[pl.ds(h * _L + i * _ZR, _ZR)], zsem)
            for i in range(_L // _ZR)
        ]
        for cp in copies:
            cp.wait()
        pltpu.async_copy(upd_v, out_hbm.at[gidx_v], ssem).wait()


def _make_sc_scatter():
    from jax.experimental.pallas import tpu_sc as plsc
    mesh = plsc.VectorSubcoreMesh(core_axis_name="c", subcore_axis_name="s")
    return pl.kernel(
        _sc_scatter_body,
        mesh=mesh,
        out_type=jax.ShapeDtypeStruct((_H * _L, _PD), jnp.float32),
        scratch_types=[
            pltpu.VMEM((_U, _PD), jnp.float32),
            pltpu.VMEM((_U,), jnp.int32),
            pltpu.VMEM((_ZR, _PD), jnp.float32),
            pltpu.SemaphoreType.DMA,
            pltpu.SemaphoreType.DMA,
        ],
    )


_SC_SCATTER_CACHE = []


def _sc_scatter(updfix, gidx, zeros):
    if not _SC_SCATTER_CACHE:
        _SC_SCATTER_CACHE.append(_make_sc_scatter())
    return _SC_SCATTER_CACHE[0](updfix, gidx, zeros)


def kernel(queries, keys, values):
    q = jnp.swapaxes(queries, 1, 2)[0]
    k = jnp.swapaxes(keys, 1, 2)[0]
    v = jnp.swapaxes(values, 1, 2)[0]
    cnt = jnp.asarray(_CNT)
    m = pl.pallas_call(
        _saliency_kernel,
        grid=(_NQ, _H),
        in_specs=[
            pl.BlockSpec((1, _QT, _D), lambda nq, h: (h, nq, 0)),
            pl.BlockSpec((1, _L, _D), lambda nq, h: (h, 0, 0)),
            pl.BlockSpec((_QT, _L), lambda nq, h: (nq, 0)),
        ],
        out_specs=pl.BlockSpec((1, 1, _QT), lambda nq, h: (h * _NQ + nq, 0, 0)),
        out_shape=jax.ShapeDtypeStruct((_H * _NQ, 1, _QT), jnp.float32),
    )(q, k, cnt)
    m = m.reshape(_H, _L)
    k0 = keys[0, 0]
    v64 = v[:, :_U, :]
    updfix, gidx = pl.pallas_call(
        _context_kernel,
        grid=(1,),
        in_specs=[
            pl.BlockSpec((_H, _L), lambda i: (0, 0)),
            pl.BlockSpec((_H, _L, _D), lambda i: (0, 0, 0)),
            pl.BlockSpec((_H, _D), lambda i: (0, 0)),
            pl.BlockSpec((_H, _U, _D), lambda i: (0, 0, 0)),
        ],
        out_specs=[
            pl.BlockSpec((_H, _U, _PD), lambda i: (0, 0, 0)),
            pl.BlockSpec((_H, _U), lambda i: (0, 0)),
        ],
        out_shape=[
            jax.ShapeDtypeStruct((_H, _U, _PD), jnp.float32),
            jax.ShapeDtypeStruct((_H, _U), jnp.int32),
        ],
        scratch_shapes=[pltpu.VMEM((_H, _N_TOP, _L), jnp.float32)],
    )(m, q, k0, v64)
    out = _sc_scatter(updfix, gidx, jnp.zeros((_ZR, _PD), jnp.float32))
    out = out.reshape(_H, _L, _PD)[:, :, :_D]
    return jnp.swapaxes(out, 0, 1)[None]

# --- scband reference (transcript-rebuilt; emitter-appended) ---
"""Pipeline reference for scband-prob-attention-45079976739601 (READ-ONLY COPY).

The authoritative reference and input builder live on the scoring server;
editing this copy changes nothing except your own understanding.
"""

import math
import jax, jax.numpy as jnp
import numpy as np

FACTOR = 5
MASK_FLAG = True
OUTPUT_ATTENTION = False

B, L, H, D = 1, 2048, 16, 64


def setup_inputs(seed: int = 0) -> dict:
    key = jax.random.key(seed)
    k1, k2, k3 = jax.random.split(key, 3)
    queries = jax.random.normal(k1, (B, L, H, D), dtype=jnp.float32)
    keys = jax.random.normal(k2, (B, L, H, D), dtype=jnp.float32)
    values = jax.random.normal(k3, (B, L, H, D), dtype=jnp.float32)
    return {"queries": queries, "keys": keys, "values": values}


def _prob_QK(Q, K, sample_k, n_top, rng_key):
    # Q, K: [B, H, L, D]
    Bq, Hq, L_Q, Dq = Q.shape
    L_K = K.shape[2]
    # torch.randint(L_K, (L_Q, sample_k)) -> fixed-key jax equivalent
    index_sample = jax.random.randint(rng_key, (L_Q, sample_k), 0, L_K)
    # K_expand[:, :, arange(L_Q)[:,None], index_sample, :] == K[:, :, index_sample, :]
    K_sample = K[:, :, index_sample, :]  # [B, H, L_Q, sample_k, D]
    # matmul(Q.unsqueeze(3), K_sample.transpose(3,4)).squeeze(3)
    Q_K_sample = jnp.einsum('bhqd,bhqsd->bhqs', Q, K_sample)  # [B,H,L_Q,sample_k]
    M = Q_K_sample.max(axis=-1) - Q_K_sample.sum(axis=-1) / L_K  # [B,H,L_Q]
    _, M_top = jax.lax.top_k(M, n_top)  # indices [B,H,n_top]
    Q_reduce = jnp.take_along_axis(Q, M_top[..., None], axis=2)  # [B,H,n_top,D]
    # NOTE: this (buggy) variant returns (Q_reduce, K^T) instead of (scores, M_top)
    return Q_reduce, jnp.swapaxes(K, 2, 3)


def _get_initial_context(values, L_Q):
    Bv, Hv, L_V, Dv = values.shape
    if not MASK_FLAG:
        return jnp.broadcast_to(values.mean(axis=2, keepdims=True), (Bv, Hv, L_Q, Dv))
    return jnp.zeros((Bv, Hv, L_Q, Dv), dtype=values.dtype)


def _update_context(context_in, values, scores, index, L_Q):
    Bv, Hv, L_V, Dv = values.shape
    if index.ndim == 4:
        index = index[:, :, :, 0]  # float K[:, :, 0, :] -> [B,H,D]
    index = index.astype(jnp.int32)  # torch .long() truncates toward zero, same as astype
    u = index.shape[-1]
    min_len = min(scores.shape[-1], L_V)
    scores = scores[..., :min_len]
    values = values[..., :min_len, :]
    # torch.no_grad() around softmax -> stop_gradient
    attn = jax.lax.stop_gradient(jax.nn.softmax(scores, axis=-1))
    context_update = jnp.einsum('bhuv,bhvd->bhud', attn, values)
    current_u = context_update.shape[2]
    if current_u != u:
        if current_u < u:
            pad = jnp.zeros((Bv, Hv, u - current_u, Dv), dtype=context_update.dtype)
            context_update = jnp.concatenate([context_update, pad], axis=2)
        else:
            context_update = context_update[:, :, :u, :]
    b_idx = jnp.arange(Bv).reshape(Bv, 1, 1)
    h_idx = jnp.arange(Hv).reshape(1, Hv, 1)
    max_idx = context_in.shape[2] - 1
    index = jnp.clip(index, 0, max_idx)
    context_in = context_in.at[b_idx, h_idx, index].set(context_update)
    return context_in, (attn if OUTPUT_ATTENTION else None)


def reference(queries, keys, values):
    Bq, L_Q, Hq, Dq = queries.shape
    L_K = keys.shape[1]
    q = jnp.swapaxes(queries, 1, 2)
    k = jnp.swapaxes(keys, 1, 2)
    v = jnp.swapaxes(values, 1, 2)
    U_part = min(FACTOR * math.ceil(math.log(L_K)), L_K)
    u = min(FACTOR * math.ceil(math.log(L_Q)), L_Q)
    scores_top, index = _prob_QK(q, k, U_part, u, jax.random.key(42))
    context = _get_initial_context(v, L_Q)
    context, attn = _update_context(context, v, scores_top, index, L_Q)
    return jnp.swapaxes(context, 1, 2)

if __name__ == "__main__":
    import jax
    _d = setup_inputs()
    print(jax.jit(kernel)(*tuple(_d.values())))

</pallas_src>

<mosaic_0001>
#map = affine_map<(d0, d1) -> (0, 0, 0)>
#map1 = affine_map<(d0, d1) -> (0, 0)>
module attributes {stable_mosaic.version = 14 : i64} {
  func.func @_sc_scatter_body(%arg0: i32, %arg1: i32, %arg2: memref<16x64x128xf32, #tpu.memory_space<hbm>>, %arg3: memref<16x64xi32, #tpu.memory_space<hbm>>, %arg4: memref<256x128xf32, #tpu.memory_space<hbm>>, %arg5: memref<32768x128xf32, #tpu.memory_space<hbm>>, %arg6: memref<64x128xf32, #tpu.memory_space<vmem>>, %arg7: memref<64xi32, #tpu.memory_space<vmem>>, %arg8: memref<256x128xf32, #tpu.memory_space<vmem>>, %arg9: memref<!tpu.dma_semaphore, #tpu.memory_space<semaphore_mem>>, %arg10: memref<!tpu.dma_semaphore, #tpu.memory_space<semaphore_mem>>) attributes {dimension_semantics = [#tpu.dimension_semantics<core_parallel>, #tpu.dimension_semantics<subcore_parallel>], iteration_bounds = array<i64: 2, 16>, scalar_prefetch = 0 : i64, scratch_operands = 5 : i64, tpu.core_type = #tpu.core_type<sc_vector_subcore>, window_params = [{transform_indices = #map}, {transform_indices = #map1}, {transform_indices = #map1}, {transform_indices = #map1}]} {
    %mul3A = arith.constant 2 : i32
    %mul3A_0 = arith.muli %arg1, %mul3A : i32
    %add3A = arith.addi %mul3A_0, %arg0 : i32
    %lt3A = arith.constant 16 : i32
    %lt3A_1 = arith.cmpi slt, %add3A, %lt3A : i32
    %convert_element_type3A = arith.extui %lt3A_1 : i1 to i32
    %cond3A = arith.constant 0 : i32
    %cond3A_2 = arith.cmpi ne, %convert_element_type3A, %cond3A : i32
    scf.if %cond3A_2 {
      "tpu.region"() ({
        %run_scoped3A = tpu.sem_alloc : memref<!tpu.dma_semaphore, #tpu.memory_space<semaphore_mem>>
        tpu.enqueue_dma source(%arg4 : memref<256x128xf32, #tpu.memory_space<hbm>>) target(%arg8 : memref<256x128xf32, #tpu.memory_space<vmem>>) target_semaphore(%run_scoped3A : memref<!tpu.dma_semaphore, #tpu.memory_space<semaphore_mem>>)
        tpu.wait_dma2 semaphore(%run_scoped3A : memref<!tpu.dma_semaphore, #tpu.memory_space<semaphore_mem>>) src(%arg4 : memref<256x128xf32, #tpu.memory_space<hbm>>) dst(%arg8 : memref<256x128xf32, #tpu.memory_space<vmem>>)
        tpu.yield
      }) : () -> ()
      "tpu.region"() ({
        %run_scoped3A = tpu.sem_alloc : memref<!tpu.dma_semaphore, #tpu.memory_space<semaphore_mem>>
        %dma_start3A_103 = arith.constant 0 : i32
        %dma_start3A_104 = arith.constant 0 : i32
        %dma_start3A_105 = tpu.memref_slice %arg2[%add3A, %dma_start3A_103, %dma_start3A_104] : memref<16x64x128xf32, #tpu.memory_space<hbm>> -> memref<1x64x128xf32, #tpu.memory_space<hbm>>
        %dma_start3A_106 = tpu.memref_squeeze %dma_start3A_105 : memref<1x64x128xf32, #tpu.memory_space<hbm>> -> memref<64x128xf32, #tpu.memory_space<hbm>>
        %dma_start3A_107 = arith.constant 0 : i32
        %dma_start3A_108 = arith.constant 0 : i32
        %dma_start3A_109 = tpu.memref_slice %arg2[%add3A, %dma_start3A_107, %dma_start3A_108] : memref<16x64x128xf32, #tpu.memory_space<hbm>> -> memref<1x64x128xf32, #tpu.memory_space<hbm>>
        %dma_start3A_110 = tpu.memref_squeeze %dma_start3A_109 : memref<1x64x128xf32, #tpu.memory_space<hbm>> -> memref<64x128xf32, #tpu.memory_space<hbm>>
        tpu.enqueue_dma source(%dma_start3A_110 : memref<64x128xf32, #tpu.memory_space<hbm>>) target(%arg6 : memref<64x128xf32, #tpu.memory_space<vmem>>) target_semaphore(%run_scoped3A : memref<!tpu.dma_semaphore, #tpu.memory_space<semaphore_mem>>)
        %dma_wait3A_111 = arith.constant 0 : i32
        %dma_wait3A_112 = arith.constant 0 : i32
        %dma_wait3A_113 = tpu.memref_slice %arg2[%add3A, %dma_wait3A_111, %dma_wait3A_112] : memref<16x64x128xf32, #tpu.memory_space<hbm>> -> memref<1x64x128xf32, #tpu.memory_space<hbm>>
        %dma_wait3A_114 = tpu.memref_squeeze %dma_wait3A_113 : memref<1x64x128xf32, #tpu.memory_space<hbm>> -> memref<64x128xf32, #tpu.memory_space<hbm>>
        %dma_wait3A_115 = arith.constant 0 : i32
        %dma_wait3A_116 = arith.constant 0 : i32
        %dma_wait3A_117 = tpu.memref_slice %arg2[%add3A, %dma_wait3A_115, %dma_wait3A_116] : memref<16x64x128xf32, #tpu.memory_space<hbm>> -> memref<1x64x128xf32, #tpu.memory_space<hbm>>
        %dma_wait3A_118 = tpu.memref_squeeze %dma_wait3A_117 : memref<1x64x128xf32, #tpu.memory_space<hbm>> -> memref<64x128xf32, #tpu.memory_space<hbm>>
        tpu.wait_dma2 semaphore(%run_scoped3A : memref<!tpu.dma_semaphore, #tpu.memory_space<semaphore_mem>>) src(%dma_wait3A_118 : memref<64x128xf32, #tpu.memory_space<hbm>>) dst(%arg6 : memref<64x128xf32, #tpu.memory_space<vmem>>)
        tpu.yield
      }) : () -> ()
      "tpu.region"() ({
        %run_scoped3A = tpu.sem_alloc : memref<!tpu.dma_semaphore, #tpu.memory_space<semaphore_mem>>
        %dma_start3A_103 = arith.constant 0 : i32
        %dma_start3A_104 = tpu.memref_slice %arg3[%add3A, %dma_start3A_103] : memref<16x64xi32, #tpu.memory_space<hbm>> -> memref<1x64xi32, #tpu.memory_space<hbm>>
        %dma_start3A_105 = tpu.memref_squeeze %dma_start3A_104 : memref<1x64xi32, #tpu.memory_space<hbm>> -> memref<64xi32, #tpu.memory_space<hbm>>
        %dma_start3A_106 = arith.constant 0 : i32
        %dma_start3A_107 = tpu.memref_slice %arg3[%add3A, %dma_start3A_106] : memref<16x64xi32, #tpu.memory_space<hbm>> -> memref<1x64xi32, #tpu.memory_space<hbm>>
        %dma_start3A_108 = tpu.memref_squeeze %dma_start3A_107 : memref<1x64xi32, #tpu.memory_space<hbm>> -> memref<64xi32, #tpu.memory_space<hbm>>
        tpu.enqueue_dma source(%dma_start3A_108 : memref<64xi32, #tpu.memory_space<hbm>>) target(%arg7 : memref<64xi32, #tpu.memory_space<vmem>>) target_semaphore(%run_scoped3A : memref<!tpu.dma_semaphore, #tpu.memory_space<semaphore_mem>>)
        %dma_wait3A_109 = arith.constant 0 : i32
        %dma_wait3A_110 = tpu.memref_slice %arg3[%add3A, %dma_wait3A_109] : memref<16x64xi32, #tpu.memory_space<hbm>> -> memref<1x64xi32, #tpu.memory_space<hbm>>
        %dma_wait3A_111 = tpu.memref_squeeze %dma_wait3A_110 : memref<1x64xi32, #tpu.memory_space<hbm>> -> memref<64xi32, #tpu.memory_space<hbm>>
        %dma_wait3A_112 = arith.constant 0 : i32
        %dma_wait3A_113 = tpu.memref_slice %arg3[%add3A, %dma_wait3A_112] : memref<16x64xi32, #tpu.memory_space<hbm>> -> memref<1x64xi32, #tpu.memory_space<hbm>>
        %dma_wait3A_114 = tpu.memref_squeeze %dma_wait3A_113 : memref<1x64xi32, #tpu.memory_space<hbm>> -> memref<64xi32, #tpu.memory_space<hbm>>
        tpu.wait_dma2 semaphore(%run_scoped3A : memref<!tpu.dma_semaphore, #tpu.memory_space<semaphore_mem>>) src(%dma_wait3A_114 : memref<64xi32, #tpu.memory_space<hbm>>) dst(%arg7 : memref<64xi32, #tpu.memory_space<vmem>>)
        tpu.yield
      }) : () -> ()
      %mul3A_3 = arith.constant 2048 : i32
      %mul3A_4 = arith.muli %add3A, %mul3A_3 : i32
      %add3A_5 = arith.constant 0 : i32
      %add3A_6 = arith.addi %mul3A_4, %add3A_5 : i32
      %dma_start3A = arith.constant 0 : i32
      %dma_start3A_7 = tpu.memref_slice %arg5[%add3A_6, %dma_start3A] : memref<32768x128xf32, #tpu.memory_space<hbm>> -> memref<256x128xf32, #tpu.memory_space<hbm>>
      %dma_start3A_8 = arith.constant 0 : i32
      %dma_start3A_9 = tpu.memref_slice %arg5[%add3A_6, %dma_start3A_8] : memref<32768x128xf32, #tpu.memory_space<hbm>> -> memref<256x128xf32, #tpu.memory_space<hbm>>
      tpu.enqueue_dma source(%arg8 : memref<256x128xf32, #tpu.memory_space<vmem>>) target(%dma_start3A_9 : memref<256x128xf32, #tpu.memory_space<hbm>>) target_semaphore(%arg9 : memref<!tpu.dma_semaphore, #tpu.memory_space<semaphore_mem>>)
      %mul3A_10 = arith.constant 2048 : i32
      %mul3A_11 = arith.muli %add3A, %mul3A_10 : i32
      %add3A_12 = arith.constant 256 : i32
      %add3A_13 = arith.addi %mul3A_11, %add3A_12 : i32
      %dma_start3A_14 = arith.constant 0 : i32
      %dma_start3A_15 = tpu.memref_slice %arg5[%add3A_13, %dma_start3A_14] : memref<32768x128xf32, #tpu.memory_space<hbm>> -> memref<256x128xf32, #tpu.memory_space<hbm>>
      %dma_start3A_16 = arith.constant 0 : i32
      %dma_start3A_17 = tpu.memref_slice %arg5[%add3A_13, %dma_start3A_16] : memref<32768x128xf32, #tpu.memory_space<hbm>> -> memref<256x128xf32, #tpu.memory_space<hbm>>
      tpu.enqueue_dma source(%arg8 : memref<256x128xf32, #tpu.memory_space<vmem>>) target(%dma_start3A_17 : memref<256x128xf32, #tpu.memory_space<hbm>>) target_semaphore(%arg9 : memref<!tpu.dma_semaphore, #tpu.memory_space<semaphore_mem>>)
      %mul3A_18 = arith.constant 2048 : i32
      %mul3A_19 = arith.muli %add3A, %mul3A_18 : i32
      %add3A_20 = arith.constant 512 : i32
      %add3A_21 = arith.addi %mul3A_19, %add3A_20 : i32
      %dma_start3A_22 = arith.constant 0 : i32
      %dma_start3A_23 = tpu.memref_slice %arg5[%add3A_21, %dma_start3A_22] : memref<32768x128xf32, #tpu.memory_space<hbm>> -> memref<256x128xf32, #tpu.memory_space<hbm>>
      %dma_start3A_24 = arith.constant 0 : i32
      %dma_start3A_25 = tpu.memref_slice %arg5[%add3A_21, %dma_start3A_24] : memref<32768x128xf32, #tpu.memory_space<hbm>> -> memref<256x128xf32, #tpu.memory_space<hbm>>
      tpu.enqueue_dma source(%arg8 : memref<256x128xf32, #tpu.memory_space<vmem>>) target(%dma_start3A_25 : memref<256x128xf32, #tpu.memory_space<hbm>>) target_semaphore(%arg9 : memref<!tpu.dma_semaphore, #tpu.memory_space<semaphore_mem>>)
      %mul3A_26 = arith.constant 2048 : i32
      %mul3A_27 = arith.muli %add3A, %mul3A_26 : i32
      %add3A_28 = arith.constant 768 : i32
      %add3A_29 = arith.addi %mul3A_27, %add3A_28 : i32
      %dma_start3A_30 = arith.constant 0 : i32
      %dma_start3A_31 = tpu.memref_slice %arg5[%add3A_29, %dma_start3A_30] : memref<32768x128xf32, #tpu.memory_space<hbm>> -> memref<256x128xf32, #tpu.memory_space<hbm>>
      %dma_start3A_32 = arith.constant 0 : i32
      %dma_start3A_33 = tpu.memref_slice %arg5[%add3A_29, %dma_start3A_32] : memref<32768x128xf32, #tpu.memory_space<hbm>> -> memref<256x128xf32, #tpu.memory_space<hbm>>
      tpu.enqueue_dma source(%arg8 : memref<256x128xf32, #tpu.memory_space<vmem>>) target(%dma_start3A_33 : memref<256x128xf32, #tpu.memory_space<hbm>>) target_semaphore(%arg9 : memref<!tpu.dma_semaphore, #tpu.memory_space<semaphore_mem>>)
      %mul3A_34 = arith.constant 2048 : i32
      %mul3A_35 = arith.muli %add3A, %mul3A_34 : i32
      %add3A_36 = arith.constant 1024 : i32
      %add3A_37 = arith.addi %mul3A_35, %add3A_36 : i32
      %dma_start3A_38 = arith.constant 0 : i32
      %dma_start3A_39 = tpu.memref_slice %arg5[%add3A_37, %dma_start3A_38] : memref<32768x128xf32, #tpu.memory_space<hbm>> -> memref<256x128xf32, #tpu.memory_space<hbm>>
      %dma_start3A_40 = arith.constant 0 : i32
      %dma_start3A_41 = tpu.memref_slice %arg5[%add3A_37, %dma_start3A_40] : memref<32768x128xf32, #tpu.memory_space<hbm>> -> memref<256x128xf32, #tpu.memory_space<hbm>>
      tpu.enqueue_dma source(%arg8 : memref<256x128xf32, #tpu.memory_space<vmem>>) target(%dma_start3A_41 : memref<256x128xf32, #tpu.memory_space<hbm>>) target_semaphore(%arg9 : memref<!tpu.dma_semaphore, #tpu.memory_space<semaphore_mem>>)
      %mul3A_42 = arith.constant 2048 : i32
      %mul3A_43 = arith.muli %add3A, %mul3A_42 : i32
      %add3A_44 = arith.constant 1280 : i32
      %add3A_45 = arith.addi %mul3A_43, %add3A_44 : i32
      %dma_start3A_46 = arith.constant 0 : i32
      %dma_start3A_47 = tpu.memref_slice %arg5[%add3A_45, %dma_start3A_46] : memref<32768x128xf32, #tpu.memory_space<hbm>> -> memref<256x128xf32, #tpu.memory_space<hbm>>
      %dma_start3A_48 = arith.constant 0 : i32
      %dma_start3A_49 = tpu.memref_slice %arg5[%add3A_45, %dma_start3A_48] : memref<32768x128xf32, #tpu.memory_space<hbm>> -> memref<256x128xf32, #tpu.memory_space<hbm>>
      tpu.enqueue_dma source(%arg8 : memref<256x128xf32, #tpu.memory_space<vmem>>) target(%dma_start3A_49 : memref<256x128xf32, #tpu.memory_space<hbm>>) target_semaphore(%arg9 : memref<!tpu.dma_semaphore, #tpu.memory_space<semaphore_mem>>)
      %mul3A_50 = arith.constant 2048 : i32
      %mul3A_51 = arith.muli %add3A, %mul3A_50 : i32
      %add3A_52 = arith.constant 1536 : i32
      %add3A_53 = arith.addi %mul3A_51, %add3A_52 : i32
      %dma_start3A_54 = arith.constant 0 : i32
      %dma_start3A_55 = tpu.memref_slice %arg5[%add3A_53, %dma_start3A_54] : memref<32768x128xf32, #tpu.memory_space<hbm>> -> memref<256x128xf32, #tpu.memory_space<hbm>>
      %dma_start3A_56 = arith.constant 0 : i32
      %dma_start3A_57 = tpu.memref_slice %arg5[%add3A_53, %dma_start3A_56] : memref<32768x128xf32, #tpu.memory_space<hbm>> -> memref<256x128xf32, #tpu.memory_space<hbm>>
      tpu.enqueue_dma source(%arg8 : memref<256x128xf32, #tpu.memory_space<vmem>>) target(%dma_start3A_57 : memref<256x128xf32, #tpu.memory_space<hbm>>) target_semaphore(%arg9 : memref<!tpu.dma_semaphore, #tpu.memory_space<semaphore_mem>>)
      %mul3A_58 = arith.constant 2048 : i32
      %mul3A_59 = arith.muli %add3A, %mul3A_58 : i32
      %add3A_60 = arith.constant 1792 : i32
      %add3A_61 = arith.addi %mul3A_59, %add3A_60 : i32
      %dma_start3A_62 = arith.constant 0 : i32
      %dma_start3A_63 = tpu.memref_slice %arg5[%add3A_61, %dma_start3A_62] : memref<32768x128xf32, #tpu.memory_space<hbm>> -> memref<256x128xf32, #tpu.memory_space<hbm>>
      %dma_start3A_64 = arith.constant 0 : i32
      %dma_start3A_65 = tpu.memref_slice %arg5[%add3A_61, %dma_start3A_64] : memref<32768x128xf32, #tpu.memory_space<hbm>> -> memref<256x128xf32, #tpu.memory_space<hbm>>
      tpu.enqueue_dma source(%arg8 : memref<256x128xf32, #tpu.memory_space<vmem>>) target(%dma_start3A_65 : memref<256x128xf32, #tpu.memory_space<hbm>>) target_semaphore(%arg9 : memref<!tpu.dma_semaphore, #tpu.memory_space<semaphore_mem>>)
      %dma_wait3A = arith.constant 0 : i32
      %dma_wait3A_66 = tpu.memref_slice %arg5[%add3A_6, %dma_wait3A] : memref<32768x128xf32, #tpu.memory_space<hbm>> -> memref<256x128xf32, #tpu.memory_space<hbm>>
      %dma_wait3A_67 = arith.constant 0 : i32
      %dma_wait3A_68 = tpu.memref_slice %arg5[%add3A_6, %dma_wait3A_67] : memref<32768x128xf32, #tpu.memory_space<hbm>> -> memref<256x128xf32, #tpu.memory_space<hbm>>
      tpu.wait_dma2 semaphore(%arg9 : memref<!tpu.dma_semaphore, #tpu.memory_space<semaphore_mem>>) src(%arg8 : memref<256x128xf32, #tpu.memory_space<vmem>>) dst(%dma_wait3A_68 : memref<256x128xf32, #tpu.memory_space<hbm>>)
      %dma_wait3A_69 = arith.constant 0 : i32
      %dma_wait3A_70 = tpu.memref_slice %arg5[%add3A_13, %dma_wait3A_69] : memref<32768x128xf32, #tpu.memory_space<hbm>> -> memref<256x128xf32, #tpu.memory_space<hbm>>
      %dma_wait3A_71 = arith.constant 0 : i32
      %dma_wait3A_72 = tpu.memref_slice %arg5[%add3A_13, %dma_wait3A_71] : memref<32768x128xf32, #tpu.memory_space<hbm>> -> memref<256x128xf32, #tpu.memory_space<hbm>>
      tpu.wait_dma2 semaphore(%arg9 : memref<!tpu.dma_semaphore, #tpu.memory_space<semaphore_mem>>) src(%arg8 : memref<256x128xf32, #tpu.memory_space<vmem>>) dst(%dma_wait3A_72 : memref<256x128xf32, #tpu.memory_space<hbm>>)
      %dma_wait3A_73 = arith.constant 0 : i32
      %dma_wait3A_74 = tpu.memref_slice %arg5[%add3A_21, %dma_wait3A_73] : memref<32768x128xf32, #tpu.memory_space<hbm>> -> memref<256x128xf32, #tpu.memory_space<hbm>>
      %dma_wait3A_75 = arith.constant 0 : i32
      %dma_wait3A_76 = tpu.memref_slice %arg5[%add3A_21, %dma_wait3A_75] : memref<32768x128xf32, #tpu.memory_space<hbm>> -> memref<256x128xf32, #tpu.memory_space<hbm>>
      tpu.wait_dma2 semaphore(%arg9 : memref<!tpu.dma_semaphore, #tpu.memory_space<semaphore_mem>>) src(%arg8 : memref<256x128xf32, #tpu.memory_space<vmem>>) dst(%dma_wait3A_76 : memref<256x128xf32, #tpu.memory_space<hbm>>)
      %dma_wait3A_77 = arith.constant 0 : i32
      %dma_wait3A_78 = tpu.memref_slice %arg5[%add3A_29, %dma_wait3A_77] : memref<32768x128xf32, #tpu.memory_space<hbm>> -> memref<256x128xf32, #tpu.memory_space<hbm>>
      %dma_wait3A_79 = arith.constant 0 : i32
      %dma_wait3A_80 = tpu.memref_slice %arg5[%add3A_29, %dma_wait3A_79] : memref<32768x128xf32, #tpu.memory_space<hbm>> -> memref<256x128xf32, #tpu.memory_space<hbm>>
      tpu.wait_dma2 semaphore(%arg9 : memref<!tpu.dma_semaphore, #tpu.memory_space<semaphore_mem>>) src(%arg8 : memref<256x128xf32, #tpu.memory_space<vmem>>) dst(%dma_wait3A_80 : memref<256x128xf32, #tpu.memory_space<hbm>>)
      %dma_wait3A_81 = arith.constant 0 : i32
      %dma_wait3A_82 = tpu.memref_slice %arg5[%add3A_37, %dma_wait3A_81] : memref<32768x128xf32, #tpu.memory_space<hbm>> -> memref<256x128xf32, #tpu.memory_space<hbm>>
      %dma_wait3A_83 = arith.constant 0 : i32
      %dma_wait3A_84 = tpu.memref_slice %arg5[%add3A_37, %dma_wait3A_83] : memref<32768x128xf32, #tpu.memory_space<hbm>> -> memref<256x128xf32, #tpu.memory_space<hbm>>
      tpu.wait_dma2 semaphore(%arg9 : memref<!tpu.dma_semaphore, #tpu.memory_space<semaphore_mem>>) src(%arg8 : memref<256x128xf32, #tpu.memory_space<vmem>>) dst(%dma_wait3A_84 : memref<256x128xf32, #tpu.memory_space<hbm>>)
      %dma_wait3A_85 = arith.constant 0 : i32
      %dma_wait3A_86 = tpu.memref_slice %arg5[%add3A_45, %dma_wait3A_85] : memref<32768x128xf32, #tpu.memory_space<hbm>> -> memref<256x128xf32, #tpu.memory_space<hbm>>
      %dma_wait3A_87 = arith.constant 0 : i32
      %dma_wait3A_88 = tpu.memref_slice %arg5[%add3A_45, %dma_wait3A_87] : memref<32768x128xf32, #tpu.memory_space<hbm>> -> memref<256x128xf32, #tpu.memory_space<hbm>>
      tpu.wait_dma2 semaphore(%arg9 : memref<!tpu.dma_semaphore, #tpu.memory_space<semaphore_mem>>) src(%arg8 : memref<256x128xf32, #tpu.memory_space<vmem>>) dst(%dma_wait3A_88 : memref<256x128xf32, #tpu.memory_space<hbm>>)
      %dma_wait3A_89 = arith.constant 0 : i32
      %dma_wait3A_90 = tpu.memref_slice %arg5[%add3A_53, %dma_wait3A_89] : memref<32768x128xf32, #tpu.memory_space<hbm>> -> memref<256x128xf32, #tpu.memory_space<hbm>>
      %dma_wait3A_91 = arith.constant 0 : i32
      %dma_wait3A_92 = tpu.memref_slice %arg5[%add3A_53, %dma_wait3A_91] : memref<32768x128xf32, #tpu.memory_space<hbm>> -> memref<256x128xf32, #tpu.memory_space<hbm>>
      tpu.wait_dma2 semaphore(%arg9 : memref<!tpu.dma_semaphore, #tpu.memory_space<semaphore_mem>>) src(%arg8 : memref<256x128xf32, #tpu.memory_space<vmem>>) dst(%dma_wait3A_92 : memref<256x128xf32, #tpu.memory_space<hbm>>)
      %dma_wait3A_93 = arith.constant 0 : i32
      %dma_wait3A_94 = tpu.memref_slice %arg5[%add3A_61, %dma_wait3A_93] : memref<32768x128xf32, #tpu.memory_space<hbm>> -> memref<256x128xf32, #tpu.memory_space<hbm>>
      %dma_wait3A_95 = arith.constant 0 : i32
      %dma_wait3A_96 = tpu.memref_slice %arg5[%add3A_61, %dma_wait3A_95] : memref<32768x128xf32, #tpu.memory_space<hbm>> -> memref<256x128xf32, #tpu.memory_space<hbm>>
      tpu.wait_dma2 semaphore(%arg9 : memref<!tpu.dma_semaphore, #tpu.memory_space<semaphore_mem>>) src(%arg8 : memref<256x128xf32, #tpu.memory_space<vmem>>) dst(%dma_wait3A_96 : memref<256x128xf32, #tpu.memory_space<hbm>>)
      %dma_start3A_97 = arith.constant 0 : i32
      %dma_start3A_98 = arith.constant 0 : i32
      %dma_start3A_99 = tpu.memref_slice %arg5[%dma_start3A_97, %dma_start3A_98] : memref<32768x128xf32, #tpu.memory_space<hbm>> -> memref<32768x128xf32, #tpu.memory_space<hbm>>
      tpu.enqueue_indirect_dma source(%arg6 : memref<64x128xf32, #tpu.memory_space<vmem>>) target(%dma_start3A_99 : memref<32768x128xf32, #tpu.memory_space<hbm>>) offsets(%arg7 : memref<64xi32, #tpu.memory_space<vmem>>) semaphore(%arg10 : memref<!tpu.dma_semaphore, #tpu.memory_space<semaphore_mem>>)
      %dma_wait3A_100 = arith.constant 0 : i32
      %dma_wait3A_101 = arith.constant 0 : i32
      %dma_wait3A_102 = tpu.memref_slice %arg5[%dma_wait3A_100, %dma_wait3A_101] : memref<32768x128xf32, #tpu.memory_space<hbm>> -> memref<32768x128xf32, #tpu.memory_space<hbm>>
      tpu.wait_indirect_dma semaphore(%arg10 : memref<!tpu.dma_semaphore, #tpu.memory_space<semaphore_mem>>) src(%arg6 : memref<64x128xf32, #tpu.memory_space<vmem>>) dst(%dma_wait3A_102 : memref<32768x128xf32, #tpu.memory_space<hbm>>)
    } else {
    }
    return
  }
}

module attributes {stable_mosaic.version = 14 : i64} {
  func.func @_saliency_kernel(%arg0: i32, %arg1: i32, %arg2: memref<1x1024x64xf32, #tpu.memory_space<vmem>>, %arg3: memref<1x2048x64xf32, #tpu.memory_space<vmem>>, %arg4: memref<1024x2048xf32, #tpu.memory_space<vmem>>, %arg5: memref<1x1x1024xf32, #tpu.memory_space<vmem>>) attributes {dimension_semantics = [#tpu.dimension_semantics<arbitrary>, #tpu.dimension_semantics<arbitrary>], iteration_bounds = array<i64: 2, 16>, scalar_prefetch = 0 : i64, scratch_operands = 0 : i64, tpu.core_type = #tpu.core_type<tc>, window_params = [{transform_indices = @transform_0, window_bounds = array<i64: 1, 1024, 64>}, {transform_indices = @transform_1, window_bounds = array<i64: 1, 2048, 64>}, {transform_indices = @transform_2, window_bounds = array<i64: 1024, 2048>}, {transform_indices = @transform_3, window_bounds = array<i64: 1, 1, 1024>}]} {
    %get3A = arith.constant 0 : index
    %get3A_0 = arith.constant 0 : index
    %get3A_1 = arith.constant 0 : index
    %get3A_2 = vector.load %arg2[%get3A, %get3A_0, %get3A_1] : memref<1x1024x64xf32, #tpu.memory_space<vmem>>, vector<1x1024x64xf32>
    %get3A_3 = vector.shape_cast %get3A_2 : vector<1x1024x64xf32> to vector<1024x64xf32>
    %get3A_4 = arith.constant 0 : index
    %get3A_5 = arith.constant 0 : index
    %get3A_6 = arith.constant 0 : index
    %get3A_7 = vector.load %arg3[%get3A_4, %get3A_5, %get3A_6] : memref<1x2048x64xf32, #tpu.memory_space<vmem>>, vector<1x2048x64xf32>
    %get3A_8 = vector.shape_cast %get3A_7 : vector<1x2048x64xf32> to vector<2048x64xf32>
    %dot_general3A = arith.constant dense<0.000000e+00> : vector<1024x2048xf32>
    %dot_general3A_9 = tpu.matmul %get3A_3, %get3A_8, %dot_general3A {dimension_numbers = #tpu.dot_dimension_numbers<[1], [1], [0], [0], [0, 0, 1, 0], [], []>, transpose_lhs_hint = false} : vector<1024x64xf32>, vector<2048x64xf32>, vector<1024x2048xf32> -> vector<1024x2048xf32>
    %get3A_10 = arith.constant 0 : index
    %get3A_11 = arith.constant 0 : index
    %get3A_12 = vector.load %arg4[%get3A_10, %get3A_11] : memref<1024x2048xf32, #tpu.memory_space<vmem>>, vector<1024x2048xf32>
    %gt3A = arith.constant 0.000000e+00 : f32
    %gt3A_13 = vector.broadcast %gt3A : f32 to vector<1024x2048xf32>
    %gt3A_14 = arith.cmpf ogt, %get3A_12, %gt3A_13 : vector<1024x2048xf32>
    %jit3A = arith.constant -1.000000e+30 : f32
    %broadcast_in_dim3A = vector.broadcast %jit3A : f32 to vector<1024x2048xf32>
    %select_n3A = arith.select %gt3A_14, %dot_general3A_9, %broadcast_in_dim3A : vector<1024x2048xi1>, vector<1024x2048xf32>
    %reduce_max3A = arith.constant dense<0xFF800000> : vector<1024xf32>
    %reduce_max3A_15 = vector.multi_reduction <maximumf>, %select_n3A, %reduce_max3A [1] : vector<1024x2048xf32> to vector<1024xf32>
    %mul3A = arith.mulf %dot_general3A_9, %get3A_12 : vector<1024x2048xf32>
    %reduce_sum3A = arith.constant dense<0.000000e+00> : vector<1024xf32>
    %reduce_sum3A_16 = vector.multi_reduction <add>, %mul3A, %reduce_sum3A [1] : vector<1024x2048xf32> to vector<1024xf32>
    %div3A = arith.constant 2.048000e+03 : f32
    %div3A_17 = vector.broadcast %div3A : f32 to vector<1024xf32>
    %div3A_18 = arith.divf %reduce_sum3A_16, %div3A_17 : vector<1024xf32>
    %sub3A = arith.subf %reduce_max3A_15, %div3A_18 : vector<1024xf32>
    %swap3A = arith.constant 0 : index
    %swap3A_19 = arith.constant 0 : index
    %swap3A_20 = arith.constant 0 : index
    %swap3A_21 = vector.load %arg5[%swap3A, %swap3A_19, %swap3A_20] : memref<1x1x1024xf32, #tpu.memory_space<vmem>>, vector<1x1x1024xf32>
    %swap3A_22 = vector.shape_cast %swap3A_21 : vector<1x1x1024xf32> to vector<1024xf32>
    %swap3A_23 = vector.shape_cast %sub3A : vector<1024xf32> to vector<1x1x1024xf32>
    tpu.vector_store %arg5[%swap3A, %swap3A_19, %swap3A_20], %swap3A_23 {strides = array<i32>} : memref<1x1x1024xf32, #tpu.memory_space<vmem>>, vector<1x1x1024xf32>,
    return
  }
  func.func @transform_0(%arg0: i32, %arg1: i32) -> (i32, i32, i32) {
    %c0_i32 = arith.constant 0 : i32
    %c0_i32_0 = arith.constant 0 : i32
    return %arg1, %arg0, %c0_i32 : i32, i32, i32
  }
  func.func @transform_1(%arg0: i32, %arg1: i32) -> (i32, i32, i32) {
    %c0_i32 = arith.constant 0 : i32
    %c0_i32_0 = arith.constant 0 : i32
    %c0_i32_1 = arith.constant 0 : i32
    return %arg1, %c0_i32, %c0_i32_0 : i32, i32, i32
  }
  func.func @transform_2(%arg0: i32, %arg1: i32) -> (i32, i32) {
    %c0_i32 = arith.constant 0 : i32
    %c0_i32_0 = arith.constant 0 : i32
    return %arg0, %c0_i32 : i32, i32
  }
  func.func @transform_3(%arg0: i32, %arg1: i32) -> (i32, i32, i32) {
    %mul3A = arith.constant 2 : i32
    %mul3A_0 = arith.muli %arg1, %mul3A : i32
    %add3A = arith.addi %mul3A_0, %arg0 : i32
    %c0_i32 = arith.constant 0 : i32
    %c0_i32_1 = arith.constant 0 : i32
    %c0_i32_2 = arith.constant 0 : i32
    return %add3A, %c0_i32, %c0_i32_1 : i32, i32, i32
  }
}

module attributes {stable_mosaic.version = 14 : i64} {
  func.func @_context_kernel(%arg0: i32, %arg1: memref<16x2048xf32, #tpu.memory_space<vmem>>, %arg2: memref<16x2048x64xf32, #tpu.memory_space<vmem>>, %arg3: memref<16x64xf32, #tpu.memory_space<vmem>>, %arg4: memref<16x64x64xf32, #tpu.memory_space<vmem>>, %arg5: memref<16x64x128xf32, #tpu.memory_space<vmem>>, %arg6: memref<16x64xi32, #tpu.memory_space<vmem>>, %arg7: memref<16x40x2048xf32, #tpu.memory_space<vmem>>) attributes {dimension_semantics = [#tpu.dimension_semantics<arbitrary>], iteration_bounds = array<i64: 1>, scalar_prefetch = 0 : i64, scratch_operands = 1 : i64, tpu.core_type = #tpu.core_type<tc>, window_params = [{pipeline_mode = #tpu.pipeline_mode<synchronous>, transform_indices = @transform_0, window_bounds = array<i64: 16, 2048>}, {pipeline_mode = #tpu.pipeline_mode<synchronous>, transform_indices = @transform_1, window_bounds = array<i64: 16, 2048, 64>}, {pipeline_mode = #tpu.pipeline_mode<synchronous>, transform_indices = @transform_2, window_bounds = array<i64: 16, 64>}, {pipeline_mode = #tpu.pipeline_mode<synchronous>, transform_indices = @transform_3, window_bounds = array<i64: 16, 64, 64>}, {pipeline_mode = #tpu.pipeline_mode<synchronous>, transform_indices = @transform_4, window_bounds = array<i64: 16, 64, 128>}, {pipeline_mode = #tpu.pipeline_mode<synchronous>, transform_indices = @transform_5, window_bounds = array<i64: 16, 64>}]} {
    %iota3A = tpu.iota {dimensions = array<i32: 1>} : vector<16x2048xi32>
    %get3A = arith.constant 0 : index
    %get3A_0 = arith.constant 0 : index
    %get3A_1 = vector.load %arg1[%get3A, %get3A_0] : memref<16x2048xf32, #tpu.memory_space<vmem>>, vector<16x2048xf32>
    %reduce_max3A = arith.constant dense<0xFF800000> : vector<16xf32>
    %reduce_max3A_2 = vector.multi_reduction <maximumf>, %get3A_1, %reduce_max3A [1] : vector<16x2048xf32> to vector<16xf32>
    %broadcast_in_dim3A = vector.shape_cast %reduce_max3A_2 : vector<16xf32> to vector<16x1xf32>
    %eq3A = vector.broadcast %broadcast_in_dim3A : vector<16x1xf32> to vector<16x2048xf32>
    %eq3A_3 = arith.cmpf oeq, %get3A_1, %eq3A : vector<16x2048xf32>
    %jit3A = arith.constant 2048 : i32
    %broadcast_in_dim3A_4 = vector.broadcast %jit3A : i32 to vector<16x2048xi32>
    %select_n3A = arith.select %eq3A_3, %iota3A, %broadcast_in_dim3A_4 : vector<16x2048xi1>, vector<16x2048xi32>
    %reduce_min3A = arith.constant dense<2147483647> : vector<16xi32>
    %reduce_min3A_5 = vector.multi_reduction <minsi>, %select_n3A, %reduce_min3A [1] : vector<16x2048xi32> to vector<16xi32>
    %broadcast_in_dim3A_6 = vector.shape_cast %reduce_min3A_5 : vector<16xi32> to vector<16x1xi32>
    %eq3A_7 = vector.broadcast %broadcast_in_dim3A_6 : vector<16x1xi32> to vector<16x2048xi32>
    %eq3A_8 = arith.cmpi eq, %iota3A, %eq3A_7 : vector<16x2048xi32>
    %jit3A_9 = arith.constant 1.000000e+00 : f32
    %jit3A_10 = arith.constant 0.000000e+00 : f32
    %broadcast_in_dim3A_11 = vector.broadcast %jit3A_9 : f32 to vector<16x2048xf32>
    %broadcast_in_dim3A_12 = vector.broadcast %jit3A_10 : f32 to vector<16x2048xf32>
    %select_n3A_13 = arith.select %eq3A_8, %broadcast_in_dim3A_11, %broadcast_in_dim3A_12 : vector<16x2048xi1>, vector<16x2048xf32>
    %swap3A = arith.constant 0 : index
    %swap3A_14 = arith.constant 0 : index
    %swap3A_15 = arith.constant 0 : index
    %swap3A_16 = vector.load %arg7[%swap3A, %swap3A_14, %swap3A_15] : memref<16x40x2048xf32, #tpu.memory_space<vmem>>, vector<16x1x2048xf32>
    %swap3A_17 = vector.shape_cast %swap3A_16 : vector<16x1x2048xf32> to vector<16x2048xf32>
    %swap3A_18 = vector.shape_cast %select_n3A_13 : vector<16x2048xf32> to vector<16x1x2048xf32>
    tpu.vector_store %arg7[%swap3A, %swap3A_14, %swap3A_15], %swap3A_18 {strides = array<i32>} : memref<16x40x2048xf32, #tpu.memory_space<vmem>>, vector<16x1x2048xf32>,
    %jit3A_19 = arith.constant -1.000000e+30 : f32
    %broadcast_in_dim3A_20 = vector.broadcast %jit3A_19 : f32 to vector<16x2048xf32>
    %select_n3A_21 = arith.select %eq3A_8, %broadcast_in_dim3A_20, %get3A_1 : vector<16x2048xi1>, vector<16x2048xf32>
    %reduce_max3A_22 = arith.constant dense<0xFF800000> : vector<16xf32>
    %reduce_max3A_23 = vector.multi_reduction <maximumf>, %select_n3A_21, %reduce_max3A_22 [1] : vector<16x2048xf32> to vector<16xf32>
    %broadcast_in_dim3A_24 = vector.shape_cast %reduce_max3A_23 : vector<16xf32> to vector<16x1xf32>
    %eq3A_25 = vector.broadcast %broadcast_in_dim3A_24 : vector<16x1xf32> to vector<16x2048xf32>
    %eq3A_26 = arith.cmpf oeq, %select_n3A_21, %eq3A_25 : vector<16x2048xf32>
    %jit3A_27 = arith.constant 2048 : i32
    %broadcast_in_dim3A_28 = vector.broadcast %jit3A_27 : i32 to vector<16x2048xi32>
    %select_n3A_29 = arith.select %eq3A_26, %iota3A, %broadcast_in_dim3A_28 : vector<16x2048xi1>, vector<16x2048xi32>
    %reduce_min3A_30 = arith.constant dense<2147483647> : vector<16xi32>
    %reduce_min3A_31 = vector.multi_reduction <minsi>, %select_n3A_29, %reduce_min3A_30 [1] : vector<16x2048xi32> to vector<16xi32>
    %broadcast_in_dim3A_32 = vector.shape_cast %reduce_min3A_31 : vector<16xi32> to vector<16x1xi32>
    %eq3A_33 = vector.broadcast %broadcast_in_dim3A_32 : vector<16x1xi32> to vector<16x2048xi32>
    %eq3A_34 = arith.cmpi eq, %iota3A, %eq3A_33 : vector<16x2048xi32>
    %jit3A_35 = arith.constant 1.000000e+00 : f32
    %jit3A_36 = arith.constant 0.000000e+00 : f32
    %broadcast_in_dim3A_37 = vector.broadcast %jit3A_35 : f32 to vector<16x2048xf32>
    %broadcast_in_dim3A_38 = vector.broadcast %jit3A_36 : f32 to vector<16x2048xf32>
    %select_n3A_39 = arith.select %eq3A_34, %broadcast_in_dim3A_37, %broadcast_in_dim3A_38 : vector<16x2048xi1>, vector<16x2048xf32>
    %swap3A_40 = arith.constant 0 : index
    %swap3A_41 = arith.constant 1 : index
    %swap3A_42 = arith.constant 0 : index
    %swap3A_43 = vector.load %arg7[%swap3A_40, %swap3A_41, %swap3A_42] : memref<16x40x2048xf32, #tpu.memory_space<vmem>>, vector<16x1x2048xf32>
    %swap3A_44 = vector.shape_cast %swap3A_43 : vector<16x1x2048xf32> to vector<16x2048xf32>
    %swap3A_45 = vector.shape_cast %select_n3A_39 : vector<16x2048xf32> to vector<16x1x2048xf32>
    tpu.vector_store %arg7[%swap3A_40, %swap3A_41, %swap3A_42], %swap3A_45 {strides = array<i32>} : memref<16x40x2048xf32, #tpu.memory_space<vmem>>, vector<16x1x2048xf32>,
    %jit3A_46 = arith.constant -1.000000e+30 : f32
    %broadcast_in_dim3A_47 = vector.broadcast %jit3A_46 : f32 to vector<16x2048xf32>
    %select_n3A_48 = arith.select %eq3A_34, %broadcast_in_dim3A_47, %select_n3A_21 : vector<16x2048xi1>, vector<16x2048xf32>
    %reduce_max3A_49 = arith.constant dense<0xFF800000> : vector<16xf32>
    %reduce_max3A_50 = vector.multi_reduction <maximumf>, %select_n3A_48, %reduce_max3A_49 [1] : vector<16x2048xf32> to vector<16xf32>
    %broadcast_in_dim3A_51 = vector.shape_cast %reduce_max3A_50 : vector<16xf32> to vector<16x1xf32>
    %eq3A_52 = vector.broadcast %broadcast_in_dim3A_51 : vector<16x1xf32> to vector<16x2048xf32>
    %eq3A_53 = arith.cmpf oeq, %select_n3A_48, %eq3A_52 : vector<16x2048xf32>
    %jit3A_54 = arith.constant 2048 : i32
    %broadcast_in_dim3A_55 = vector.broadcast %jit3A_54 : i32 to vector<16x2048xi32>
    %select_n3A_56 = arith.select %eq3A_53, %iota3A, %broadcast_in_dim3A_55 : vector<16x2048xi1>, vector<16x2048xi32>
    %reduce_min3A_57 = arith.constant dense<2147483647> : vector<16xi32>
    %reduce_min3A_58 = vector.multi_reduction <minsi>, %select_n3A_56, %reduce_min3A_57 [1] : vector<16x2048xi32> to vector<16xi32>
    %broadcast_in_dim3A_59 = vector.shape_cast %reduce_min3A_58 : vector<16xi32> to vector<16x1xi32>
    %eq3A_60 = vector.broadcast %broadcast_in_dim3A_59 : vector<16x1xi32> to vector<16x2048xi32>
    %eq3A_61 = arith.cmpi eq, %iota3A, %eq3A_60 : vector<16x2048xi32>
    %jit3A_62 = arith.constant 1.000000e+00 : f32
    %jit3A_63 = arith.constant 0.000000e+00 : f32
    %broadcast_in_dim3A_64 = vector.broadcast %jit3A_62 : f32 to vector<16x2048xf32>
    %broadcast_in_dim3A_65 = vector.broadcast %jit3A_63 : f32 to vector<16x2048xf32>
    %select_n3A_66 = arith.select %eq3A_61, %broadcast_in_dim3A_64, %broadcast_in_dim3A_65 : vector<16x2048xi1>, vector<16x2048xf32>
    %swap3A_67 = arith.constant 0 : index
    %swap3A_68 = arith.constant 2 : index
    %swap3A_69 = arith.constant 0 : index
    %swap3A_70 = vector.load %arg7[%swap3A_67, %swap3A_68, %swap3A_69] : memref<16x40x2048xf32, #tpu.memory_space<vmem>>, vector<16x1x2048xf32>
    %swap3A_71 = vector.shape_cast %swap3A_70 : vector<16x1x2048xf32> to vector<16x2048xf32>
    %swap3A_72 = vector.shape_cast %select_n3A_66 : vector<16x2048xf32> to vector<16x1x2048xf32>
    tpu.vector_store %arg7[%swap3A_67, %swap3A_68, %swap3A_69], %swap3A_72 {strides = array<i32>} : memref<16x40x2048xf32, #tpu.memory_space<vmem>>, vector<16x1x2048xf32>,
    %jit3A_73 = arith.constant -1.000000e+30 : f32
    %broadcast_in_dim3A_74 = vector.broadcast %jit3A_73 : f32 to vector<16x2048xf32>
    %select_n3A_75 = arith.select %eq3A_61, %broadcast_in_dim3A_74, %select_n3A_48 : vector<16x2048xi1>, vector<16x2048xf32>
    %reduce_max3A_76 = arith.constant dense<0xFF800000> : vector<16xf32>
    %reduce_max3A_77 = vector.multi_reduction <maximumf>, %select_n3A_75, %reduce_max3A_76 [1] : vector<16x2048xf32> to vector<16xf32>
    %broadcast_in_dim3A_78 = vector.shape_cast %reduce_max3A_77 : vector<16xf32> to vector<16x1xf32>
    %eq3A_79 = vector.broadcast %broadcast_in_dim3A_78 : vector<16x1xf32> to vector<16x2048xf32>
    %eq3A_80 = arith.cmpf oeq, %select_n3A_75, %eq3A_79 : vector<16x2048xf32>
    %jit3A_81 = arith.constant 2048 : i32
    %broadcast_in_dim3A_82 = vector.broadcast %jit3A_81 : i32 to vector<16x2048xi32>
    %select_n3A_83 = arith.select %eq3A_80, %iota3A, %broadcast_in_dim3A_82 : vector<16x2048xi1>, vector<16x2048xi32>
    %reduce_min3A_84 = arith.constant dense<2147483647> : vector<16xi32>
    %reduce_min3A_85 = vector.multi_reduction <minsi>, %select_n3A_83, %reduce_min3A_84 [1] : vector<16x2048xi32> to vector<16xi32>
    %broadcast_in_dim3A_86 = vector.shape_cast %reduce_min3A_85 : vector<16xi32> to vector<16x1xi32>
    %eq3A_87 = vector.broadcast %broadcast_in_dim3A_86 : vector<16x1xi32> to vector<16x2048xi32>
    %eq3A_88 = arith.cmpi eq, %iota3A, %eq3A_87 : vector<16x2048xi32>
    %jit3A_89 = arith.constant 1.000000e+00 : f32
    %jit3A_90 = arith.constant 0.000000e+00 : f32
    %broadcast_in_dim3A_91 = vector.broadcast %jit3A_89 : f32 to vector<16x2048xf32>
    %broadcast_in_dim3A_92 = vector.broadcast %jit3A_90 : f32 to vector<16x2048xf32>
    %select_n3A_93 = arith.select %eq3A_88, %broadcast_in_dim3A_91, %broadcast_in_dim3A_92 : vector<16x2048xi1>, vector<16x2048xf32>
    %swap3A_94 = arith.constant 0 : index
    %swap3A_95 = arith.constant 3 : index
    %swap3A_96 = arith.constant 0 : index
    %swap3A_97 = vector.load %arg7[%swap3A_94, %swap3A_95, %swap3A_96] : memref<16x40x2048xf32, #tpu.memory_space<vmem>>, vector<16x1x2048xf32>
    %swap3A_98 = vector.shape_cast %swap3A_97 : vector<16x1x2048xf32> to vector<16x2048xf32>
    %swap3A_99 = vector.shape_cast %select_n3A_93 : vector<16x2048xf32> to vector<16x1x2048xf32>
    tpu.vector_store %arg7[%swap3A_94, %swap3A_95, %swap3A_96], %swap3A_99 {strides = array<i32>} : memref<16x40x2048xf32, #tpu.memory_space<vmem>>, vector<16x1x2048xf32>,
    %jit3A_100 = arith.constant -1.000000e+30 : f32
    %broadcast_in_dim3A_101 = vector.broadcast %jit3A_100 : f32 to vector<16x2048xf32>
    %select_n3A_102 = arith.select %eq3A_88, %broadcast_in_dim3A_101, %select_n3A_75 : vector<16x2048xi1>, vector<16x2048xf32>
    %reduce_max3A_103 = arith.constant dense<0xFF800000> : vector<16xf32>
    %reduce_max3A_104 = vector.multi_reduction <maximumf>, %select_n3A_102, %reduce_max3A_103 [1] : vector<16x2048xf32> to vector<16xf32>
    %broadcast_in_dim3A_105 = vector.shape_cast %reduce_max3A_104 : vector<16xf32> to vector<16x1xf32>
    %eq3A_106 = vector.broadcast %broadcast_in_dim3A_105 : vector<16x1xf32> to vector<16x2048xf32>
    %eq3A_107 = arith.cmpf oeq, %select_n3A_102, %eq3A_106 : vector<16x2048xf32>
    %jit3A_108 = arith.constant 2048 : i32
    %broadcast_in_dim3A_109 = vector.broadcast %jit3A_108 : i32 to vector<16x2048xi32>
    %select_n3A_110 = arith.select %eq3A_107, %iota3A, %broadcast_in_dim3A_109 : vector<16x2048xi1>, vector<16x2048xi32>
    %reduce_min3A_111 = arith.constant dense<2147483647> : vector<16xi32>
    %reduce_min3A_112 = vector.multi_reduction <minsi>, %select_n3A_110, %reduce_min3A_111 [1] : vector<16x2048xi32> to vector<16xi32>
    %broadcast_in_dim3A_113 = vector.shape_cast %reduce_min3A_112 : vector<16xi32> to vector<16x1xi32>
    %eq3A_114 = vector.broadcast %broadcast_in_dim3A_113 : vector<16x1xi32> to vector<16x2048xi32>
    %eq3A_115 = arith.cmpi eq, %iota3A, %eq3A_114 : vector<16x2048xi32>
    %jit3A_116 = arith.constant 1.000000e+00 : f32
    %jit3A_117 = arith.constant 0.000000e+00 : f32
    %broadcast_in_dim3A_118 = vector.broadcast %jit3A_116 : f32 to vector<16x2048xf32>
    %broadcast_in_dim3A_119 = vector.broadcast %jit3A_117 : f32 to vector<16x2048xf32>
    %select_n3A_120 = arith.select %eq3A_115, %broadcast_in_dim3A_118, %broadcast_in_dim3A_119 : vector<16x2048xi1>, vector<16x2048xf32>
    %swap3A_121 = arith.constant 0 : index
    %swap3A_122 = arith.constant 4 : index
    %swap3A_123 = arith.constant 0 : index
    %swap3A_124 = vector.load %arg7[%swap3A_121, %swap3A_122, %swap3A_123] : memref<16x40x2048xf32, #tpu.memory_space<vmem>>, vector<16x1x2048xf32>
    %swap3A_125 = vector.shape_cast %swap3A_124 : vector<16x1x2048xf32> to vector<16x2048xf32>
    %swap3A_126 = vector.shape_cast %select_n3A_120 : vector<16x2048xf32> to vector<16x1x2048xf32>
    tpu.vector_store %arg7[%swap3A_121, %swap3A_122, %swap3A_123], %swap3A_126 {strides = array<i32>} : memref<16x40x2048xf32, #tpu.memory_space<vmem>>, vector<16x1x2048xf32>,
    %jit3A_127 = arith.constant -1.000000e+30 : f32
    %broadcast_in_dim3A_128 = vector.broadcast %jit3A_127 : f32 to vector<16x2048xf32>
    %select_n3A_129 = arith.select %eq3A_115, %broadcast_in_dim3A_128, %select_n3A_102 : vector<16x2048xi1>, vector<16x2048xf32>
    %reduce_max3A_130 = arith.constant dense<0xFF800000> : vector<16xf32>
    %reduce_max3A_131 = vector.multi_reduction <maximumf>, %select_n3A_129, %reduce_max3A_130 [1] : vector<16x2048xf32> to vector<16xf32>
    %broadcast_in_dim3A_132 = vector.shape_cast %reduce_max3A_131 : vector<16xf32> to vector<16x1xf32>
    %eq3A_133 = vector.broadcast %broadcast_in_dim3A_132 : vector<16x1xf32> to vector<16x2048xf32>
    %eq3A_134 = arith.cmpf oeq, %select_n3A_129, %eq3A_133 : vector<16x2048xf32>
    %jit3A_135 = arith.constant 2048 : i32
    %broadcast_in_dim3A_136 = vector.broadcast %jit3A_135 : i32 to vector<16x2048xi32>
    %select_n3A_137 = arith.select %eq3A_134, %iota3A, %broadcast_in_dim3A_136 : vector<16x2048xi1>, vector<16x2048xi32>
    %reduce_min3A_138 = arith.constant dense<2147483647> : vector<16xi32>
    %reduce_min3A_139 = vector.multi_reduction <minsi>, %select_n3A_137, %reduce_min3A_138 [1] : vector<16x2048xi32> to vector<16xi32>
    %broadcast_in_dim3A_140 = vector.shape_cast %reduce_min3A_139 : vector<16xi32> to vector<16x1xi32>
    %eq3A_141 = vector.broadcast %broadcast_in_dim3A_140 : vector<16x1xi32> to vector<16x2048xi32>
    %eq3A_142 = arith.cmpi eq, %iota3A, %eq3A_141 : vector<16x2048xi32>
    %jit3A_143 = arith.constant 1.000000e+00 : f32
    %jit3A_144 = arith.constant 0.000000e+00 : f32
    %broadcast_in_dim3A_145 = vector.broadcast %jit3A_143 : f32 to vector<16x2048xf32>
    %broadcast_in_dim3A_146 = vector.broadcast %jit3A_144 : f32 to vector<16x2048xf32>
    %select_n3A_147 = arith.select %eq3A_142, %broadcast_in_dim3A_145, %broadcast_in_dim3A_146 : vector<16x2048xi1>, vector<16x2048xf32>
    %swap3A_148 = arith.constant 0 : index
    %swap3A_149 = arith.constant 5 : index
    %swap3A_150 = arith.constant 0 : index
    %swap3A_151 = vector.load %arg7[%swap3A_148, %swap3A_149, %swap3A_150] : memref<16x40x2048xf32, #tpu.memory_space<vmem>>, vector<16x1x2048xf32>
    %swap3A_152 = vector.shape_cast %swap3A_151 : vector<16x1x2048xf32> to vector<16x2048xf32>
    %swap3A_153 = vector.shape_cast %select_n3A_147 : vector<16x2048xf32> to vector<16x1x2048xf32>
    tpu.vector_store %arg7[%swap3A_148, %swap3A_149, %swap3A_150], %swap3A_153 {strides = array<i32>} : memref<16x40x2048xf32, #tpu.memory_space<vmem>>, vector<16x1x2048xf32>,
    %jit3A_154 = arith.constant -1.000000e+30 : f32
    %broadcast_in_dim3A_155 = vector.broadcast %jit3A_154 : f32 to vector<16x2048xf32>
    %select_n3A_156 = arith.select %eq3A_142, %broadcast_in_dim3A_155, %select_n3A_129 : vector<16x2048xi1>, vector<16x2048xf32>
    %reduce_max3A_157 = arith.constant dense<0xFF800000> : vector<16xf32>
    %reduce_max3A_158 = vector.multi_reduction <maximumf>, %select_n3A_156, %reduce_max3A_157 [1] : vector<16x2048xf32> to vector<16xf32>
    %broadcast_in_dim3A_159 = vector.shape_cast %reduce_max3A_158 : vector<16xf32> to vector<16x1xf32>
    %eq3A_160 = vector.broadcast %broadcast_in_dim3A_159 : vector<16x1xf32> to vector<16x2048xf32>
    %eq3A_161 = arith.cmpf oeq, %select_n3A_156, %eq3A_160 : vector<16x2048xf32>
    %jit3A_162 = arith.constant 2048 : i32
    %broadcast_in_dim3A_163 = vector.broadcast %jit3A_162 : i32 to vector<16x2048xi32>
    %select_n3A_164 = arith.select %eq3A_161, %iota3A, %broadcast_in_dim3A_163 : vector<16x2048xi1>, vector<16x2048xi32>
    %reduce_min3A_165 = arith.constant dense<2147483647> : vector<16xi32>
    %reduce_min3A_166 = vector.multi_reduction <minsi>, %select_n3A_164, %reduce_min3A_165 [1] : vector<16x2048xi32> to vector<16xi32>
    %broadcast_in_dim3A_167 = vector.shape_cast %reduce_min3A_166 : vector<16xi32> to vector<16x1xi32>
    %eq3A_168 = vector.broadcast %broadcast_in_dim3A_167 : vector<16x1xi32> to vector<16x2048xi32>
    %eq3A_169 = arith.cmpi eq, %iota3A, %eq3A_168 : vector<16x2048xi32>
    %jit3A_170 = arith.constant 1.000000e+00 : f32
    %jit3A_171 = arith.constant 0.000000e+00 : f32
    %broadcast_in_dim3A_172 = vector.broadcast %jit3A_170 : f32 to vector<16x2048xf32>
    %broadcast_in_dim3A_173 = vector.broadcast %jit3A_171 : f32 to vector<16x2048xf32>
    %select_n3A_174 = arith.select %eq3A_169, %broadcast_in_dim3A_172, %broadcast_in_dim3A_173 : vector<16x2048xi1>, vector<16x2048xf32>
    %swap3A_175 = arith.constant 0 : index
    %swap3A_176 = arith.constant 6 : index
    %swap3A_177 = arith.constant 0 : index
    %swap3A_178 = vector.load %arg7[%swap3A_175, %swap3A_176, %swap3A_177] : memref<16x40x2048xf32, #tpu.memory_space<vmem>>, vector<16x1x2048xf32>
    %swap3A_179 = vector.shape_cast %swap3A_178 : vector<16x1x2048xf32> to vector<16x2048xf32>
    %swap3A_180 = vector.shape_cast %select_n3A_174 : vector<16x2048xf32> to vector<16x1x2048xf32>
    tpu.vector_store %arg7[%swap3A_175, %swap3A_176, %swap3A_177], %swap3A_180 {strides = array<i32>} : memref<16x40x2048xf32, #tpu.memory_space<vmem>>, vector<16x1x2048xf32>,
    %jit3A_181 = arith.constant -1.000000e+30 : f32
    %broadcast_in_dim3A_182 = vector.broadcast %jit3A_181 : f32 to vector<16x2048xf32>
    %select_n3A_183 = arith.select %eq3A_169, %broadcast_in_dim3A_182, %select_n3A_156 : vector<16x2048xi1>, vector<16x2048xf32>
    %reduce_max3A_184 = arith.constant dense<0xFF800000> : vector<16xf32>
    %reduce_max3A_185 = vector.multi_reduction <maximumf>, %select_n3A_183, %reduce_max3A_184 [1] : vector<16x2048xf32> to vector<16xf32>
    %broadcast_in_dim3A_186 = vector.shape_cast %reduce_max3A_185 : vector<16xf32> to vector<16x1xf32>
    %eq3A_187 = vector.broadcast %broadcast_in_dim3A_186 : vector<16x1xf32> to vector<16x2048xf32>
    %eq3A_188 = arith.cmpf oeq, %select_n3A_183, %eq3A_187 : vector<16x2048xf32>
    %jit3A_189 = arith.constant 2048 : i32
    %broadcast_in_dim3A_190 = vector.broadcast %jit3A_189 : i32 to vector<16x2048xi32>
    %select_n3A_191 = arith.select %eq3A_188, %iota3A, %broadcast_in_dim3A_190 : vector<16x2048xi1>, vector<16x2048xi32>
    %reduce_min3A_192 = arith.constant dense<2147483647> : vector<16xi32>
    %reduce_min3A_193 = vector.multi_reduction <minsi>, %select_n3A_191, %reduce_min3A_192 [1] : vector<16x2048xi32> to vector<16xi32>
    %broadcast_in_dim3A_194 = vector.shape_cast %reduce_min3A_193 : vector<16xi32> to vector<16x1xi32>
    %eq3A_195 = vector.broadcast %broadcast_in_dim3A_194 : vector<16x1xi32> to vector<16x2048xi32>
    %eq3A_196 = arith.cmpi eq, %iota3A, %eq3A_195 : vector<16x2048xi32>
    %jit3A_197 = arith.constant 1.000000e+00 : f32
    %jit3A_198 = arith.constant 0.000000e+00 : f32
    %broadcast_in_dim3A_199 = vector.broadcast %jit3A_197 : f32 to vector<16x2048xf32>
    %broadcast_in_dim3A_200 = vector.broadcast %jit3A_198 : f32 to vector<16x2048xf32>
    %select_n3A_201 = arith.select %eq3A_196, %broadcast_in_dim3A_199, %broadcast_in_dim3A_200 : vector<16x2048xi1>, vector<16x2048xf32>
    %swap3A_202 = arith.constant 0 : index
    %swap3A_203 = arith.constant 7 : index
    %swap3A_204 = arith.constant 0 : index
    %swap3A_205 = vector.load %arg7[%swap3A_202, %swap3A_203, %swap3A_204] : memref<16x40x2048xf32, #tpu.memory_space<vmem>>, vector<16x1x2048xf32>
    %swap3A_206 = vector.shape_cast %swap3A_205 : vector<16x1x2048xf32> to vector<16x2048xf32>
    %swap3A_207 = vector.shape_cast %select_n3A_201 : vector<16x2048xf32> to vector<16x1x2048xf32>
    tpu.vector_store %arg7[%swap3A_202, %swap3A_203, %swap3A_204], %swap3A_207 {strides = array<i32>} : memref<16x40x2048xf32, #tpu.memory_space<vmem>>, vector<16x1x2048xf32>,
    %jit3A_208 = arith.constant -1.000000e+30 : f32
    %broadcast_in_dim3A_209 = vector.broadcast %jit3A_208 : f32 to vector<16x2048xf32>
    %select_n3A_210 = arith.select %eq3A_196, %broadcast_in_dim3A_209, %select_n3A_183 : vector<16x2048xi1>, vector<16x2048xf32>
    %reduce_max3A_211 = arith.constant dense<0xFF800000> : vector<16xf32>
    %reduce_max3A_212 = vector.multi_reduction <maximumf>, %select_n3A_210, %reduce_max3A_211 [1] : vector<16x2048xf32> to vector<16xf32>
    %broadcast_in_dim3A_213 = vector.shape_cast %reduce_max3A_212 : vector<16xf32> to vector<16x1xf32>
    %eq3A_214 = vector.broadcast %broadcast_in_dim3A_213 : vector<16x1xf32> to vector<16x2048xf32>
    %eq3A_215 = arith.cmpf oeq, %select_n3A_210, %eq3A_214 : vector<16x2048xf32>
    %jit3A_216 = arith.constant 2048 : i32
    %broadcast_in_dim3A_217 = vector.broadcast %jit3A_216 : i32 to vector<16x2048xi32>
    %select_n3A_218 = arith.select %eq3A_215, %iota3A, %broadcast_in_dim3A_217 : vector<16x2048xi1>, vector<16x2048xi32>
    %reduce_min3A_219 = arith.constant dense<2147483647> : vector<16xi32>
    %reduce_min3A_220 = vector.multi_reduction <minsi>, %select_n3A_218, %reduce_min3A_219 [1] : vector<16x2048xi32> to vector<16xi32>
    %broadcast_in_dim3A_221 = vector.shape_cast %reduce_min3A_220 : vector<16xi32> to vector<16x1xi32>
    %eq3A_222 = vector.broadcast %broadcast_in_dim3A_221 : vector<16x1xi32> to vector<16x2048xi32>
    %eq3A_223 = arith.cmpi eq, %iota3A, %eq3A_222 : vector<16x2048xi32>
    %jit3A_224 = arith.constant 1.000000e+00 : f32
    %jit3A_225 = arith.constant 0.000000e+00 : f32
    %broadcast_in_dim3A_226 = vector.broadcast %jit3A_224 : f32 to vector<16x2048xf32>
    %broadcast_in_dim3A_227 = vector.broadcast %jit3A_225 : f32 to vector<16x2048xf32>
    %select_n3A_228 = arith.select %eq3A_223, %broadcast_in_dim3A_226, %broadcast_in_dim3A_227 : vector<16x2048xi1>, vector<16x2048xf32>
    %swap3A_229 = arith.constant 0 : index
    %swap3A_230 = arith.constant 8 : index
    %swap3A_231 = arith.constant 0 : index
    %swap3A_232 = vector.load %arg7[%swap3A_229, %swap3A_230, %swap3A_231] : memref<16x40x2048xf32, #tpu.memory_space<vmem>>, vector<16x1x2048xf32>
    %swap3A_233 = vector.shape_cast %swap3A_232 : vector<16x1x2048xf32> to vector<16x2048xf32>
    %swap3A_234 = vector.shape_cast %select_n3A_228 : vector<16x2048xf32> to vector<16x1x2048xf32>
    tpu.vector_store %arg7[%swap3A_229, %swap3A_230, %swap3A_231], %swap3A_234 {strides = array<i32>} : memref<16x40x2048xf32, #tpu.memory_space<vmem>>, vector<16x1x2048xf32>,
    %jit3A_235 = arith.constant -1.000000e+30 : f32
    %broadcast_in_dim3A_236 = vector.broadcast %jit3A_235 : f32 to vector<16x2048xf32>
    %select_n3A_237 = arith.select %eq3A_223, %broadcast_in_dim3A_236, %select_n3A_210 : vector<16x2048xi1>, vector<16x2048xf32>
    %reduce_max3A_238 = arith.constant dense<0xFF800000> : vector<16xf32>
    %reduce_max3A_239 = vector.multi_reduction <maximumf>, %select_n3A_237, %reduce_max3A_238 [1] : vector<16x2048xf32> to vector<16xf32>
    %broadcast_in_dim3A_240 = vector.shape_cast %reduce_max3A_239 : vector<16xf32> to vector<16x1xf32>
    %eq3A_241 = vector.broadcast %broadcast_in_dim3A_240 : vector<16x1xf32> to vector<16x2048xf32>
    %eq3A_242 = arith.cmpf oeq, %select_n3A_237, %eq3A_241 : vector<16x2048xf32>
    %jit3A_243 = arith.constant 2048 : i32
    %broadcast_in_dim3A_244 = vector.broadcast %jit3A_243 : i32 to vector<16x2048xi32>
    %select_n3A_245 = arith.select %eq3A_242, %iota3A, %broadcast_in_dim3A_244 : vector<16x2048xi1>, vector<16x2048xi32>
    %reduce_min3A_246 = arith.constant dense<2147483647> : vector<16xi32>
    %reduce_min3A_247 = vector.multi_reduction <minsi>, %select_n3A_245, %reduce_min3A_246 [1] : vector<16x2048xi32> to vector<16xi32>
    %broadcast_in_dim3A_248 = vector.shape_cast %reduce_min3A_247 : vector<16xi32> to vector<16x1xi32>
    %eq3A_249 = vector.broadcast %broadcast_in_dim3A_248 : vector<16x1xi32> to vector<16x2048xi32>
    %eq3A_250 = arith.cmpi eq, %iota3A, %eq3A_249 : vector<16x2048xi32>
    %jit3A_251 = arith.constant 1.000000e+00 : f32
    %jit3A_252 = arith.constant 0.000000e+00 : f32
    %broadcast_in_dim3A_253 = vector.broadcast %jit3A_251 : f32 to vector<16x2048xf32>
    %broadcast_in_dim3A_254 = vector.broadcast %jit3A_252 : f32 to vector<16x2048xf32>
    %select_n3A_255 = arith.select %eq3A_250, %broadcast_in_dim3A_253, %broadcast_in_dim3A_254 : vector<16x2048xi1>, vector<16x2048xf32>
    %swap3A_256 = arith.constant 0 : index
    %swap3A_257 = arith.constant 9 : index
    %swap3A_258 = arith.constant 0 : index
    %swap3A_259 = vector.load %arg7[%swap3A_256, %swap3A_257, %swap3A_258] : memref<16x40x2048xf32, #tpu.memory_space<vmem>>, vector<16x1x2048xf32>
    %swap3A_260 = vector.shape_cast %swap3A_259 : vector<16x1x2048xf32> to vector<16x2048xf32>
    %swap3A_261 = vector.shape_cast %select_n3A_255 : vector<16x2048xf32> to vector<16x1x2048xf32>
    tpu.vector_store %arg7[%swap3A_256, %swap3A_257, %swap3A_258], %swap3A_261 {strides = array<i32>} : memref<16x40x2048xf32, #tpu.memory_space<vmem>>, vector<16x1x2048xf32>,
    %jit3A_262 = arith.constant -1.000000e+30 : f32
    %broadcast_in_dim3A_263 = vector.broadcast %jit3A_262 : f32 to vector<16x2048xf32>
    %select_n3A_264 = arith.select %eq3A_250, %broadcast_in_dim3A_263, %select_n3A_237 : vector<16x2048xi1>, vector<16x2048xf32>
    %reduce_max3A_265 = arith.constant dense<0xFF800000> : vector<16xf32>
    %reduce_max3A_266 = vector.multi_reduction <maximumf>, %select_n3A_264, %reduce_max3A_265 [1] : vector<16x2048xf32> to vector<16xf32>
    %broadcast_in_dim3A_267 = vector.shape_cast %reduce_max3A_266 : vector<16xf32> to vector<16x1xf32>
    %eq3A_268 = vector.broadcast %broadcast_in_dim3A_267 : vector<16x1xf32> to vector<16x2048xf32>
    %eq3A_269 = arith.cmpf oeq, %select_n3A_264, %eq3A_268 : vector<16x2048xf32>
    %jit3A_270 = arith.constant 2048 : i32
    %broadcast_in_dim3A_271 = vector.broadcast %jit3A_270 : i32 to vector<16x2048xi32>
    %select_n3A_272 = arith.select %eq3A_269, %iota3A, %broadcast_in_dim3A_271 : vector<16x2048xi1>, vector<16x2048xi32>
    %reduce_min3A_273 = arith.constant dense<2147483647> : vector<16xi32>
    %reduce_min3A_274 = vector.multi_reduction <minsi>, %select_n3A_272, %reduce_min3A_273 [1] : vector<16x2048xi32> to vector<16xi32>
    %broadcast_in_dim3A_275 = vector.shape_cast %reduce_min3A_274 : vector<16xi32> to vector<16x1xi32>
    %eq3A_276 = vector.broadcast %broadcast_in_dim3A_275 : vector<16x1xi32> to vector<16x2048xi32>
    %eq3A_277 = arith.cmpi eq, %iota3A, %eq3A_276 : vector<16x2048xi32>
    %jit3A_278 = arith.constant 1.000000e+00 : f32
    %jit3A_279 = arith.constant 0.000000e+00 : f32
    %broadcast_in_dim3A_280 = vector.broadcast %jit3A_278 : f32 to vector<16x2048xf32>
    %broadcast_in_dim3A_281 = vector.broadcast %jit3A_279 : f32 to vector<16x2048xf32>
    %select_n3A_282 = arith.select %eq3A_277, %broadcast_in_dim3A_280, %broadcast_in_dim3A_281 : vector<16x2048xi1>, vector<16x2048xf32>
    %swap3A_283 = arith.constant 0 : index
    %swap3A_284 = arith.constant 10 : index
    %swap3A_285 = arith.constant 0 : index
    %swap3A_286 = vector.load %arg7[%swap3A_283, %swap3A_284, %swap3A_285] : memref<16x40x2048xf32, #tpu.memory_space<vmem>>, vector<16x1x2048xf32>
    %swap3A_287 = vector.shape_cast %swap3A_286 : vector<16x1x2048xf32> to vector<16x2048xf32>
    %swap3A_288 = vector.shape_cast %select_n3A_282 : vector<16x2048xf32> to vector<16x1x2048xf32>
    tpu.vector_store %arg7[%swap3A_283, %swap3A_284, %swap3A_285], %swap3A_288 {strides = array<i32>} : memref<16x40x2048xf32, #tpu.memory_space<vmem>>, vector<16x1x2048xf32>,
    %jit3A_289 = arith.constant -1.000000e+30 : f32
    %broadcast_in_dim3A_290 = vector.broadcast %jit3A_289 : f32 to vector<16x2048xf32>
    %select_n3A_291 = arith.select %eq3A_277, %broadcast_in_dim3A_290, %select_n3A_264 : vector<16x2048xi1>, vector<16x2048xf32>
    %reduce_max3A_292 = arith.constant dense<0xFF800000> : vector<16xf32>
    %reduce_max3A_293 = vector.multi_reduction <maximumf>, %select_n3A_291, %reduce_max3A_292 [1] : vector<16x2048xf32> to vector<16xf32>
    %broadcast_in_dim3A_294 = vector.shape_cast %reduce_max3A_293 : vector<16xf32> to vector<16x1xf32>
    %eq3A_295 = vector.broadcast %broadcast_in_dim3A_294 : vector<16x1xf32> to vector<16x2048xf32>
    %eq3A_296 = arith.cmpf oeq, %select_n3A_291, %eq3A_295 : vector<16x2048xf32>
    %jit3A_297 = arith.constant 2048 : i32
    %broadcast_in_dim3A_298 = vector.broadcast %jit3A_297 : i32 to vector<16x2048xi32>
    %select_n3A_299 = arith.select %eq3A_296, %iota3A, %broadcast_in_dim3A_298 : vector<16x2048xi1>, vector<16x2048xi32>
    %reduce_min3A_300 = arith.constant dense<2147483647> : vector<16xi32>
    %reduce_min3A_301 = vector.multi_reduction <minsi>, %select_n3A_299, %reduce_min3A_300 [1] : vector<16x2048xi32> to vector<16xi32>
    %broadcast_in_dim3A_302 = vector.shape_cast %reduce_min3A_301 : vector<16xi32> to vector<16x1xi32>
    %eq3A_303 = vector.broadcast %broadcast_in_dim3A_302 : vector<16x1xi32> to vector<16x2048xi32>
    %eq3A_304 = arith.cmpi eq, %iota3A, %eq3A_303 : vector<16x2048xi32>
    %jit3A_305 = arith.constant 1.000000e+00 : f32
    %jit3A_306 = arith.constant 0.000000e+00 : f32
    %broadcast_in_dim3A_307 = vector.broadcast %jit3A_305 : f32 to vector<16x2048xf32>
    %broadcast_in_dim3A_308 = vector.broadcast %jit3A_306 : f32 to vector<16x2048xf32>
    %select_n3A_309 = arith.select %eq3A_304, %broadcast_in_dim3A_307, %broadcast_in_dim3A_308 : vector<16x2048xi1>, vector<16x2048xf32>
    %swap3A_310 = arith.constant 0 : index
    %swap3A_311 = arith.constant 11 : index
    %swap3A_312 = arith.constant 0 : index
    %swap3A_313 = vector.load %arg7[%swap3A_310, %swap3A_311, %swap3A_312] : memref<16x40x2048xf32, #tpu.memory_space<vmem>>, vector<16x1x2048xf32>
    %swap3A_314 = vector.shape_cast %swap3A_313 : vector<16x1x2048xf32> to vector<16x2048xf32>
    %swap3A_315 = vector.shape_cast %select_n3A_309 : vector<16x2048xf32> to vector<16x1x2048xf32>
    tpu.vector_store %arg7[%swap3A_310, %swap3A_311, %swap3A_312], %swap3A_315 {strides = array<i32>} : memref<16x40x2048xf32, #tpu.memory_space<vmem>>, vector<16x1x2048xf32>,
    %jit3A_316 = arith.constant -1.000000e+30 : f32
    %broadcast_in_dim3A_317 = vector.broadcast %jit3A_316 : f32 to vector<16x2048xf32>
    %select_n3A_318 = arith.select %eq3A_304, %broadcast_in_dim3A_317, %select_n3A_291 : vector<16x2048xi1>, vector<16x2048xf32>
    %reduce_max3A_319 = arith.constant dense<0xFF800000> : vector<16xf32>
    %reduce_max3A_320 = vector.multi_reduction <maximumf>, %select_n3A_318, %reduce_max3A_319 [1] : vector<16x2048xf32> to vector<16xf32>
    %broadcast_in_dim3A_321 = vector.shape_cast %reduce_max3A_320 : vector<16xf32> to vector<16x1xf32>
    %eq3A_322 = vector.broadcast %broadcast_in_dim3A_321 : vector<16x1xf32> to vector<16x2048xf32>
    %eq3A_323 = arith.cmpf oeq, %select_n3A_318, %eq3A_322 : vector<16x2048xf32>
    %jit3A_324 = arith.constant 2048 : i32
    %broadcast_in_dim3A_325 = vector.broadcast %jit3A_324 : i32 to vector<16x2048xi32>
    %select_n3A_326 = arith.select %eq3A_323, %iota3A, %broadcast_in_dim3A_325 : vector<16x2048xi1>, vector<16x2048xi32>
    %reduce_min3A_327 = arith.constant dense<2147483647> : vector<16xi32>
    %reduce_min3A_328 = vector.multi_reduction <minsi>, %select_n3A_326, %reduce_min3A_327 [1] : vector<16x2048xi32> to vector<16xi32>
    %broadcast_in_dim3A_329 = vector.shape_cast %reduce_min3A_328 : vector<16xi32> to vector<16x1xi32>
    %eq3A_330 = vector.broadcast %broadcast_in_dim3A_329 : vector<16x1xi32> to vector<16x2048xi32>
    %eq3A_331 = arith.cmpi eq, %iota3A, %eq3A_330 : vector<16x2048xi32>
    %jit3A_332 = arith.constant 1.000000e+00 : f32
    %jit3A_333 = arith.constant 0.000000e+00 : f32
    %broadcast_in_dim3A_334 = vector.broadcast %jit3A_332 : f32 to vector<16x2048xf32>
    %broadcast_in_dim3A_335 = vector.broadcast %jit3A_333 : f32 to vector<16x2048xf32>
    %select_n3A_336 = arith.select %eq3A_331, %broadcast_in_dim3A_334, %broadcast_in_dim3A_335 : vector<16x2048xi1>, vector<16x2048xf32>
    %swap3A_337 = arith.constant 0 : index
    %swap3A_338 = arith.constant 12 : index
    %swap3A_339 = arith.constant 0 : index
    %swap3A_340 = vector.load %arg7[%swap3A_337, %swap3A_338, %swap3A_339] : memref<16x40x2048xf32, #tpu.memory_space<vmem>>, vector<16x1x2048xf32>
    %swap3A_341 = vector.shape_cast %swap3A_340 : vector<16x1x2048xf32> to vector<16x2048xf32>
    %swap3A_342 = vector.shape_cast %select_n3A_336 : vector<16x2048xf32> to vector<16x1x2048xf32>
    tpu.vector_store %arg7[%swap3A_337, %swap3A_338, %swap3A_339], %swap3A_342 {strides = array<i32>} : memref<16x40x2048xf32, #tpu.memory_space<vmem>>, vector<16x1x2048xf32>,
    %jit3A_343 = arith.constant -1.000000e+30 : f32
    %broadcast_in_dim3A_344 = vector.broadcast %jit3A_343 : f32 to vector<16x2048xf32>
    %select_n3A_345 = arith.select %eq3A_331, %broadcast_in_dim3A_344, %select_n3A_318 : vector<16x2048xi1>, vector<16x2048xf32>
    %reduce_max3A_346 = arith.constant dense<0xFF800000> : vector<16xf32>
    %reduce_max3A_347 = vector.multi_reduction <maximumf>, %select_n3A_345, %reduce_max3A_346 [1] : vector<16x2048xf32> to vector<16xf32>
    %broadcast_in_dim3A_348 = vector.shape_cast %reduce_max3A_347 : vector<16xf32> to vector<16x1xf32>
    %eq3A_349 = vector.broadcast %broadcast_in_dim3A_348 : vector<16x1xf32> to vector<16x2048xf32>
    %eq3A_350 = arith.cmpf oeq, %select_n3A_345, %eq3A_349 : vector<16x2048xf32>
    %jit3A_351 = arith.constant 2048 : i32
    %broadcast_in_dim3A_352 = vector.broadcast %jit3A_351 : i32 to vector<16x2048xi32>
    %select_n3A_353 = arith.select %eq3A_350, %iota3A, %broadcast_in_dim3A_352 : vector<16x2048xi1>, vector<16x2048xi32>
    %reduce_min3A_354 = arith.constant dense<2147483647> : vector<16xi32>
    %reduce_min3A_355 = vector.multi_reduction <minsi>, %select_n3A_353, %reduce_min3A_354 [1] : vector<16x2048xi32> to vector<16xi32>
    %broadcast_in_dim3A_356 = vector.shape_cast %reduce_min3A_355 : vector<16xi32> to vector<16x1xi32>
    %eq3A_357 = vector.broadcast %broadcast_in_dim3A_356 : vector<16x1xi32> to vector<16x2048xi32>
    %eq3A_358 = arith.cmpi eq, %iota3A, %eq3A_357 : vector<16x2048xi32>
    %jit3A_359 = arith.constant 1.000000e+00 : f32
    %jit3A_360 = arith.constant 0.000000e+00 : f32
    %broadcast_in_dim3A_361 = vector.broadcast %jit3A_359 : f32 to vector<16x2048xf32>
    %broadcast_in_dim3A_362 = vector.broadcast %jit3A_360 : f32 to vector<16x2048xf32>
    %select_n3A_363 = arith.select %eq3A_358, %broadcast_in_dim3A_361, %broadcast_in_dim3A_362 : vector<16x2048xi1>, vector<16x2048xf32>
    %swap3A_364 = arith.constant 0 : index
    %swap3A_365 = arith.constant 13 : index
    %swap3A_366 = arith.constant 0 : index
    %swap3A_367 = vector.load %arg7[%swap3A_364, %swap3A_365, %swap3A_366] : memref<16x40x2048xf32, #tpu.memory_space<vmem>>, vector<16x1x2048xf32>
    %swap3A_368 = vector.shape_cast %swap3A_367 : vector<16x1x2048xf32> to vector<16x2048xf32>
    %swap3A_369 = vector.shape_cast %select_n3A_363 : vector<16x2048xf32> to vector<16x1x2048xf32>
    tpu.vector_store %arg7[%swap3A_364, %swap3A_365, %swap3A_366], %swap3A_369 {strides = array<i32>} : memref<16x40x2048xf32, #tpu.memory_space<vmem>>, vector<16x1x2048xf32>,
    %jit3A_370 = arith.constant -1.000000e+30 : f32
    %broadcast_in_dim3A_371 = vector.broadcast %jit3A_370 : f32 to vector<16x2048xf32>
    %select_n3A_372 = arith.select %eq3A_358, %broadcast_in_dim3A_371, %select_n3A_345 : vector<16x2048xi1>, vector<16x2048xf32>
    %reduce_max3A_373 = arith.constant dense<0xFF800000> : vector<16xf32>
    %reduce_max3A_374 = vector.multi_reduction <maximumf>, %select_n3A_372, %reduce_max3A_373 [1] : vector<16x2048xf32> to vector<16xf32>
    %broadcast_in_dim3A_375 = vector.shape_cast %reduce_max3A_374 : vector<16xf32> to vector<16x1xf32>
    %eq3A_376 = vector.broadcast %broadcast_in_dim3A_375 : vector<16x1xf32> to vector<16x2048xf32>
    %eq3A_377 = arith.cmpf oeq, %select_n3A_372, %eq3A_376 : vector<16x2048xf32>
    %jit3A_378 = arith.constant 2048 : i32
    %broadcast_in_dim3A_379 = vector.broadcast %jit3A_378 : i32 to vector<16x2048xi32>
    %select_n3A_380 = arith.select %eq3A_377, %iota3A, %broadcast_in_dim3A_379 : vector<16x2048xi1>, vector<16x2048xi32>
    %reduce_min3A_381 = arith.constant dense<2147483647> : vector<16xi32>
    %reduce_min3A_382 = vector.multi_reduction <minsi>, %select_n3A_380, %reduce_min3A_381 [1] : vector<16x2048xi32> to vector<16xi32>
    %broadcast_in_dim3A_383 = vector.shape_cast %reduce_min3A_382 : vector<16xi32> to vector<16x1xi32>
    %eq3A_384 = vector.broadcast %broadcast_in_dim3A_383 : vector<16x1xi32> to vector<16x2048xi32>
    %eq3A_385 = arith.cmpi eq, %iota3A, %eq3A_384 : vector<16x2048xi32>
    %jit3A_386 = arith.constant 1.000000e+00 : f32
    %jit3A_387 = arith.constant 0.000000e+00 : f32
    %broadcast_in_dim3A_388 = vector.broadcast %jit3A_386 : f32 to vector<16x2048xf32>
    %broadcast_in_dim3A_389 = vector.broadcast %jit3A_387 : f32 to vector<16x2048xf32>
    %select_n3A_390 = arith.select %eq3A_385, %broadcast_in_dim3A_388, %broadcast_in_dim3A_389 : vector<16x2048xi1>, vector<16x2048xf32>
    %swap3A_391 = arith.constant 0 : index
    %swap3A_392 = arith.constant 14 : index
    %swap3A_393 = arith.constant 0 : index
    %swap3A_394 = vector.load %arg7[%swap3A_391, %swap3A_392, %swap3A_393] : memref<16x40x2048xf32, #tpu.memory_space<vmem>>, vector<16x1x2048xf32>
    %swap3A_395 = vector.shape_cast %swap3A_394 : vector<16x1x2048xf32> to vector<16x2048xf32>
    %swap3A_396 = vector.shape_cast %select_n3A_390 : vector<16x2048xf32> to vector<16x1x2048xf32>
    tpu.vector_store %arg7[%swap3A_391, %swap3A_392, %swap3A_393], %swap3A_396 {strides = array<i32>} : memref<16x40x2048xf32, #tpu.memory_space<vmem>>, vector<16x1x2048xf32>,
    %jit3A_397 = arith.constant -1.000000e+30 : f32
    %broadcast_in_dim3A_398 = vector.broadcast %jit3A_397 : f32 to vector<16x2048xf32>
    %select_n3A_399 = arith.select %eq3A_385, %broadcast_in_dim3A_398, %select_n3A_372 : vector<16x2048xi1>, vector<16x2048xf32>
    %reduce_max3A_400 = arith.constant dense<0xFF800000> : vector<16xf32>
    %reduce_max3A_401 = vector.multi_reduction <maximumf>, %select_n3A_399, %reduce_max3A_400 [1] : vector<16x2048xf32> to vector<16xf32>
    %broadcast_in_dim3A_402 = vector.shape_cast %reduce_max3A_401 : vector<16xf32> to vector<16x1xf32>
    %eq3A_403 = vector.broadcast %broadcast_in_dim3A_402 : vector<16x1xf32> to vector<16x2048xf32>
    %eq3A_404 = arith.cmpf oeq, %select_n3A_399, %eq3A_403 : vector<16x2048xf32>
    %jit3A_405 = arith.constant 2048 : i32
    %broadcast_in_dim3A_406 = vector.broadcast %jit3A_405 : i32 to vector<16x2048xi32>
    %select_n3A_407 = arith.select %eq3A_404, %iota3A, %broadcast_in_dim3A_406 : vector<16x2048xi1>, vector<16x2048xi32>
    %reduce_min3A_408 = arith.constant dense<2147483647> : vector<16xi32>
    %reduce_min3A_409 = vector.multi_reduction <minsi>, %select_n3A_407, %reduce_min3A_408 [1] : vector<16x2048xi32> to vector<16xi32>
    %broadcast_in_dim3A_410 = vector.shape_cast %reduce_min3A_409 : vector<16xi32> to vector<16x1xi32>
    %eq3A_411 = vector.broadcast %broadcast_in_dim3A_410 : vector<16x1xi32> to vector<16x2048xi32>
    %eq3A_412 = arith.cmpi eq, %iota3A, %eq3A_411 : vector<16x2048xi32>
    %jit3A_413 = arith.constant 1.000000e+00 : f32
    %jit3A_414 = arith.constant 0.000000e+00 : f32
    %broadcast_in_dim3A_415 = vector.broadcast %jit3A_413 : f32 to vector<16x2048xf32>
    %broadcast_in_dim3A_416 = vector.broadcast %jit3A_414 : f32 to vector<16x2048xf32>
    %select_n3A_417 = arith.select %eq3A_412, %broadcast_in_dim3A_415, %broadcast_in_dim3A_416 : vector<16x2048xi1>, vector<16x2048xf32>
    %swap3A_418 = arith.constant 0 : index
    %swap3A_419 = arith.constant 15 : index
    %swap3A_420 = arith.constant 0 : index
    %swap3A_421 = vector.load %arg7[%swap3A_418, %swap3A_419, %swap3A_420] : memref<16x40x2048xf32, #tpu.memory_space<vmem>>, vector<16x1x2048xf32>
    %swap3A_422 = vector.shape_cast %swap3A_421 : vector<16x1x2048xf32> to vector<16x2048xf32>
    %swap3A_423 = vector.shape_cast %select_n3A_417 : vector<16x2048xf32> to vector<16x1x2048xf32>
    tpu.vector_store %arg7[%swap3A_418, %swap3A_419, %swap3A_420], %swap3A_423 {strides = array<i32>} : memref<16x40x2048xf32, #tpu.memory_space<vmem>>, vector<16x1x2048xf32>,
    %jit3A_424 = arith.constant -1.000000e+30 : f32
    %broadcast_in_dim3A_425 = vector.broadcast %jit3A_424 : f32 to vector<16x2048xf32>
    %select_n3A_426 = arith.select %eq3A_412, %broadcast_in_dim3A_425, %select_n3A_399 : vector<16x2048xi1>, vector<16x2048xf32>
    %reduce_max3A_427 = arith.constant dense<0xFF800000> : vector<16xf32>
    %reduce_max3A_428 = vector.multi_reduction <maximumf>, %select_n3A_426, %reduce_max3A_427 [1] : vector<16x2048xf32> to vector<16xf32>
    %broadcast_in_dim3A_429 = vector.shape_cast %reduce_max3A_428 : vector<16xf32> to vector<16x1xf32>
    %eq3A_430 = vector.broadcast %broadcast_in_dim3A_429 : vector<16x1xf32> to vector<16x2048xf32>
    %eq3A_431 = arith.cmpf oeq, %select_n3A_426, %eq3A_430 : vector<16x2048xf32>
    %jit3A_432 = arith.constant 2048 : i32
    %broadcast_in_dim3A_433 = vector.broadcast %jit3A_432 : i32 to vector<16x2048xi32>
    %select_n3A_434 = arith.select %eq3A_431, %iota3A, %broadcast_in_dim3A_433 : vector<16x2048xi1>, vector<16x2048xi32>
    %reduce_min3A_435 = arith.constant dense<2147483647> : vector<16xi32>
    %reduce_min3A_436 = vector.multi_reduction <minsi>, %select_n3A_434, %reduce_min3A_435 [1] : vector<16x2048xi32> to vector<16xi32>
    %broadcast_in_dim3A_437 = vector.shape_cast %reduce_min3A_436 : vector<16xi32> to vector<16x1xi32>
    %eq3A_438 = vector.broadcast %broadcast_in_dim3A_437 : vector<16x1xi32> to vector<16x2048xi32>
    %eq3A_439 = arith.cmpi eq, %iota3A, %eq3A_438 : vector<16x2048xi32>
    %jit3A_440 = arith.constant 1.000000e+00 : f32
    %jit3A_441 = arith.constant 0.000000e+00 : f32
    %broadcast_in_dim3A_442 = vector.broadcast %jit3A_440 : f32 to vector<16x2048xf32>
    %broadcast_in_dim3A_443 = vector.broadcast %jit3A_441 : f32 to vector<16x2048xf32>
    %select_n3A_444 = arith.select %eq3A_439, %broadcast_in_dim3A_442, %broadcast_in_dim3A_443 : vector<16x2048xi1>, vector<16x2048xf32>
    %swap3A_445 = arith.constant 0 : index
    %swap3A_446 = arith.constant 16 : index
    %swap3A_447 = arith.constant 0 : index
    %swap3A_448 = vector.load %arg7[%swap3A_445, %swap3A_446, %swap3A_447] : memref<16x40x2048xf32, #tpu.memory_space<vmem>>, vector<16x1x2048xf32>
    %swap3A_449 = vector.shape_cast %swap3A_448 : vector<16x1x2048xf32> to vector<16x2048xf32>
    %swap3A_450 = vector.shape_cast %select_n3A_444 : vector<16x2048xf32> to vector<16x1x2048xf32>
    tpu.vector_store %arg7[%swap3A_445, %swap3A_446, %swap3A_447], %swap3A_450 {strides = array<i32>} : memref<16x40x2048xf32, #tpu.memory_space<vmem>>, vector<16x1x2048xf32>,
    %jit3A_451 = arith.constant -1.000000e+30 : f32
    %broadcast_in_dim3A_452 = vector.broadcast %jit3A_451 : f32 to vector<16x2048xf32>
    %select_n3A_453 = arith.select %eq3A_439, %broadcast_in_dim3A_452, %select_n3A_426 : vector<16x2048xi1>, vector<16x2048xf32>
    %reduce_max3A_454 = arith.constant dense<0xFF800000> : vector<16xf32>
    %reduce_max3A_455 = vector.multi_reduction <maximumf>, %select_n3A_453, %reduce_max3A_454 [1] : vector<16x2048xf32> to vector<16xf32>
    %broadcast_in_dim3A_456 = vector.shape_cast %reduce_max3A_455 : vector<16xf32> to vector<16x1xf32>
    %eq3A_457 = vector.broadcast %broadcast_in_dim3A_456 : vector<16x1xf32> to vector<16x2048xf32>
    %eq3A_458 = arith.cmpf oeq, %select_n3A_453, %eq3A_457 : vector<16x2048xf32>
    %jit3A_459 = arith.constant 2048 : i32
    %broadcast_in_dim3A_460 = vector.broadcast %jit3A_459 : i32 to vector<16x2048xi32>
    %select_n3A_461 = arith.select %eq3A_458, %iota3A, %broadcast_in_dim3A_460 : vector<16x2048xi1>, vector<16x2048xi32>
    %reduce_min3A_462 = arith.constant dense<2147483647> : vector<16xi32>
    %reduce_min3A_463 = vector.multi_reduction <minsi>, %select_n3A_461, %reduce_min3A_462 [1] : vector<16x2048xi32> to vector<16xi32>
    %broadcast_in_dim3A_464 = vector.shape_cast %reduce_min3A_463 : vector<16xi32> to vector<16x1xi32>
    %eq3A_465 = vector.broadcast %broadcast_in_dim3A_464 : vector<16x1xi32> to vector<16x2048xi32>
    %eq3A_466 = arith.cmpi eq, %iota3A, %eq3A_465 : vector<16x2048xi32>
    %jit3A_467 = arith.constant 1.000000e+00 : f32
    %jit3A_468 = arith.constant 0.000000e+00 : f32
    %broadcast_in_dim3A_469 = vector.broadcast %jit3A_467 : f32 to vector<16x2048xf32>
    %broadcast_in_dim3A_470 = vector.broadcast %jit3A_468 : f32 to vector<16x2048xf32>
    %select_n3A_471 = arith.select %eq3A_466, %broadcast_in_dim3A_469, %broadcast_in_dim3A_470 : vector<16x2048xi1>, vector<16x2048xf32>
    %swap3A_472 = arith.constant 0 : index
    %swap3A_473 = arith.constant 17 : index
    %swap3A_474 = arith.constant 0 : index
    %swap3A_475 = vector.load %arg7[%swap3A_472, %swap3A_473, %swap3A_474] : memref<16x40x2048xf32, #tpu.memory_space<vmem>>, vector<16x1x2048xf32>
    %swap3A_476 = vector.shape_cast %swap3A_475 : vector<16x1x2048xf32> to vector<16x2048xf32>
    %swap3A_477 = vector.shape_cast %select_n3A_471 : vector<16x2048xf32> to vector<16x1x2048xf32>
    tpu.vector_store %arg7[%swap3A_472, %swap3A_473, %swap3A_474], %swap3A_477 {strides = array<i32>} : memref<16x40x2048xf32, #tpu.memory_space<vmem>>, vector<16x1x2048xf32>,
    %jit3A_478 = arith.constant -1.000000e+30 : f32
    %broadcast_in_dim3A_479 = vector.broadcast %jit3A_478 : f32 to vector<16x2048xf32>
    %select_n3A_480 = arith.select %eq3A_466, %broadcast_in_dim3A_479, %select_n3A_453 : vector<16x2048xi1>, vector<16x2048xf32>
    %reduce_max3A_481 = arith.constant dense<0xFF800000> : vector<16xf32>
    %reduce_max3A_482 = vector.multi_reduction <maximumf>, %select_n3A_480, %reduce_max3A_481 [1] : vector<16x2048xf32> to vector<16xf32>
    %broadcast_in_dim3A_483 = vector.shape_cast %reduce_max3A_482 : vector<16xf32> to vector<16x1xf32>
    %eq3A_484 = vector.broadcast %broadcast_in_dim3A_483 : vector<16x1xf32> to vector<16x2048xf32>
    %eq3A_485 = arith.cmpf oeq, %select_n3A_480, %eq3A_484 : vector<16x2048xf32>
    %jit3A_486 = arith.constant 2048 : i32
    %broadcast_in_dim3A_487 = vector.broadcast %jit3A_486 : i32 to vector<16x2048xi32>
    %select_n3A_488 = arith.select %eq3A_485, %iota3A, %broadcast_in_dim3A_487 : vector<16x2048xi1>, vector<16x2048xi32>
    %reduce_min3A_489 = arith.constant dense<2147483647> : vector<16xi32>
    %reduce_min3A_490 = vector.multi_reduction <minsi>, %select_n3A_488, %reduce_min3A_489 [1] : vector<16x2048xi32> to vector<16xi32>
    %broadcast_in_dim3A_491 = vector.shape_cast %reduce_min3A_490 : vector<16xi32> to vector<16x1xi32>
    %eq3A_492 = vector.broadcast %broadcast_in_dim3A_491 : vector<16x1xi32> to vector<16x2048xi32>
    %eq3A_493 = arith.cmpi eq, %iota3A, %eq3A_492 : vector<16x2048xi32>
    %jit3A_494 = arith.constant 1.000000e+00 : f32
    %jit3A_495 = arith.constant 0.000000e+00 : f32
    %broadcast_in_dim3A_496 = vector.broadcast %jit3A_494 : f32 to vector<16x2048xf32>
    %broadcast_in_dim3A_497 = vector.broadcast %jit3A_495 : f32 to vector<16x2048xf32>
    %select_n3A_498 = arith.select %eq3A_493, %broadcast_in_dim3A_496, %broadcast_in_dim3A_497 : vector<16x2048xi1>, vector<16x2048xf32>
    %swap3A_499 = arith.constant 0 : index
    %swap3A_500 = arith.constant 18 : index
    %swap3A_501 = arith.constant 0 : index
    %swap3A_502 = vector.load %arg7[%swap3A_499, %swap3A_500, %swap3A_501] : memref<16x40x2048xf32, #tpu.memory_space<vmem>>, vector<16x1x2048xf32>
    %swap3A_503 = vector.shape_cast %swap3A_502 : vector<16x1x2048xf32> to vector<16x2048xf32>
    %swap3A_504 = vector.shape_cast %select_n3A_498 : vector<16x2048xf32> to vector<16x1x2048xf32>
    tpu.vector_store %arg7[%swap3A_499, %swap3A_500, %swap3A_501], %swap3A_504 {strides = array<i32>} : memref<16x40x2048xf32, #tpu.memory_space<vmem>>, vector<16x1x2048xf32>,
    %jit3A_505 = arith.constant -1.000000e+30 : f32
    %broadcast_in_dim3A_506 = vector.broadcast %jit3A_505 : f32 to vector<16x2048xf32>
    %select_n3A_507 = arith.select %eq3A_493, %broadcast_in_dim3A_506, %select_n3A_480 : vector<16x2048xi1>, vector<16x2048xf32>
    %reduce_max3A_508 = arith.constant dense<0xFF800000> : vector<16xf32>
    %reduce_max3A_509 = vector.multi_reduction <maximumf>, %select_n3A_507, %reduce_max3A_508 [1] : vector<16x2048xf32> to vector<16xf32>
    %broadcast_in_dim3A_510 = vector.shape_cast %reduce_max3A_509 : vector<16xf32> to vector<16x1xf32>
    %eq3A_511 = vector.broadcast %broadcast_in_dim3A_510 : vector<16x1xf32> to vector<16x2048xf32>
    %eq3A_512 = arith.cmpf oeq, %select_n3A_507, %eq3A_511 : vector<16x2048xf32>
    %jit3A_513 = arith.constant 2048 : i32
    %broadcast_in_dim3A_514 = vector.broadcast %jit3A_513 : i32 to vector<16x2048xi32>
    %select_n3A_515 = arith.select %eq3A_512, %iota3A, %broadcast_in_dim3A_514 : vector<16x2048xi1>, vector<16x2048xi32>
    %reduce_min3A_516 = arith.constant dense<2147483647> : vector<16xi32>
    %reduce_min3A_517 = vector.multi_reduction <minsi>, %select_n3A_515, %reduce_min3A_516 [1] : vector<16x2048xi32> to vector<16xi32>
    %broadcast_in_dim3A_518 = vector.shape_cast %reduce_min3A_517 : vector<16xi32> to vector<16x1xi32>
    %eq3A_519 = vector.broadcast %broadcast_in_dim3A_518 : vector<16x1xi32> to vector<16x2048xi32>
    %eq3A_520 = arith.cmpi eq, %iota3A, %eq3A_519 : vector<16x2048xi32>
    %jit3A_521 = arith.constant 1.000000e+00 : f32
    %jit3A_522 = arith.constant 0.000000e+00 : f32
    %broadcast_in_dim3A_523 = vector.broadcast %jit3A_521 : f32 to vector<16x2048xf32>
    %broadcast_in_dim3A_524 = vector.broadcast %jit3A_522 : f32 to vector<16x2048xf32>
    %select_n3A_525 = arith.select %eq3A_520, %broadcast_in_dim3A_523, %broadcast_in_dim3A_524 : vector<16x2048xi1>, vector<16x2048xf32>
    %swap3A_526 = arith.constant 0 : index
    %swap3A_527 = arith.constant 19 : index
    %swap3A_528 = arith.constant 0 : index
    %swap3A_529 = vector.load %arg7[%swap3A_526, %swap3A_527, %swap3A_528] : memref<16x40x2048xf32, #tpu.memory_space<vmem>>, vector<16x1x2048xf32>
    %swap3A_530 = vector.shape_cast %swap3A_529 : vector<16x1x2048xf32> to vector<16x2048xf32>
    %swap3A_531 = vector.shape_cast %select_n3A_525 : vector<16x2048xf32> to vector<16x1x2048xf32>
    tpu.vector_store %arg7[%swap3A_526, %swap3A_527, %swap3A_528], %swap3A_531 {strides = array<i32>} : memref<16x40x2048xf32, #tpu.memory_space<vmem>>, vector<16x1x2048xf32>,
    %jit3A_532 = arith.constant -1.000000e+30 : f32
    %broadcast_in_dim3A_533 = vector.broadcast %jit3A_532 : f32 to vector<16x2048xf32>
    %select_n3A_534 = arith.select %eq3A_520, %broadcast_in_dim3A_533, %select_n3A_507 : vector<16x2048xi1>, vector<16x2048xf32>
    %reduce_max3A_535 = arith.constant dense<0xFF800000> : vector<16xf32>
    %reduce_max3A_536 = vector.multi_reduction <maximumf>, %select_n3A_534, %reduce_max3A_535 [1] : vector<16x2048xf32> to vector<16xf32>
    %broadcast_in_dim3A_537 = vector.shape_cast %reduce_max3A_536 : vector<16xf32> to vector<16x1xf32>
    %eq3A_538 = vector.broadcast %broadcast_in_dim3A_537 : vector<16x1xf32> to vector<16x2048xf32>
    %eq3A_539 = arith.cmpf oeq, %select_n3A_534, %eq3A_538 : vector<16x2048xf32>
    %jit3A_540 = arith.constant 2048 : i32
    %broadcast_in_dim3A_541 = vector.broadcast %jit3A_540 : i32 to vector<16x2048xi32>
    %select_n3A_542 = arith.select %eq3A_539, %iota3A, %broadcast_in_dim3A_541 : vector<16x2048xi1>, vector<16x2048xi32>
    %reduce_min3A_543 = arith.constant dense<2147483647> : vector<16xi32>
    %reduce_min3A_544 = vector.multi_reduction <minsi>, %select_n3A_542, %reduce_min3A_543 [1] : vector<16x2048xi32> to vector<16xi32>
    %broadcast_in_dim3A_545 = vector.shape_cast %reduce_min3A_544 : vector<16xi32> to vector<16x1xi32>
    %eq3A_546 = vector.broadcast %broadcast_in_dim3A_545 : vector<16x1xi32> to vector<16x2048xi32>
    %eq3A_547 = arith.cmpi eq, %iota3A, %eq3A_546 : vector<16x2048xi32>
    %jit3A_548 = arith.constant 1.000000e+00 : f32
    %jit3A_549 = arith.constant 0.000000e+00 : f32
    %broadcast_in_dim3A_550 = vector.broadcast %jit3A_548 : f32 to vector<16x2048xf32>
    %broadcast_in_dim3A_551 = vector.broadcast %jit3A_549 : f32 to vector<16x2048xf32>
    %select_n3A_552 = arith.select %eq3A_547, %broadcast_in_dim3A_550, %broadcast_in_dim3A_551 : vector<16x2048xi1>, vector<16x2048xf32>
    %swap3A_553 = arith.constant 0 : index
    %swap3A_554 = arith.constant 20 : index
    %swap3A_555 = arith.constant 0 : index
    %swap3A_556 = vector.load %arg7[%swap3A_553, %swap3A_554, %swap3A_555] : memref<16x40x2048xf32, #tpu.memory_space<vmem>>, vector<16x1x2048xf32>
    %swap3A_557 = vector.shape_cast %swap3A_556 : vector<16x1x2048xf32> to vector<16x2048xf32>
    %swap3A_558 = vector.shape_cast %select_n3A_552 : vector<16x2048xf32> to vector<16x1x2048xf32>
    tpu.vector_store %arg7[%swap3A_553, %swap3A_554, %swap3A_555], %swap3A_558 {strides = array<i32>} : memref<16x40x2048xf32, #tpu.memory_space<vmem>>, vector<16x1x2048xf32>,
    %jit3A_559 = arith.constant -1.000000e+30 : f32
    %broadcast_in_dim3A_560 = vector.broadcast %jit3A_559 : f32 to vector<16x2048xf32>
    %select_n3A_561 = arith.select %eq3A_547, %broadcast_in_dim3A_560, %select_n3A_534 : vector<16x2048xi1>, vector<16x2048xf32>
    %reduce_max3A_562 = arith.constant dense<0xFF800000> : vector<16xf32>
    %reduce_max3A_563 = vector.multi_reduction <maximumf>, %select_n3A_561, %reduce_max3A_562 [1] : vector<16x2048xf32> to vector<16xf32>
    %broadcast_in_dim3A_564 = vector.shape_cast %reduce_max3A_563 : vector<16xf32> to vector<16x1xf32>
    %eq3A_565 = vector.broadcast %broadcast_in_dim3A_564 : vector<16x1xf32> to vector<16x2048xf32>
    %eq3A_566 = arith.cmpf oeq, %select_n3A_561, %eq3A_565 : vector<16x2048xf32>
    %jit3A_567 = arith.constant 2048 : i32
    %broadcast_in_dim3A_568 = vector.broadcast %jit3A_567 : i32 to vector<16x2048xi32>
    %select_n3A_569 = arith.select %eq3A_566, %iota3A, %broadcast_in_dim3A_568 : vector<16x2048xi1>, vector<16x2048xi32>
    %reduce_min3A_570 = arith.constant dense<2147483647> : vector<16xi32>
    %reduce_min3A_571 = vector.multi_reduction <minsi>, %select_n3A_569, %reduce_min3A_570 [1] : vector<16x2048xi32> to vector<16xi32>
    %broadcast_in_dim3A_572 = vector.shape_cast %reduce_min3A_571 : vector<16xi32> to vector<16x1xi32>
    %eq3A_573 = vector.broadcast %broadcast_in_dim3A_572 : vector<16x1xi32> to vector<16x2048xi32>
    %eq3A_574 = arith.cmpi eq, %iota3A, %eq3A_573 : vector<16x2048xi32>
    %jit3A_575 = arith.constant 1.000000e+00 : f32
    %jit3A_576 = arith.constant 0.000000e+00 : f32
    %broadcast_in_dim3A_577 = vector.broadcast %jit3A_575 : f32 to vector<16x2048xf32>
    %broadcast_in_dim3A_578 = vector.broadcast %jit3A_576 : f32 to vector<16x2048xf32>
    %select_n3A_579 = arith.select %eq3A_574, %broadcast_in_dim3A_577, %broadcast_in_dim3A_578 : vector<16x2048xi1>, vector<16x2048xf32>
    %swap3A_580 = arith.constant 0 : index
    %swap3A_581 = arith.constant 21 : index
    %swap3A_582 = arith.constant 0 : index
    %swap3A_583 = vector.load %arg7[%swap3A_580, %swap3A_581, %swap3A_582] : memref<16x40x2048xf32, #tpu.memory_space<vmem>>, vector<16x1x2048xf32>
    %swap3A_584 = vector.shape_cast %swap3A_583 : vector<16x1x2048xf32> to vector<16x2048xf32>
    %swap3A_585 = vector.shape_cast %select_n3A_579 : vector<16x2048xf32> to vector<16x1x2048xf32>
    tpu.vector_store %arg7[%swap3A_580, %swap3A_581, %swap3A_582], %swap3A_585 {strides = array<i32>} : memref<16x40x2048xf32, #tpu.memory_space<vmem>>, vector<16x1x2048xf32>,
    %jit3A_586 = arith.constant -1.000000e+30 : f32
    %broadcast_in_dim3A_587 = vector.broadcast %jit3A_586 : f32 to vector<16x2048xf32>
    %select_n3A_588 = arith.select %eq3A_574, %broadcast_in_dim3A_587, %select_n3A_561 : vector<16x2048xi1>, vector<16x2048xf32>
    %reduce_max3A_589 = arith.constant dense<0xFF800000> : vector<16xf32>
    %reduce_max3A_590 = vector.multi_reduction <maximumf>, %select_n3A_588, %reduce_max3A_589 [1] : vector<16x2048xf32> to vector<16xf32>
    %broadcast_in_dim3A_591 = vector.shape_cast %reduce_max3A_590 : vector<16xf32> to vector<16x1xf32>
    %eq3A_592 = vector.broadcast %broadcast_in_dim3A_591 : vector<16x1xf32> to vector<16x2048xf32>
    %eq3A_593 = arith.cmpf oeq, %select_n3A_588, %eq3A_592 : vector<16x2048xf32>
    %jit3A_594 = arith.constant 2048 : i32
    %broadcast_in_dim3A_595 = vector.broadcast %jit3A_594 : i32 to vector<16x2048xi32>
    %select_n3A_596 = arith.select %eq3A_593, %iota3A, %broadcast_in_dim3A_595 : vector<16x2048xi1>, vector<16x2048xi32>
    %reduce_min3A_597 = arith.constant dense<2147483647> : vector<16xi32>
    %reduce_min3A_598 = vector.multi_reduction <minsi>, %select_n3A_596, %reduce_min3A_597 [1] : vector<16x2048xi32> to vector<16xi32>
    %broadcast_in_dim3A_599 = vector.shape_cast %reduce_min3A_598 : vector<16xi32> to vector<16x1xi32>
    %eq3A_600 = vector.broadcast %broadcast_in_dim3A_599 : vector<16x1xi32> to vector<16x2048xi32>
    %eq3A_601 = arith.cmpi eq, %iota3A, %eq3A_600 : vector<16x2048xi32>
    %jit3A_602 = arith.constant 1.000000e+00 : f32
    %jit3A_603 = arith.constant 0.000000e+00 : f32
    %broadcast_in_dim3A_604 = vector.broadcast %jit3A_602 : f32 to vector<16x2048xf32>
    %broadcast_in_dim3A_605 = vector.broadcast %jit3A_603 : f32 to vector<16x2048xf32>
    %select_n3A_606 = arith.select %eq3A_601, %broadcast_in_dim3A_604, %broadcast_in_dim3A_605 : vector<16x2048xi1>, vector<16x2048xf32>
    %swap3A_607 = arith.constant 0 : index
    %swap3A_608 = arith.constant 22 : index
    %swap3A_609 = arith.constant 0 : index
    %swap3A_610 = vector.load %arg7[%swap3A_607, %swap3A_608, %swap3A_609] : memref<16x40x2048xf32, #tpu.memory_space<vmem>>, vector<16x1x2048xf32>
    %swap3A_611 = vector.shape_cast %swap3A_610 : vector<16x1x2048xf32> to vector<16x2048xf32>
    %swap3A_612 = vector.shape_cast %select_n3A_606 : vector<16x2048xf32> to vector<16x1x2048xf32>
    tpu.vector_store %arg7[%swap3A_607, %swap3A_608, %swap3A_609], %swap3A_612 {strides = array<i32>} : memref<16x40x2048xf32, #tpu.memory_space<vmem>>, vector<16x1x2048xf32>,
    %jit3A_613 = arith.constant -1.000000e+30 : f32
    %broadcast_in_dim3A_614 = vector.broadcast %jit3A_613 : f32 to vector<16x2048xf32>
    %select_n3A_615 = arith.select %eq3A_601, %broadcast_in_dim3A_614, %select_n3A_588 : vector<16x2048xi1>, vector<16x2048xf32>
    %reduce_max3A_616 = arith.constant dense<0xFF800000> : vector<16xf32>
    %reduce_max3A_617 = vector.multi_reduction <maximumf>, %select_n3A_615, %reduce_max3A_616 [1] : vector<16x2048xf32> to vector<16xf32>
    %broadcast_in_dim3A_618 = vector.shape_cast %reduce_max3A_617 : vector<16xf32> to vector<16x1xf32>
    %eq3A_619 = vector.broadcast %broadcast_in_dim3A_618 : vector<16x1xf32> to vector<16x2048xf32>
    %eq3A_620 = arith.cmpf oeq, %select_n3A_615, %eq3A_619 : vector<16x2048xf32>
    %jit3A_621 = arith.constant 2048 : i32
    %broadcast_in_dim3A_622 = vector.broadcast %jit3A_621 : i32 to vector<16x2048xi32>
    %select_n3A_623 = arith.select %eq3A_620, %iota3A, %broadcast_in_dim3A_622 : vector<16x2048xi1>, vector<16x2048xi32>
    %reduce_min3A_624 = arith.constant dense<2147483647> : vector<16xi32>
    %reduce_min3A_625 = vector.multi_reduction <minsi>, %select_n3A_623, %reduce_min3A_624 [1] : vector<16x2048xi32> to vector<16xi32>
    %broadcast_in_dim3A_626 = vector.shape_cast %reduce_min3A_625 : vector<16xi32> to vector<16x1xi32>
    %eq3A_627 = vector.broadcast %broadcast_in_dim3A_626 : vector<16x1xi32> to vector<16x2048xi32>
    %eq3A_628 = arith.cmpi eq, %iota3A, %eq3A_627 : vector<16x2048xi32>
    %jit3A_629 = arith.constant 1.000000e+00 : f32
    %jit3A_630 = arith.constant 0.000000e+00 : f32
    %broadcast_in_dim3A_631 = vector.broadcast %jit3A_629 : f32 to vector<16x2048xf32>
    %broadcast_in_dim3A_632 = vector.broadcast %jit3A_630 : f32 to vector<16x2048xf32>
    %select_n3A_633 = arith.select %eq3A_628, %broadcast_in_dim3A_631, %broadcast_in_dim3A_632 : vector<16x2048xi1>, vector<16x2048xf32>
    %swap3A_634 = arith.constant 0 : index
    %swap3A_635 = arith.constant 23 : index
    %swap3A_636 = arith.constant 0 : index
    %swap3A_637 = vector.load %arg7[%swap3A_634, %swap3A_635, %swap3A_636] : memref<16x40x2048xf32, #tpu.memory_space<vmem>>, vector<16x1x2048xf32>
    %swap3A_638 = vector.shape_cast %swap3A_637 : vector<16x1x2048xf32> to vector<16x2048xf32>
    %swap3A_639 = vector.shape_cast %select_n3A_633 : vector<16x2048xf32> to vector<16x1x2048xf32>
    tpu.vector_store %arg7[%swap3A_634, %swap3A_635, %swap3A_636], %swap3A_639 {strides = array<i32>} : memref<16x40x2048xf32, #tpu.memory_space<vmem>>, vector<16x1x2048xf32>,
    %jit3A_640 = arith.constant -1.000000e+30 : f32
    %broadcast_in_dim3A_641 = vector.broadcast %jit3A_640 : f32 to vector<16x2048xf32>
    %select_n3A_642 = arith.select %eq3A_628, %broadcast_in_dim3A_641, %select_n3A_615 : vector<16x2048xi1>, vector<16x2048xf32>
    %reduce_max3A_643 = arith.constant dense<0xFF800000> : vector<16xf32>
    %reduce_max3A_644 = vector.multi_reduction <maximumf>, %select_n3A_642, %reduce_max3A_643 [1] : vector<16x2048xf32> to vector<16xf32>
    %broadcast_in_dim3A_645 = vector.shape_cast %reduce_max3A_644 : vector<16xf32> to vector<16x1xf32>
    %eq3A_646 = vector.broadcast %broadcast_in_dim3A_645 : vector<16x1xf32> to vector<16x2048xf32>
    %eq3A_647 = arith.cmpf oeq, %select_n3A_642, %eq3A_646 : vector<16x2048xf32>
    %jit3A_648 = arith.constant 2048 : i32
    %broadcast_in_dim3A_649 = vector.broadcast %jit3A_648 : i32 to vector<16x2048xi32>
    %select_n3A_650 = arith.select %eq3A_647, %iota3A, %broadcast_in_dim3A_649 : vector<16x2048xi1>, vector<16x2048xi32>
    %reduce_min3A_651 = arith.constant dense<2147483647> : vector<16xi32>
    %reduce_min3A_652 = vector.multi_reduction <minsi>, %select_n3A_650, %reduce_min3A_651 [1] : vector<16x2048xi32> to vector<16xi32>
    %broadcast_in_dim3A_653 = vector.shape_cast %reduce_min3A_652 : vector<16xi32> to vector<16x1xi32>
    %eq3A_654 = vector.broadcast %broadcast_in_dim3A_653 : vector<16x1xi32> to vector<16x2048xi32>
    %eq3A_655 = arith.cmpi eq, %iota3A, %eq3A_654 : vector<16x2048xi32>
    %jit3A_656 = arith.constant 1.000000e+00 : f32
    %jit3A_657 = arith.constant 0.000000e+00 : f32
    %broadcast_in_dim3A_658 = vector.broadcast %jit3A_656 : f32 to vector<16x2048xf32>
    %broadcast_in_dim3A_659 = vector.broadcast %jit3A_657 : f32 to vector<16x2048xf32>
    %select_n3A_660 = arith.select %eq3A_655, %broadcast_in_dim3A_658, %broadcast_in_dim3A_659 : vector<16x2048xi1>, vector<16x2048xf32>
    %swap3A_661 = arith.constant 0 : index
    %swap3A_662 = arith.constant 24 : index
    %swap3A_663 = arith.constant 0 : index
    %swap3A_664 = vector.load %arg7[%swap3A_661, %swap3A_662, %swap3A_663] : memref<16x40x2048xf32, #tpu.memory_space<vmem>>, vector<16x1x2048xf32>
    %swap3A_665 = vector.shape_cast %swap3A_664 : vector<16x1x2048xf32> to vector<16x2048xf32>
    %swap3A_666 = vector.shape_cast %select_n3A_660 : vector<16x2048xf32> to vector<16x1x2048xf32>
    tpu.vector_store %arg7[%swap3A_661, %swap3A_662, %swap3A_663], %swap3A_666 {strides = array<i32>} : memref<16x40x2048xf32, #tpu.memory_space<vmem>>, vector<16x1x2048xf32>,
    %jit3A_667 = arith.constant -1.000000e+30 : f32
    %broadcast_in_dim3A_668 = vector.broadcast %jit3A_667 : f32 to vector<16x2048xf32>
    %select_n3A_669 = arith.select %eq3A_655, %broadcast_in_dim3A_668, %select_n3A_642 : vector<16x2048xi1>, vector<16x2048xf32>
    %reduce_max3A_670 = arith.constant dense<0xFF800000> : vector<16xf32>
    %reduce_max3A_671 = vector.multi_reduction <maximumf>, %select_n3A_669, %reduce_max3A_670 [1] : vector<16x2048xf32> to vector<16xf32>
    %broadcast_in_dim3A_672 = vector.shape_cast %reduce_max3A_671 : vector<16xf32> to vector<16x1xf32>
    %eq3A_673 = vector.broadcast %broadcast_in_dim3A_672 : vector<16x1xf32> to vector<16x2048xf32>
    %eq3A_674 = arith.cmpf oeq, %select_n3A_669, %eq3A_673 : vector<16x2048xf32>
    %jit3A_675 = arith.constant 2048 : i32
    %broadcast_in_dim3A_676 = vector.broadcast %jit3A_675 : i32 to vector<16x2048xi32>
    %select_n3A_677 = arith.select %eq3A_674, %iota3A, %broadcast_in_dim3A_676 : vector<16x2048xi1>, vector<16x2048xi32>
    %reduce_min3A_678 = arith.constant dense<2147483647> : vector<16xi32>
    %reduce_min3A_679 = vector.multi_reduction <minsi>, %select_n3A_677, %reduce_min3A_678 [1] : vector<16x2048xi32> to vector<16xi32>
    %broadcast_in_dim3A_680 = vector.shape_cast %reduce_min3A_679 : vector<16xi32> to vector<16x1xi32>
    %eq3A_681 = vector.broadcast %broadcast_in_dim3A_680 : vector<16x1xi32> to vector<16x2048xi32>
    %eq3A_682 = arith.cmpi eq, %iota3A, %eq3A_681 : vector<16x2048xi32>
    %jit3A_683 = arith.constant 1.000000e+00 : f32
    %jit3A_684 = arith.constant 0.000000e+00 : f32
    %broadcast_in_dim3A_685 = vector.broadcast %jit3A_683 : f32 to vector<16x2048xf32>
    %broadcast_in_dim3A_686 = vector.broadcast %jit3A_684 : f32 to vector<16x2048xf32>
    %select_n3A_687 = arith.select %eq3A_682, %broadcast_in_dim3A_685, %broadcast_in_dim3A_686 : vector<16x2048xi1>, vector<16x2048xf32>
    %swap3A_688 = arith.constant 0 : index
    %swap3A_689 = arith.constant 25 : index
    %swap3A_690 = arith.constant 0 : index
    %swap3A_691 = vector.load %arg7[%swap3A_688, %swap3A_689, %swap3A_690] : memref<16x40x2048xf32, #tpu.memory_space<vmem>>, vector<16x1x2048xf32>
    %swap3A_692 = vector.shape_cast %swap3A_691 : vector<16x1x2048xf32> to vector<16x2048xf32>
    %swap3A_693 = vector.shape_cast %select_n3A_687 : vector<16x2048xf32> to vector<16x1x2048xf32>
    tpu.vector_store %arg7[%swap3A_688, %swap3A_689, %swap3A_690], %swap3A_693 {strides = array<i32>} : memref<16x40x2048xf32, #tpu.memory_space<vmem>>, vector<16x1x2048xf32>,
    %jit3A_694 = arith.constant -1.000000e+30 : f32
    %broadcast_in_dim3A_695 = vector.broadcast %jit3A_694 : f32 to vector<16x2048xf32>
    %select_n3A_696 = arith.select %eq3A_682, %broadcast_in_dim3A_695, %select_n3A_669 : vector<16x2048xi1>, vector<16x2048xf32>
    %reduce_max3A_697 = arith.constant dense<0xFF800000> : vector<16xf32>
    %reduce_max3A_698 = vector.multi_reduction <maximumf>, %select_n3A_696, %reduce_max3A_697 [1] : vector<16x2048xf32> to vector<16xf32>
    %broadcast_in_dim3A_699 = vector.shape_cast %reduce_max3A_698 : vector<16xf32> to vector<16x1xf32>
    %eq3A_700 = vector.broadcast %broadcast_in_dim3A_699 : vector<16x1xf32> to vector<16x2048xf32>
    %eq3A_701 = arith.cmpf oeq, %select_n3A_696, %eq3A_700 : vector<16x2048xf32>
    %jit3A_702 = arith.constant 2048 : i32
    %broadcast_in_dim3A_703 = vector.broadcast %jit3A_702 : i32 to vector<16x2048xi32>
    %select_n3A_704 = arith.select %eq3A_701, %iota3A, %broadcast_in_dim3A_703 : vector<16x2048xi1>, vector<16x2048xi32>
    %reduce_min3A_705 = arith.constant dense<2147483647> : vector<16xi32>
    %reduce_min3A_706 = vector.multi_reduction <minsi>, %select_n3A_704, %reduce_min3A_705 [1] : vector<16x2048xi32> to vector<16xi32>
    %broadcast_in_dim3A_707 = vector.shape_cast %reduce_min3A_706 : vector<16xi32> to vector<16x1xi32>
    %eq3A_708 = vector.broadcast %broadcast_in_dim3A_707 : vector<16x1xi32> to vector<16x2048xi32>
    %eq3A_709 = arith.cmpi eq, %iota3A, %eq3A_708 : vector<16x2048xi32>
    %jit3A_710 = arith.constant 1.000000e+00 : f32
    %jit3A_711 = arith.constant 0.000000e+00 : f32
    %broadcast_in_dim3A_712 = vector.broadcast %jit3A_710 : f32 to vector<16x2048xf32>
    %broadcast_in_dim3A_713 = vector.broadcast %jit3A_711 : f32 to vector<16x2048xf32>
    %select_n3A_714 = arith.select %eq3A_709, %broadcast_in_dim3A_712, %broadcast_in_dim3A_713 : vector<16x2048xi1>, vector<16x2048xf32>
    %swap3A_715 = arith.constant 0 : index
    %swap3A_716 = arith.constant 26 : index
    %swap3A_717 = arith.constant 0 : index
    %swap3A_718 = vector.load %arg7[%swap3A_715, %swap3A_716, %swap3A_717] : memref<16x40x2048xf32, #tpu.memory_space<vmem>>, vector<16x1x2048xf32>
    %swap3A_719 = vector.shape_cast %swap3A_718 : vector<16x1x2048xf32> to vector<16x2048xf32>
    %swap3A_720 = vector.shape_cast %select_n3A_714 : vector<16x2048xf32> to vector<16x1x2048xf32>
    tpu.vector_store %arg7[%swap3A_715, %swap3A_716, %swap3A_717], %swap3A_720 {strides = array<i32>} : memref<16x40x2048xf32, #tpu.memory_space<vmem>>, vector<16x1x2048xf32>,
    %jit3A_721 = arith.constant -1.000000e+30 : f32
    %broadcast_in_dim3A_722 = vector.broadcast %jit3A_721 : f32 to vector<16x2048xf32>
    %select_n3A_723 = arith.select %eq3A_709, %broadcast_in_dim3A_722, %select_n3A_696 : vector<16x2048xi1>, vector<16x2048xf32>
    %reduce_max3A_724 = arith.constant dense<0xFF800000> : vector<16xf32>
    %reduce_max3A_725 = vector.multi_reduction <maximumf>, %select_n3A_723, %reduce_max3A_724 [1] : vector<16x2048xf32> to vector<16xf32>
    %broadcast_in_dim3A_726 = vector.shape_cast %reduce_max3A_725 : vector<16xf32> to vector<16x1xf32>
    %eq3A_727 = vector.broadcast %broadcast_in_dim3A_726 : vector<16x1xf32> to vector<16x2048xf32>
    %eq3A_728 = arith.cmpf oeq, %select_n3A_723, %eq3A_727 : vector<16x2048xf32>
    %jit3A_729 = arith.constant 2048 : i32
    %broadcast_in_dim3A_730 = vector.broadcast %jit3A_729 : i32 to vector<16x2048xi32>
    %select_n3A_731 = arith.select %eq3A_728, %iota3A, %broadcast_in_dim3A_730 : vector<16x2048xi1>, vector<16x2048xi32>
    %reduce_min3A_732 = arith.constant dense<2147483647> : vector<16xi32>
    %reduce_min3A_733 = vector.multi_reduction <minsi>, %select_n3A_731, %reduce_min3A_732 [1] : vector<16x2048xi32> to vector<16xi32>
    %broadcast_in_dim3A_734 = vector.shape_cast %reduce_min3A_733 : vector<16xi32> to vector<16x1xi32>
    %eq3A_735 = vector.broadcast %broadcast_in_dim3A_734 : vector<16x1xi32> to vector<16x2048xi32>
    %eq3A_736 = arith.cmpi eq, %iota3A, %eq3A_735 : vector<16x2048xi32>
    %jit3A_737 = arith.constant 1.000000e+00 : f32
    %jit3A_738 = arith.constant 0.000000e+00 : f32
    %broadcast_in_dim3A_739 = vector.broadcast %jit3A_737 : f32 to vector<16x2048xf32>
    %broadcast_in_dim3A_740 = vector.broadcast %jit3A_738 : f32 to vector<16x2048xf32>
    %select_n3A_741 = arith.select %eq3A_736, %broadcast_in_dim3A_739, %broadcast_in_dim3A_740 : vector<16x2048xi1>, vector<16x2048xf32>
    %swap3A_742 = arith.constant 0 : index
    %swap3A_743 = arith.constant 27 : index
    %swap3A_744 = arith.constant 0 : index
    %swap3A_745 = vector.load %arg7[%swap3A_742, %swap3A_743, %swap3A_744] : memref<16x40x2048xf32, #tpu.memory_space<vmem>>, vector<16x1x2048xf32>
    %swap3A_746 = vector.shape_cast %swap3A_745 : vector<16x1x2048xf32> to vector<16x2048xf32>
    %swap3A_747 = vector.shape_cast %select_n3A_741 : vector<16x2048xf32> to vector<16x1x2048xf32>
    tpu.vector_store %arg7[%swap3A_742, %swap3A_743, %swap3A_744], %swap3A_747 {strides = array<i32>} : memref<16x40x2048xf32, #tpu.memory_space<vmem>>, vector<16x1x2048xf32>,
    %jit3A_748 = arith.constant -1.000000e+30 : f32
    %broadcast_in_dim3A_749 = vector.broadcast %jit3A_748 : f32 to vector<16x2048xf32>
    %select_n3A_750 = arith.select %eq3A_736, %broadcast_in_dim3A_749, %select_n3A_723 : vector<16x2048xi1>, vector<16x2048xf32>
    %reduce_max3A_751 = arith.constant dense<0xFF800000> : vector<16xf32>
    %reduce_max3A_752 = vector.multi_reduction <maximumf>, %select_n3A_750, %reduce_max3A_751 [1] : vector<16x2048xf32> to vector<16xf32>
    %broadcast_in_dim3A_753 = vector.shape_cast %reduce_max3A_752 : vector<16xf32> to vector<16x1xf32>
    %eq3A_754 = vector.broadcast %broadcast_in_dim3A_753 : vector<16x1xf32> to vector<16x2048xf32>
    %eq3A_755 = arith.cmpf oeq, %select_n3A_750, %eq3A_754 : vector<16x2048xf32>
    %jit3A_756 = arith.constant 2048 : i32
    %broadcast_in_dim3A_757 = vector.broadcast %jit3A_756 : i32 to vector<16x2048xi32>
    %select_n3A_758 = arith.select %eq3A_755, %iota3A, %broadcast_in_dim3A_757 : vector<16x2048xi1>, vector<16x2048xi32>
    %reduce_min3A_759 = arith.constant dense<2147483647> : vector<16xi32>
    %reduce_min3A_760 = vector.multi_reduction <minsi>, %select_n3A_758, %reduce_min3A_759 [1] : vector<16x2048xi32> to vector<16xi32>
    %broadcast_in_dim3A_761 = vector.shape_cast %reduce_min3A_760 : vector<16xi32> to vector<16x1xi32>
    %eq3A_762 = vector.broadcast %broadcast_in_dim3A_761 : vector<16x1xi32> to vector<16x2048xi32>
    %eq3A_763 = arith.cmpi eq, %iota3A, %eq3A_762 : vector<16x2048xi32>
    %jit3A_764 = arith.constant 1.000000e+00 : f32
    %jit3A_765 = arith.constant 0.000000e+00 : f32
    %broadcast_in_dim3A_766 = vector.broadcast %jit3A_764 : f32 to vector<16x2048xf32>
    %broadcast_in_dim3A_767 = vector.broadcast %jit3A_765 : f32 to vector<16x2048xf32>
    %select_n3A_768 = arith.select %eq3A_763, %broadcast_in_dim3A_766, %broadcast_in_dim3A_767 : vector<16x2048xi1>, vector<16x2048xf32>
    %swap3A_769 = arith.constant 0 : index
    %swap3A_770 = arith.constant 28 : index
    %swap3A_771 = arith.constant 0 : index
    %swap3A_772 = vector.load %arg7[%swap3A_769, %swap3A_770, %swap3A_771] : memref<16x40x2048xf32, #tpu.memory_space<vmem>>, vector<16x1x2048xf32>
    %swap3A_773 = vector.shape_cast %swap3A_772 : vector<16x1x2048xf32> to vector<16x2048xf32>
    %swap3A_774 = vector.shape_cast %select_n3A_768 : vector<16x2048xf32> to vector<16x1x2048xf32>
    tpu.vector_store %arg7[%swap3A_769, %swap3A_770, %swap3A_771], %swap3A_774 {strides = array<i32>} : memref<16x40x2048xf32, #tpu.memory_space<vmem>>, vector<16x1x2048xf32>,
    %jit3A_775 = arith.constant -1.000000e+30 : f32
    %broadcast_in_dim3A_776 = vector.broadcast %jit3A_775 : f32 to vector<16x2048xf32>
    %select_n3A_777 = arith.select %eq3A_763, %broadcast_in_dim3A_776, %select_n3A_750 : vector<16x2048xi1>, vector<16x2048xf32>
    %reduce_max3A_778 = arith.constant dense<0xFF800000> : vector<16xf32>
    %reduce_max3A_779 = vector.multi_reduction <maximumf>, %select_n3A_777, %reduce_max3A_778 [1] : vector<16x2048xf32> to vector<16xf32>
    %broadcast_in_dim3A_780 = vector.shape_cast %reduce_max3A_779 : vector<16xf32> to vector<16x1xf32>
    %eq3A_781 = vector.broadcast %broadcast_in_dim3A_780 : vector<16x1xf32> to vector<16x2048xf32>
    %eq3A_782 = arith.cmpf oeq, %select_n3A_777, %eq3A_781 : vector<16x2048xf32>
    %jit3A_783 = arith.constant 2048 : i32
    %broadcast_in_dim3A_784 = vector.broadcast %jit3A_783 : i32 to vector<16x2048xi32>
    %select_n3A_785 = arith.select %eq3A_782, %iota3A, %broadcast_in_dim3A_784 : vector<16x2048xi1>, vector<16x2048xi32>
    %reduce_min3A_786 = arith.constant dense<2147483647> : vector<16xi32>
    %reduce_min3A_787 = vector.multi_reduction <minsi>, %select_n3A_785, %reduce_min3A_786 [1] : vector<16x2048xi32> to vector<16xi32>
    %broadcast_in_dim3A_788 = vector.shape_cast %reduce_min3A_787 : vector<16xi32> to vector<16x1xi32>
    %eq3A_789 = vector.broadcast %broadcast_in_dim3A_788 : vector<16x1xi32> to vector<16x2048xi32>
    %eq3A_790 = arith.cmpi eq, %iota3A, %eq3A_789 : vector<16x2048xi32>
    %jit3A_791 = arith.constant 1.000000e+00 : f32
    %jit3A_792 = arith.constant 0.000000e+00 : f32
    %broadcast_in_dim3A_793 = vector.broadcast %jit3A_791 : f32 to vector<16x2048xf32>
    %broadcast_in_dim3A_794 = vector.broadcast %jit3A_792 : f32 to vector<16x2048xf32>
    %select_n3A_795 = arith.select %eq3A_790, %broadcast_in_dim3A_793, %broadcast_in_dim3A_794 : vector<16x2048xi1>, vector<16x2048xf32>
    %swap3A_796 = arith.constant 0 : index
    %swap3A_797 = arith.constant 29 : index
    %swap3A_798 = arith.constant 0 : index
    %swap3A_799 = vector.load %arg7[%swap3A_796, %swap3A_797, %swap3A_798] : memref<16x40x2048xf32, #tpu.memory_space<vmem>>, vector<16x1x2048xf32>
    %swap3A_800 = vector.shape_cast %swap3A_799 : vector<16x1x2048xf32> to vector<16x2048xf32>
    %swap3A_801 = vector.shape_cast %select_n3A_795 : vector<16x2048xf32> to vector<16x1x2048xf32>
    tpu.vector_store %arg7[%swap3A_796, %swap3A_797, %swap3A_798], %swap3A_801 {strides = array<i32>} : memref<16x40x2048xf32, #tpu.memory_space<vmem>>, vector<16x1x2048xf32>,
    %jit3A_802 = arith.constant -1.000000e+30 : f32
    %broadcast_in_dim3A_803 = vector.broadcast %jit3A_802 : f32 to vector<16x2048xf32>
    %select_n3A_804 = arith.select %eq3A_790, %broadcast_in_dim3A_803, %select_n3A_777 : vector<16x2048xi1>, vector<16x2048xf32>
    %reduce_max3A_805 = arith.constant dense<0xFF800000> : vector<16xf32>
    %reduce_max3A_806 = vector.multi_reduction <maximumf>, %select_n3A_804, %reduce_max3A_805 [1] : vector<16x2048xf32> to vector<16xf32>
    %broadcast_in_dim3A_807 = vector.shape_cast %reduce_max3A_806 : vector<16xf32> to vector<16x1xf32>
    %eq3A_808 = vector.broadcast %broadcast_in_dim3A_807 : vector<16x1xf32> to vector<16x2048xf32>
    %eq3A_809 = arith.cmpf oeq, %select_n3A_804, %eq3A_808 : vector<16x2048xf32>
    %jit3A_810 = arith.constant 2048 : i32
    %broadcast_in_dim3A_811 = vector.broadcast %jit3A_810 : i32 to vector<16x2048xi32>
    %select_n3A_812 = arith.select %eq3A_809, %iota3A, %broadcast_in_dim3A_811 : vector<16x2048xi1>, vector<16x2048xi32>
    %reduce_min3A_813 = arith.constant dense<2147483647> : vector<16xi32>
    %reduce_min3A_814 = vector.multi_reduction <minsi>, %select_n3A_812, %reduce_min3A_813 [1] : vector<16x2048xi32> to vector<16xi32>
    %broadcast_in_dim3A_815 = vector.shape_cast %reduce_min3A_814 : vector<16xi32> to vector<16x1xi32>
    %eq3A_816 = vector.broadcast %broadcast_in_dim3A_815 : vector<16x1xi32> to vector<16x2048xi32>
    %eq3A_817 = arith.cmpi eq, %iota3A, %eq3A_816 : vector<16x2048xi32>
    %jit3A_818 = arith.constant 1.000000e+00 : f32
    %jit3A_819 = arith.constant 0.000000e+00 : f32
    %broadcast_in_dim3A_820 = vector.broadcast %jit3A_818 : f32 to vector<16x2048xf32>
    %broadcast_in_dim3A_821 = vector.broadcast %jit3A_819 : f32 to vector<16x2048xf32>
    %select_n3A_822 = arith.select %eq3A_817, %broadcast_in_dim3A_820, %broadcast_in_dim3A_821 : vector<16x2048xi1>, vector<16x2048xf32>
    %swap3A_823 = arith.constant 0 : index
    %swap3A_824 = arith.constant 30 : index
    %swap3A_825 = arith.constant 0 : index
    %swap3A_826 = vector.load %arg7[%swap3A_823, %swap3A_824, %swap3A_825] : memref<16x40x2048xf32, #tpu.memory_space<vmem>>, vector<16x1x2048xf32>
    %swap3A_827 = vector.shape_cast %swap3A_826 : vector<16x1x2048xf32> to vector<16x2048xf32>
    %swap3A_828 = vector.shape_cast %select_n3A_822 : vector<16x2048xf32> to vector<16x1x2048xf32>
    tpu.vector_store %arg7[%swap3A_823, %swap3A_824, %swap3A_825], %swap3A_828 {strides = array<i32>} : memref<16x40x2048xf32, #tpu.memory_space<vmem>>, vector<16x1x2048xf32>,
    %jit3A_829 = arith.constant -1.000000e+30 : f32
    %broadcast_in_dim3A_830 = vector.broadcast %jit3A_829 : f32 to vector<16x2048xf32>
    %select_n3A_831 = arith.select %eq3A_817, %broadcast_in_dim3A_830, %select_n3A_804 : vector<16x2048xi1>, vector<16x2048xf32>
    %reduce_max3A_832 = arith.constant dense<0xFF800000> : vector<16xf32>
    %reduce_max3A_833 = vector.multi_reduction <maximumf>, %select_n3A_831, %reduce_max3A_832 [1] : vector<16x2048xf32> to vector<16xf32>
    %broadcast_in_dim3A_834 = vector.shape_cast %reduce_max3A_833 : vector<16xf32> to vector<16x1xf32>
    %eq3A_835 = vector.broadcast %broadcast_in_dim3A_834 : vector<16x1xf32> to vector<16x2048xf32>
    %eq3A_836 = arith.cmpf oeq, %select_n3A_831, %eq3A_835 : vector<16x2048xf32>
    %jit3A_837 = arith.constant 2048 : i32
    %broadcast_in_dim3A_838 = vector.broadcast %jit3A_837 : i32 to vector<16x2048xi32>
    %select_n3A_839 = arith.select %eq3A_836, %iota3A, %broadcast_in_dim3A_838 : vector<16x2048xi1>, vector<16x2048xi32>
    %reduce_min3A_840 = arith.constant dense<2147483647> : vector<16xi32>
    %reduce_min3A_841 = vector.multi_reduction <minsi>, %select_n3A_839, %reduce_min3A_840 [1] : vector<16x2048xi32> to vector<16xi32>
    %broadcast_in_dim3A_842 = vector.shape_cast %reduce_min3A_841 : vector<16xi32> to vector<16x1xi32>
    %eq3A_843 = vector.broadcast %broadcast_in_dim3A_842 : vector<16x1xi32> to vector<16x2048xi32>
    %eq3A_844 = arith.cmpi eq, %iota3A, %eq3A_843 : vector<16x2048xi32>
    %jit3A_845 = arith.constant 1.000000e+00 : f32
    %jit3A_846 = arith.constant 0.000000e+00 : f32
    %broadcast_in_dim3A_847 = vector.broadcast %jit3A_845 : f32 to vector<16x2048xf32>
    %broadcast_in_dim3A_848 = vector.broadcast %jit3A_846 : f32 to vector<16x2048xf32>
    %select_n3A_849 = arith.select %eq3A_844, %broadcast_in_dim3A_847, %broadcast_in_dim3A_848 : vector<16x2048xi1>, vector<16x2048xf32>
    %swap3A_850 = arith.constant 0 : index
    %swap3A_851 = arith.constant 31 : index
    %swap3A_852 = arith.constant 0 : index
    %swap3A_853 = vector.load %arg7[%swap3A_850, %swap3A_851, %swap3A_852] : memref<16x40x2048xf32, #tpu.memory_space<vmem>>, vector<16x1x2048xf32>
    %swap3A_854 = vector.shape_cast %swap3A_853 : vector<16x1x2048xf32> to vector<16x2048xf32>
    %swap3A_855 = vector.shape_cast %select_n3A_849 : vector<16x2048xf32> to vector<16x1x2048xf32>
    tpu.vector_store %arg7[%swap3A_850, %swap3A_851, %swap3A_852], %swap3A_855 {strides = array<i32>} : memref<16x40x2048xf32, #tpu.memory_space<vmem>>, vector<16x1x2048xf32>,
    %jit3A_856 = arith.constant -1.000000e+30 : f32
    %broadcast_in_dim3A_857 = vector.broadcast %jit3A_856 : f32 to vector<16x2048xf32>
    %select_n3A_858 = arith.select %eq3A_844, %broadcast_in_dim3A_857, %select_n3A_831 : vector<16x2048xi1>, vector<16x2048xf32>
    %reduce_max3A_859 = arith.constant dense<0xFF800000> : vector<16xf32>
    %reduce_max3A_860 = vector.multi_reduction <maximumf>, %select_n3A_858, %reduce_max3A_859 [1] : vector<16x2048xf32> to vector<16xf32>
    %broadcast_in_dim3A_861 = vector.shape_cast %reduce_max3A_860 : vector<16xf32> to vector<16x1xf32>
    %eq3A_862 = vector.broadcast %broadcast_in_dim3A_861 : vector<16x1xf32> to vector<16x2048xf32>
    %eq3A_863 = arith.cmpf oeq, %select_n3A_858, %eq3A_862 : vector<16x2048xf32>
    %jit3A_864 = arith.constant 2048 : i32
    %broadcast_in_dim3A_865 = vector.broadcast %jit3A_864 : i32 to vector<16x2048xi32>
    %select_n3A_866 = arith.select %eq3A_863, %iota3A, %broadcast_in_dim3A_865 : vector<16x2048xi1>, vector<16x2048xi32>
    %reduce_min3A_867 = arith.constant dense<2147483647> : vector<16xi32>
    %reduce_min3A_868 = vector.multi_reduction <minsi>, %select_n3A_866, %reduce_min3A_867 [1] : vector<16x2048xi32> to vector<16xi32>
    %broadcast_in_dim3A_869 = vector.shape_cast %reduce_min3A_868 : vector<16xi32> to vector<16x1xi32>
    %eq3A_870 = vector.broadcast %broadcast_in_dim3A_869 : vector<16x1xi32> to vector<16x2048xi32>
    %eq3A_871 = arith.cmpi eq, %iota3A, %eq3A_870 : vector<16x2048xi32>
    %jit3A_872 = arith.constant 1.000000e+00 : f32
    %jit3A_873 = arith.constant 0.000000e+00 : f32
    %broadcast_in_dim3A_874 = vector.broadcast %jit3A_872 : f32 to vector<16x2048xf32>
    %broadcast_in_dim3A_875 = vector.broadcast %jit3A_873 : f32 to vector<16x2048xf32>
    %select_n3A_876 = arith.select %eq3A_871, %broadcast_in_dim3A_874, %broadcast_in_dim3A_875 : vector<16x2048xi1>, vector<16x2048xf32>
    %swap3A_877 = arith.constant 0 : index
    %swap3A_878 = arith.constant 32 : index
    %swap3A_879 = arith.constant 0 : index
    %swap3A_880 = vector.load %arg7[%swap3A_877, %swap3A_878, %swap3A_879] : memref<16x40x2048xf32, #tpu.memory_space<vmem>>, vector<16x1x2048xf32>
    %swap3A_881 = vector.shape_cast %swap3A_880 : vector<16x1x2048xf32> to vector<16x2048xf32>
    %swap3A_882 = vector.shape_cast %select_n3A_876 : vector<16x2048xf32> to vector<16x1x2048xf32>
    tpu.vector_store %arg7[%swap3A_877, %swap3A_878, %swap3A_879], %swap3A_882 {strides = array<i32>} : memref<16x40x2048xf32, #tpu.memory_space<vmem>>, vector<16x1x2048xf32>,
    %jit3A_883 = arith.constant -1.000000e+30 : f32
    %broadcast_in_dim3A_884 = vector.broadcast %jit3A_883 : f32 to vector<16x2048xf32>
    %select_n3A_885 = arith.select %eq3A_871, %broadcast_in_dim3A_884, %select_n3A_858 : vector<16x2048xi1>, vector<16x2048xf32>
    %reduce_max3A_886 = arith.constant dense<0xFF800000> : vector<16xf32>
    %reduce_max3A_887 = vector.multi_reduction <maximumf>, %select_n3A_885, %reduce_max3A_886 [1] : vector<16x2048xf32> to vector<16xf32>
    %broadcast_in_dim3A_888 = vector.shape_cast %reduce_max3A_887 : vector<16xf32> to vector<16x1xf32>
    %eq3A_889 = vector.broadcast %broadcast_in_dim3A_888 : vector<16x1xf32> to vector<16x2048xf32>
    %eq3A_890 = arith.cmpf oeq, %select_n3A_885, %eq3A_889 : vector<16x2048xf32>
    %jit3A_891 = arith.constant 2048 : i32
    %broadcast_in_dim3A_892 = vector.broadcast %jit3A_891 : i32 to vector<16x2048xi32>
    %select_n3A_893 = arith.select %eq3A_890, %iota3A, %broadcast_in_dim3A_892 : vector<16x2048xi1>, vector<16x2048xi32>
    %reduce_min3A_894 = arith.constant dense<2147483647> : vector<16xi32>
    %reduce_min3A_895 = vector.multi_reduction <minsi>, %select_n3A_893, %reduce_min3A_894 [1] : vector<16x2048xi32> to vector<16xi32>
    %broadcast_in_dim3A_896 = vector.shape_cast %reduce_min3A_895 : vector<16xi32> to vector<16x1xi32>
    %eq3A_897 = vector.broadcast %broadcast_in_dim3A_896 : vector<16x1xi32> to vector<16x2048xi32>
    %eq3A_898 = arith.cmpi eq, %iota3A, %eq3A_897 : vector<16x2048xi32>
    %jit3A_899 = arith.constant 1.000000e+00 : f32
    %jit3A_900 = arith.constant 0.000000e+00 : f32
    %broadcast_in_dim3A_901 = vector.broadcast %jit3A_899 : f32 to vector<16x2048xf32>
    %broadcast_in_dim3A_902 = vector.broadcast %jit3A_900 : f32 to vector<16x2048xf32>
    %select_n3A_903 = arith.select %eq3A_898, %broadcast_in_dim3A_901, %broadcast_in_dim3A_902 : vector<16x2048xi1>, vector<16x2048xf32>
    %swap3A_904 = arith.constant 0 : index
    %swap3A_905 = arith.constant 33 : index
    %swap3A_906 = arith.constant 0 : index
    %swap3A_907 = vector.load %arg7[%swap3A_904, %swap3A_905, %swap3A_906] : memref<16x40x2048xf32, #tpu.memory_space<vmem>>, vector<16x1x2048xf32>
    %swap3A_908 = vector.shape_cast %swap3A_907 : vector<16x1x2048xf32> to vector<16x2048xf32>
    %swap3A_909 = vector.shape_cast %select_n3A_903 : vector<16x2048xf32> to vector<16x1x2048xf32>
    tpu.vector_store %arg7[%swap3A_904, %swap3A_905, %swap3A_906], %swap3A_909 {strides = array<i32>} : memref<16x40x2048xf32, #tpu.memory_space<vmem>>, vector<16x1x2048xf32>,
    %jit3A_910 = arith.constant -1.000000e+30 : f32
    %broadcast_in_dim3A_911 = vector.broadcast %jit3A_910 : f32 to vector<16x2048xf32>
    %select_n3A_912 = arith.select %eq3A_898, %broadcast_in_dim3A_911, %select_n3A_885 : vector<16x2048xi1>, vector<16x2048xf32>
    %reduce_max3A_913 = arith.constant dense<0xFF800000> : vector<16xf32>
    %reduce_max3A_914 = vector.multi_reduction <maximumf>, %select_n3A_912, %reduce_max3A_913 [1] : vector<16x2048xf32> to vector<16xf32>
    %broadcast_in_dim3A_915 = vector.shape_cast %reduce_max3A_914 : vector<16xf32> to vector<16x1xf32>
    %eq3A_916 = vector.broadcast %broadcast_in_dim3A_915 : vector<16x1xf32> to vector<16x2048xf32>
    %eq3A_917 = arith.cmpf oeq, %select_n3A_912, %eq3A_916 : vector<16x2048xf32>
    %jit3A_918 = arith.constant 2048 : i32
    %broadcast_in_dim3A_919 = vector.broadcast %jit3A_918 : i32 to vector<16x2048xi32>
    %select_n3A_920 = arith.select %eq3A_917, %iota3A, %broadcast_in_dim3A_919 : vector<16x2048xi1>, vector<16x2048xi32>
    %reduce_min3A_921 = arith.constant dense<2147483647> : vector<16xi32>
    %reduce_min3A_922 = vector.multi_reduction <minsi>, %select_n3A_920, %reduce_min3A_921 [1] : vector<16x2048xi32> to vector<16xi32>
    %broadcast_in_dim3A_923 = vector.shape_cast %reduce_min3A_922 : vector<16xi32> to vector<16x1xi32>
    %eq3A_924 = vector.broadcast %broadcast_in_dim3A_923 : vector<16x1xi32> to vector<16x2048xi32>
    %eq3A_925 = arith.cmpi eq, %iota3A, %eq3A_924 : vector<16x2048xi32>
    %jit3A_926 = arith.constant 1.000000e+00 : f32
    %jit3A_927 = arith.constant 0.000000e+00 : f32
    %broadcast_in_dim3A_928 = vector.broadcast %jit3A_926 : f32 to vector<16x2048xf32>
    %broadcast_in_dim3A_929 = vector.broadcast %jit3A_927 : f32 to vector<16x2048xf32>
    %select_n3A_930 = arith.select %eq3A_925, %broadcast_in_dim3A_928, %broadcast_in_dim3A_929 : vector<16x2048xi1>, vector<16x2048xf32>
    %swap3A_931 = arith.constant 0 : index
    %swap3A_932 = arith.constant 34 : index
    %swap3A_933 = arith.constant 0 : index
    %swap3A_934 = vector.load %arg7[%swap3A_931, %swap3A_932, %swap3A_933] : memref<16x40x2048xf32, #tpu.memory_space<vmem>>, vector<16x1x2048xf32>
    %swap3A_935 = vector.shape_cast %swap3A_934 : vector<16x1x2048xf32> to vector<16x2048xf32>
    %swap3A_936 = vector.shape_cast %select_n3A_930 : vector<16x2048xf32> to vector<16x1x2048xf32>
    tpu.vector_store %arg7[%swap3A_931, %swap3A_932, %swap3A_933], %swap3A_936 {strides = array<i32>} : memref<16x40x2048xf32, #tpu.memory_space<vmem>>, vector<16x1x2048xf32>,
    %jit3A_937 = arith.constant -1.000000e+30 : f32
    %broadcast_in_dim3A_938 = vector.broadcast %jit3A_937 : f32 to vector<16x2048xf32>
    %select_n3A_939 = arith.select %eq3A_925, %broadcast_in_dim3A_938, %select_n3A_912 : vector<16x2048xi1>, vector<16x2048xf32>
    %reduce_max3A_940 = arith.constant dense<0xFF800000> : vector<16xf32>
    %reduce_max3A_941 = vector.multi_reduction <maximumf>, %select_n3A_939, %reduce_max3A_940 [1] : vector<16x2048xf32> to vector<16xf32>
    %broadcast_in_dim3A_942 = vector.shape_cast %reduce_max3A_941 : vector<16xf32> to vector<16x1xf32>
    %eq3A_943 = vector.broadcast %broadcast_in_dim3A_942 : vector<16x1xf32> to vector<16x2048xf32>
    %eq3A_944 = arith.cmpf oeq, %select_n3A_939, %eq3A_943 : vector<16x2048xf32>
    %jit3A_945 = arith.constant 2048 : i32
    %broadcast_in_dim3A_946 = vector.broadcast %jit3A_945 : i32 to vector<16x2048xi32>
    %select_n3A_947 = arith.select %eq3A_944, %iota3A, %broadcast_in_dim3A_946 : vector<16x2048xi1>, vector<16x2048xi32>
    %reduce_min3A_948 = arith.constant dense<2147483647> : vector<16xi32>
    %reduce_min3A_949 = vector.multi_reduction <minsi>, %select_n3A_947, %reduce_min3A_948 [1] : vector<16x2048xi32> to vector<16xi32>
    %broadcast_in_dim3A_950 = vector.shape_cast %reduce_min3A_949 : vector<16xi32> to vector<16x1xi32>
    %eq3A_951 = vector.broadcast %broadcast_in_dim3A_950 : vector<16x1xi32> to vector<16x2048xi32>
    %eq3A_952 = arith.cmpi eq, %iota3A, %eq3A_951 : vector<16x2048xi32>
    %jit3A_953 = arith.constant 1.000000e+00 : f32
    %jit3A_954 = arith.constant 0.000000e+00 : f32
    %broadcast_in_dim3A_955 = vector.broadcast %jit3A_953 : f32 to vector<16x2048xf32>
    %broadcast_in_dim3A_956 = vector.broadcast %jit3A_954 : f32 to vector<16x2048xf32>
    %select_n3A_957 = arith.select %eq3A_952, %broadcast_in_dim3A_955, %broadcast_in_dim3A_956 : vector<16x2048xi1>, vector<16x2048xf32>
    %swap3A_958 = arith.constant 0 : index
    %swap3A_959 = arith.constant 35 : index
    %swap3A_960 = arith.constant 0 : index
    %swap3A_961 = vector.load %arg7[%swap3A_958, %swap3A_959, %swap3A_960] : memref<16x40x2048xf32, #tpu.memory_space<vmem>>, vector<16x1x2048xf32>
    %swap3A_962 = vector.shape_cast %swap3A_961 : vector<16x1x2048xf32> to vector<16x2048xf32>
    %swap3A_963 = vector.shape_cast %select_n3A_957 : vector<16x2048xf32> to vector<16x1x2048xf32>
    tpu.vector_store %arg7[%swap3A_958, %swap3A_959, %swap3A_960], %swap3A_963 {strides = array<i32>} : memref<16x40x2048xf32, #tpu.memory_space<vmem>>, vector<16x1x2048xf32>,
    %jit3A_964 = arith.constant -1.000000e+30 : f32
    %broadcast_in_dim3A_965 = vector.broadcast %jit3A_964 : f32 to vector<16x2048xf32>
    %select_n3A_966 = arith.select %eq3A_952, %broadcast_in_dim3A_965, %select_n3A_939 : vector<16x2048xi1>, vector<16x2048xf32>
    %reduce_max3A_967 = arith.constant dense<0xFF800000> : vector<16xf32>
    %reduce_max3A_968 = vector.multi_reduction <maximumf>, %select_n3A_966, %reduce_max3A_967 [1] : vector<16x2048xf32> to vector<16xf32>
    %broadcast_in_dim3A_969 = vector.shape_cast %reduce_max3A_968 : vector<16xf32> to vector<16x1xf32>
    %eq3A_970 = vector.broadcast %broadcast_in_dim3A_969 : vector<16x1xf32> to vector<16x2048xf32>
    %eq3A_971 = arith.cmpf oeq, %select_n3A_966, %eq3A_970 : vector<16x2048xf32>
    %jit3A_972 = arith.constant 2048 : i32
    %broadcast_in_dim3A_973 = vector.broadcast %jit3A_972 : i32 to vector<16x2048xi32>
    %select_n3A_974 = arith.select %eq3A_971, %iota3A, %broadcast_in_dim3A_973 : vector<16x2048xi1>, vector<16x2048xi32>
    %reduce_min3A_975 = arith.constant dense<2147483647> : vector<16xi32>
    %reduce_min3A_976 = vector.multi_reduction <minsi>, %select_n3A_974, %reduce_min3A_975 [1] : vector<16x2048xi32> to vector<16xi32>
    %broadcast_in_dim3A_977 = vector.shape_cast %reduce_min3A_976 : vector<16xi32> to vector<16x1xi32>
    %eq3A_978 = vector.broadcast %broadcast_in_dim3A_977 : vector<16x1xi32> to vector<16x2048xi32>
    %eq3A_979 = arith.cmpi eq, %iota3A, %eq3A_978 : vector<16x2048xi32>
    %jit3A_980 = arith.constant 1.000000e+00 : f32
    %jit3A_981 = arith.constant 0.000000e+00 : f32
    %broadcast_in_dim3A_982 = vector.broadcast %jit3A_980 : f32 to vector<16x2048xf32>
    %broadcast_in_dim3A_983 = vector.broadcast %jit3A_981 : f32 to vector<16x2048xf32>
    %select_n3A_984 = arith.select %eq3A_979, %broadcast_in_dim3A_982, %broadcast_in_dim3A_983 : vector<16x2048xi1>, vector<16x2048xf32>
    %swap3A_985 = arith.constant 0 : index
    %swap3A_986 = arith.constant 36 : index
    %swap3A_987 = arith.constant 0 : index
    %swap3A_988 = vector.load %arg7[%swap3A_985, %swap3A_986, %swap3A_987] : memref<16x40x2048xf32, #tpu.memory_space<vmem>>, vector<16x1x2048xf32>
    %swap3A_989 = vector.shape_cast %swap3A_988 : vector<16x1x2048xf32> to vector<16x2048xf32>
    %swap3A_990 = vector.shape_cast %select_n3A_984 : vector<16x2048xf32> to vector<16x1x2048xf32>
    tpu.vector_store %arg7[%swap3A_985, %swap3A_986, %swap3A_987], %swap3A_990 {strides = array<i32>} : memref<16x40x2048xf32, #tpu.memory_space<vmem>>, vector<16x1x2048xf32>,
    %jit3A_991 = arith.constant -1.000000e+30 : f32
    %broadcast_in_dim3A_992 = vector.broadcast %jit3A_991 : f32 to vector<16x2048xf32>
    %select_n3A_993 = arith.select %eq3A_979, %broadcast_in_dim3A_992, %select_n3A_966 : vector<16x2048xi1>, vector<16x2048xf32>
    %reduce_max3A_994 = arith.constant dense<0xFF800000> : vector<16xf32>
    %reduce_max3A_995 = vector.multi_reduction <maximumf>, %select_n3A_993, %reduce_max3A_994 [1] : vector<16x2048xf32> to vector<16xf32>
    %broadcast_in_dim3A_996 = vector.shape_cast %reduce_max3A_995 : vector<16xf32> to vector<16x1xf32>
    %eq3A_997 = vector.broadcast %broadcast_in_dim3A_996 : vector<16x1xf32> to vector<16x2048xf32>
    %eq3A_998 = arith.cmpf oeq, %select_n3A_993, %eq3A_997 : vector<16x2048xf32>
    %jit3A_999 = arith.constant 2048 : i32
    %broadcast_in_dim3A_1000 = vector.broadcast %jit3A_999 : i32 to vector<16x2048xi32>
    %select_n3A_1001 = arith.select %eq3A_998, %iota3A, %broadcast_in_dim3A_1000 : vector<16x2048xi1>, vector<16x2048xi32>
    %reduce_min3A_1002 = arith.constant dense<2147483647> : vector<16xi32>
    %reduce_min3A_1003 = vector.multi_reduction <minsi>, %select_n3A_1001, %reduce_min3A_1002 [1] : vector<16x2048xi32> to vector<16xi32>
    %broadcast_in_dim3A_1004 = vector.shape_cast %reduce_min3A_1003 : vector<16xi32> to vector<16x1xi32>
    %eq3A_1005 = vector.broadcast %broadcast_in_dim3A_1004 : vector<16x1xi32> to vector<16x2048xi32>
    %eq3A_1006 = arith.cmpi eq, %iota3A, %eq3A_1005 : vector<16x2048xi32>
    %jit3A_1007 = arith.constant 1.000000e+00 : f32
    %jit3A_1008 = arith.constant 0.000000e+00 : f32
    %broadcast_in_dim3A_1009 = vector.broadcast %jit3A_1007 : f32 to vector<16x2048xf32>
    %broadcast_in_dim3A_1010 = vector.broadcast %jit3A_1008 : f32 to vector<16x2048xf32>
    %select_n3A_1011 = arith.select %eq3A_1006, %broadcast_in_dim3A_1009, %broadcast_in_dim3A_1010 : vector<16x2048xi1>, vector<16x2048xf32>
    %swap3A_1012 = arith.constant 0 : index
    %swap3A_1013 = arith.constant 37 : index
    %swap3A_1014 = arith.constant 0 : index
    %swap3A_1015 = vector.load %arg7[%swap3A_1012, %swap3A_1013, %swap3A_1014] : memref<16x40x2048xf32, #tpu.memory_space<vmem>>, vector<16x1x2048xf32>
    %swap3A_1016 = vector.shape_cast %swap3A_1015 : vector<16x1x2048xf32> to vector<16x2048xf32>
    %swap3A_1017 = vector.shape_cast %select_n3A_1011 : vector<16x2048xf32> to vector<16x1x2048xf32>
    tpu.vector_store %arg7[%swap3A_1012, %swap3A_1013, %swap3A_1014], %swap3A_1017 {strides = array<i32>} : memref<16x40x2048xf32, #tpu.memory_space<vmem>>, vector<16x1x2048xf32>,
    %jit3A_1018 = arith.constant -1.000000e+30 : f32
    %broadcast_in_dim3A_1019 = vector.broadcast %jit3A_1018 : f32 to vector<16x2048xf32>
    %select_n3A_1020 = arith.select %eq3A_1006, %broadcast_in_dim3A_1019, %select_n3A_993 : vector<16x2048xi1>, vector<16x2048xf32>
    %reduce_max3A_1021 = arith.constant dense<0xFF800000> : vector<16xf32>
    %reduce_max3A_1022 = vector.multi_reduction <maximumf>, %select_n3A_1020, %reduce_max3A_1021 [1] : vector<16x2048xf32> to vector<16xf32>
    %broadcast_in_dim3A_1023 = vector.shape_cast %reduce_max3A_1022 : vector<16xf32> to vector<16x1xf32>
    %eq3A_1024 = vector.broadcast %broadcast_in_dim3A_1023 : vector<16x1xf32> to vector<16x2048xf32>
    %eq3A_1025 = arith.cmpf oeq, %select_n3A_1020, %eq3A_1024 : vector<16x2048xf32>
    %jit3A_1026 = arith.constant 2048 : i32
    %broadcast_in_dim3A_1027 = vector.broadcast %jit3A_1026 : i32 to vector<16x2048xi32>
    %select_n3A_1028 = arith.select %eq3A_1025, %iota3A, %broadcast_in_dim3A_1027 : vector<16x2048xi1>, vector<16x2048xi32>
    %reduce_min3A_1029 = arith.constant dense<2147483647> : vector<16xi32>
    %reduce_min3A_1030 = vector.multi_reduction <minsi>, %select_n3A_1028, %reduce_min3A_1029 [1] : vector<16x2048xi32> to vector<16xi32>
    %broadcast_in_dim3A_1031 = vector.shape_cast %reduce_min3A_1030 : vector<16xi32> to vector<16x1xi32>
    %eq3A_1032 = vector.broadcast %broadcast_in_dim3A_1031 : vector<16x1xi32> to vector<16x2048xi32>
    %eq3A_1033 = arith.cmpi eq, %iota3A, %eq3A_1032 : vector<16x2048xi32>
    %jit3A_1034 = arith.constant 1.000000e+00 : f32
    %jit3A_1035 = arith.constant 0.000000e+00 : f32
    %broadcast_in_dim3A_1036 = vector.broadcast %jit3A_1034 : f32 to vector<16x2048xf32>
    %broadcast_in_dim3A_1037 = vector.broadcast %jit3A_1035 : f32 to vector<16x2048xf32>
    %select_n3A_1038 = arith.select %eq3A_1033, %broadcast_in_dim3A_1036, %broadcast_in_dim3A_1037 : vector<16x2048xi1>, vector<16x2048xf32>
    %swap3A_1039 = arith.constant 0 : index
    %swap3A_1040 = arith.constant 38 : index
    %swap3A_1041 = arith.constant 0 : index
    %swap3A_1042 = vector.load %arg7[%swap3A_1039, %swap3A_1040, %swap3A_1041] : memref<16x40x2048xf32, #tpu.memory_space<vmem>>, vector<16x1x2048xf32>
    %swap3A_1043 = vector.shape_cast %swap3A_1042 : vector<16x1x2048xf32> to vector<16x2048xf32>
    %swap3A_1044 = vector.shape_cast %select_n3A_1038 : vector<16x2048xf32> to vector<16x1x2048xf32>
    tpu.vector_store %arg7[%swap3A_1039, %swap3A_1040, %swap3A_1041], %swap3A_1044 {strides = array<i32>} : memref<16x40x2048xf32, #tpu.memory_space<vmem>>, vector<16x1x2048xf32>,
    %jit3A_1045 = arith.constant -1.000000e+30 : f32
    %broadcast_in_dim3A_1046 = vector.broadcast %jit3A_1045 : f32 to vector<16x2048xf32>
    %select_n3A_1047 = arith.select %eq3A_1033, %broadcast_in_dim3A_1046, %select_n3A_1020 : vector<16x2048xi1>, vector<16x2048xf32>
    %reduce_max3A_1048 = arith.constant dense<0xFF800000> : vector<16xf32>
    %reduce_max3A_1049 = vector.multi_reduction <maximumf>, %select_n3A_1047, %reduce_max3A_1048 [1] : vector<16x2048xf32> to vector<16xf32>
    %broadcast_in_dim3A_1050 = vector.shape_cast %reduce_max3A_1049 : vector<16xf32> to vector<16x1xf32>
    %eq3A_1051 = vector.broadcast %broadcast_in_dim3A_1050 : vector<16x1xf32> to vector<16x2048xf32>
    %eq3A_1052 = arith.cmpf oeq, %select_n3A_1047, %eq3A_1051 : vector<16x2048xf32>
    %jit3A_1053 = arith.constant 2048 : i32
    %broadcast_in_dim3A_1054 = vector.broadcast %jit3A_1053 : i32 to vector<16x2048xi32>
    %select_n3A_1055 = arith.select %eq3A_1052, %iota3A, %broadcast_in_dim3A_1054 : vector<16x2048xi1>, vector<16x2048xi32>
    %reduce_min3A_1056 = arith.constant dense<2147483647> : vector<16xi32>
    %reduce_min3A_1057 = vector.multi_reduction <minsi>, %select_n3A_1055, %reduce_min3A_1056 [1] : vector<16x2048xi32> to vector<16xi32>
    %broadcast_in_dim3A_1058 = vector.shape_cast %reduce_min3A_1057 : vector<16xi32> to vector<16x1xi32>
    %eq3A_1059 = vector.broadcast %broadcast_in_dim3A_1058 : vector<16x1xi32> to vector<16x2048xi32>
    %eq3A_1060 = arith.cmpi eq, %iota3A, %eq3A_1059 : vector<16x2048xi32>
    %jit3A_1061 = arith.constant 1.000000e+00 : f32
    %jit3A_1062 = arith.constant 0.000000e+00 : f32
    %broadcast_in_dim3A_1063 = vector.broadcast %jit3A_1061 : f32 to vector<16x2048xf32>
    %broadcast_in_dim3A_1064 = vector.broadcast %jit3A_1062 : f32 to vector<16x2048xf32>
    %select_n3A_1065 = arith.select %eq3A_1060, %broadcast_in_dim3A_1063, %broadcast_in_dim3A_1064 : vector<16x2048xi1>, vector<16x2048xf32>
    %swap3A_1066 = arith.constant 0 : index
    %swap3A_1067 = arith.constant 39 : index
    %swap3A_1068 = arith.constant 0 : index
    %swap3A_1069 = vector.load %arg7[%swap3A_1066, %swap3A_1067, %swap3A_1068] : memref<16x40x2048xf32, #tpu.memory_space<vmem>>, vector<16x1x2048xf32>
    %swap3A_1070 = vector.shape_cast %swap3A_1069 : vector<16x1x2048xf32> to vector<16x2048xf32>
    %swap3A_1071 = vector.shape_cast %select_n3A_1065 : vector<16x2048xf32> to vector<16x1x2048xf32>
    tpu.vector_store %arg7[%swap3A_1066, %swap3A_1067, %swap3A_1068], %swap3A_1071 {strides = array<i32>} : memref<16x40x2048xf32, #tpu.memory_space<vmem>>, vector<16x1x2048xf32>,
    %iota3A_1072 = tpu.iota {dimensions = array<i32: 1>} : vector<64x64xi32>
    %get3A_1073 = arith.constant 0 : index
    %get3A_1074 = arith.constant 0 : index
    %get3A_1075 = arith.constant 0 : index
    %get3A_1076 = vector.load %arg7[%get3A_1073, %get3A_1074, %get3A_1075] : memref<16x40x2048xf32, #tpu.memory_space<vmem>>, vector<1x40x2048xf32>
    %get3A_1077 = vector.shape_cast %get3A_1076 : vector<1x40x2048xf32> to vector<40x2048xf32>
    %get3A_1078 = arith.constant 0 : index
    %get3A_1079 = arith.constant 0 : index
    %get3A_1080 = arith.constant 0 : index
    %get3A_1081 = vector.load %arg2[%get3A_1078, %get3A_1079, %get3A_1080] : memref<16x2048x64xf32, #tpu.memory_space<vmem>>, vector<1x2048x64xf32>
    %get3A_1082 = vector.shape_cast %get3A_1081 : vector<1x2048x64xf32> to vector<2048x64xf32>
    %dot_general3A = arith.constant dense<0.000000e+00> : vector<40x64xf32>
    %dot_general3A_1083 = tpu.matmul %get3A_1077, %get3A_1082, %dot_general3A {dimension_numbers = #tpu.dot_dimension_numbers<[1], [0], [0], [1], [0, 0, 1, 1], [], []>, precision = #tpu.contract_precision<fp32>, transpose_lhs_hint = false} : vector<40x2048xf32>, vector<2048x64xf32>, vector<40x64xf32> -> vector<40x64xf32>
    %reduce_max3A_1084 = arith.constant dense<0xFF800000> : vector<40xf32>
    %reduce_max3A_1085 = vector.multi_reduction <maximumf>, %dot_general3A_1083, %reduce_max3A_1084 [1] : vector<40x64xf32> to vector<40xf32>
    %broadcast_in_dim3A_1086 = vector.shape_cast %reduce_max3A_1085 : vector<40xf32> to vector<40x1xf32>
    %sub3A = vector.broadcast %broadcast_in_dim3A_1086 : vector<40x1xf32> to vector<40x64xf32>
    %sub3A_1087 = arith.subf %dot_general3A_1083, %sub3A : vector<40x64xf32>
    %exp3A = math.exp %sub3A_1087 : vector<40x64xf32>
    %reduce_sum3A = arith.constant dense<0.000000e+00> : vector<40xf32>
    %reduce_sum3A_1088 = vector.multi_reduction <add>, %exp3A, %reduce_sum3A [1] : vector<40x64xf32> to vector<40xf32>
    %broadcast_in_dim3A_1089 = vector.shape_cast %reduce_sum3A_1088 : vector<40xf32> to vector<40x1xf32>
    %div3A = vector.broadcast %broadcast_in_dim3A_1089 : vector<40x1xf32> to vector<40x64xf32>
    %div3A_1090 = arith.divf %exp3A, %div3A : vector<40x64xf32>
    %get3A_1091 = arith.constant 0 : index
    %get3A_1092 = arith.constant 0 : index
    %get3A_1093 = arith.constant 0 : index
    %get3A_1094 = vector.load %arg4[%get3A_1091, %get3A_1092, %get3A_1093] : memref<16x64x64xf32, #tpu.memory_space<vmem>>, vector<1x64x64xf32>
    %get3A_1095 = vector.shape_cast %get3A_1094 : vector<1x64x64xf32> to vector<64x64xf32>
    %dot_general3A_1096 = arith.constant dense<0.000000e+00> : vector<40x64xf32>
    %dot_general3A_1097 = tpu.matmul %div3A_1090, %get3A_1095, %dot_general3A_1096 {dimension_numbers = #tpu.dot_dimension_numbers<[1], [0], [0], [1], [0, 0, 1, 1], [], []>, transpose_lhs_hint = false} : vector<40x64xf32>, vector<64x64xf32>, vector<40x64xf32> -> vector<40x64xf32>
    %broadcast_in_dim3A_1098 = arith.constant 0.000000e+00 : f32
    %broadcast_in_dim3A_1099 = vector.broadcast %broadcast_in_dim3A_1098 : f32 to vector<24x64xf32>
    %concatenate3A = tpu.concatenate %dot_general3A_1097, %broadcast_in_dim3A_1099 in 0 : vector<40x64xf32>, vector<24x64xf32> -> vector<64x64xf32>
    %get3A_1100 = arith.constant 0 : index
    %get3A_1101 = arith.constant 0 : index
    %get3A_1102 = vector.load %arg3[%get3A_1100, %get3A_1101] : memref<16x64xf32, #tpu.memory_space<vmem>>, vector<1x64xf32>
    %get3A_1103 = vector.shape_cast %get3A_1102 : vector<1x64xf32> to vector<64xf32>
    %convert_element_type3A = arith.fptosi %get3A_1103 : vector<64xf32> to vector<64xi32>
    %jit3A_1104 = arith.constant 0 : i32
    %jit3A_1105 = arith.constant 2047 : i32
    %max3A = vector.broadcast %jit3A_1104 : i32 to vector<64xi32>
    %max3A_1106 = arith.maxsi %max3A, %convert_element_type3A : vector<64xi32>
    %min3A = vector.broadcast %jit3A_1105 : i32 to vector<64xi32>
    %min3A_1107 = arith.minsi %min3A, %max3A_1106 : vector<64xi32>
    %broadcast_in_dim3A_1108 = vector.shape_cast %min3A_1107 : vector<64xi32> to vector<1x64xi32>
    %broadcast_in_dim3A_1109 = vector.shape_cast %min3A_1107 : vector<64xi32> to vector<64x1xi32>
    %eq3A_1110 = vector.broadcast %broadcast_in_dim3A_1108 : vector<1x64xi32> to vector<64x64xi32>
    %eq3A_1111 = vector.broadcast %broadcast_in_dim3A_1109 : vector<64x1xi32> to vector<64x64xi32>
    %eq3A_1112 = arith.cmpi eq, %eq3A_1110, %eq3A_1111 : vector<64x64xi32>
    %jit3A_1113 = arith.constant -1 : i32
    %broadcast_in_dim3A_1114 = vector.broadcast %jit3A_1113 : i32 to vector<64x64xi32>
    %select_n3A_1115 = arith.select %eq3A_1112, %iota3A_1072, %broadcast_in_dim3A_1114 : vector<64x64xi1>, vector<64x64xi32>
    %reduce_max3A_1116 = arith.constant dense<-2147483648> : vector<64xi32>
    %reduce_max3A_1117 = vector.multi_reduction <maxsi>, %select_n3A_1115, %reduce_max3A_1116 [1] : vector<64x64xi32> to vector<64xi32>
    %broadcast_in_dim3A_1118 = vector.shape_cast %reduce_max3A_1117 : vector<64xi32> to vector<64x1xi32>
    %eq3A_1119 = vector.broadcast %broadcast_in_dim3A_1118 : vector<64x1xi32> to vector<64x64xi32>
    %eq3A_1120 = arith.cmpi eq, %iota3A_1072, %eq3A_1119 : vector<64x64xi32>
    %jit3A_1121 = arith.constant 1.000000e+00 : f32
    %jit3A_1122 = arith.constant 0.000000e+00 : f32
    %broadcast_in_dim3A_1123 = vector.broadcast %jit3A_1121 : f32 to vector<64x64xf32>
    %broadcast_in_dim3A_1124 = vector.broadcast %jit3A_1122 : f32 to vector<64x64xf32>
    %select_n3A_1125 = arith.select %eq3A_1120, %broadcast_in_dim3A_1123, %broadcast_in_dim3A_1124 : vector<64x64xi1>, vector<64x64xf32>
    %dot_general3A_1126 = arith.constant dense<0.000000e+00> : vector<64x64xf32>
    %dot_general3A_1127 = tpu.matmul %select_n3A_1125, %concatenate3A, %dot_general3A_1126 {dimension_numbers = #tpu.dot_dimension_numbers<[1], [0], [0], [1], [0, 0, 1, 1], [], []>, precision = #tpu.contract_precision<fp32>, transpose_lhs_hint = false} : vector<64x64xf32>, vector<64x64xf32>, vector<64x64xf32> -> vector<64x64xf32>
    %broadcast_in_dim3A_1128 = arith.constant 0.000000e+00 : f32
    %broadcast_in_dim3A_1129 = vector.broadcast %broadcast_in_dim3A_1128 : f32 to vector<64x64xf32>
    %concatenate3A_1130 = tpu.concatenate %dot_general3A_1127, %broadcast_in_dim3A_1129 in 1 : vector<64x64xf32>, vector<64x64xf32> -> vector<64x128xf32>
    %swap3A_1131 = arith.constant 0 : index
    %swap3A_1132 = arith.constant 0 : index
    %swap3A_1133 = arith.constant 0 : index
    %swap3A_1134 = vector.load %arg5[%swap3A_1131, %swap3A_1132, %swap3A_1133] : memref<16x64x128xf32, #tpu.memory_space<vmem>>, vector<1x64x128xf32>
    %swap3A_1135 = vector.shape_cast %swap3A_1134 : vector<1x64x128xf32> to vector<64x128xf32>
    %swap3A_1136 = vector.shape_cast %concatenate3A_1130 : vector<64x128xf32> to vector<1x64x128xf32>
    tpu.vector_store %arg5[%swap3A_1131, %swap3A_1132, %swap3A_1133], %swap3A_1136 {strides = array<i32>} : memref<16x64x128xf32, #tpu.memory_space<vmem>>, vector<1x64x128xf32>,
    %add3A = arith.constant 0 : i32
    %add3A_1137 = vector.broadcast %add3A : i32 to vector<64xi32>
    %add3A_1138 = arith.addi %min3A_1107, %add3A_1137 : vector<64xi32>
    %swap3A_1139 = arith.constant 0 : index
    %swap3A_1140 = arith.constant 0 : index
    %swap3A_1141 = vector.load %arg6[%swap3A_1139, %swap3A_1140] : memref<16x64xi32, #tpu.memory_space<vmem>>, vector<1x64xi32>
    %swap3A_1142 = vector.shape_cast %swap3A_1141 : vector<1x64xi32> to vector<64xi32>
    %swap3A_1143 = vector.shape_cast %add3A_1138 : vector<64xi32> to vector<1x64xi32>
    tpu.vector_store %arg6[%swap3A_1139, %swap3A_1140], %swap3A_1143 {strides = array<i32>} : memref<16x64xi32, #tpu.memory_space<vmem>>, vector<1x64xi32>,
    %get3A_1144 = arith.constant 1 : index
    %get3A_1145 = arith.constant 0 : index
    %get3A_1146 = arith.constant 0 : index
    %get3A_1147 = vector.load %arg7[%get3A_1144, %get3A_1145, %get3A_1146] : memref<16x40x2048xf32, #tpu.memory_space<vmem>>, vector<1x40x2048xf32>
    %get3A_1148 = vector.shape_cast %get3A_1147 : vector<1x40x2048xf32> to vector<40x2048xf32>
    %get3A_1149 = arith.constant 1 : index
    %get3A_1150 = arith.constant 0 : index
    %get3A_1151 = arith.constant 0 : index
    %get3A_1152 = vector.load %arg2[%get3A_1149, %get3A_1150, %get3A_1151] : memref<16x2048x64xf32, #tpu.memory_space<vmem>>, vector<1x2048x64xf32>
    %get3A_1153 = vector.shape_cast %get3A_1152 : vector<1x2048x64xf32> to vector<2048x64xf32>
    %dot_general3A_1154 = arith.constant dense<0.000000e+00> : vector<40x64xf32>
    %dot_general3A_1155 = tpu.matmul %get3A_1148, %get3A_1153, %dot_general3A_1154 {dimension_numbers = #tpu.dot_dimension_numbers<[1], [0], [0], [1], [0, 0, 1, 1], [], []>, precision = #tpu.contract_precision<fp32>, transpose_lhs_hint = false} : vector<40x2048xf32>, vector<2048x64xf32>, vector<40x64xf32> -> vector<40x64xf32>
    %reduce_max3A_1156 = arith.constant dense<0xFF800000> : vector<40xf32>
    %reduce_max3A_1157 = vector.multi_reduction <maximumf>, %dot_general3A_1155, %reduce_max3A_1156 [1] : vector<40x64xf32> to vector<40xf32>
    %broadcast_in_dim3A_1158 = vector.shape_cast %reduce_max3A_1157 : vector<40xf32> to vector<40x1xf32>
    %sub3A_1159 = vector.broadcast %broadcast_in_dim3A_1158 : vector<40x1xf32> to vector<40x64xf32>
    %sub3A_1160 = arith.subf %dot_general3A_1155, %sub3A_1159 : vector<40x64xf32>
    %exp3A_1161 = math.exp %sub3A_1160 : vector<40x64xf32>
    %reduce_sum3A_1162 = arith.constant dense<0.000000e+00> : vector<40xf32>
    %reduce_sum3A_1163 = vector.multi_reduction <add>, %exp3A_1161, %reduce_sum3A_1162 [1] : vector<40x64xf32> to vector<40xf32>
    %broadcast_in_dim3A_1164 = vector.shape_cast %reduce_sum3A_1163 : vector<40xf32> to vector<40x1xf32>
    %div3A_1165 = vector.broadcast %broadcast_in_dim3A_1164 : vector<40x1xf32> to vector<40x64xf32>
    %div3A_1166 = arith.divf %exp3A_1161, %div3A_1165 : vector<40x64xf32>
    %get3A_1167 = arith.constant 1 : index
    %get3A_1168 = arith.constant 0 : index
    %get3A_1169 = arith.constant 0 : index
    %get3A_1170 = vector.load %arg4[%get3A_1167, %get3A_1168, %get3A_1169] : memref<16x64x64xf32, #tpu.memory_space<vmem>>, vector<1x64x64xf32>
    %get3A_1171 = vector.shape_cast %get3A_1170 : vector<1x64x64xf32> to vector<64x64xf32>
    %dot_general3A_1172 = arith.constant dense<0.000000e+00> : vector<40x64xf32>
    %dot_general3A_1173 = tpu.matmul %div3A_1166, %get3A_1171, %dot_general3A_1172 {dimension_numbers = #tpu.dot_dimension_numbers<[1], [0], [0], [1], [0, 0, 1, 1], [], []>, transpose_lhs_hint = false} : vector<40x64xf32>, vector<64x64xf32>, vector<40x64xf32> -> vector<40x64xf32>
    %broadcast_in_dim3A_1174 = arith.constant 0.000000e+00 : f32
    %broadcast_in_dim3A_1175 = vector.broadcast %broadcast_in_dim3A_1174 : f32 to vector<24x64xf32>
    %concatenate3A_1176 = tpu.concatenate %dot_general3A_1173, %broadcast_in_dim3A_1175 in 0 : vector<40x64xf32>, vector<24x64xf32> -> vector<64x64xf32>
    %get3A_1177 = arith.constant 1 : index
    %get3A_1178 = arith.constant 0 : index
    %get3A_1179 = vector.load %arg3[%get3A_1177, %get3A_1178] : memref<16x64xf32, #tpu.memory_space<vmem>>, vector<1x64xf32>
    %get3A_1180 = vector.shape_cast %get3A_1179 : vector<1x64xf32> to vector<64xf32>
    %convert_element_type3A_1181 = arith.fptosi %get3A_1180 : vector<64xf32> to vector<64xi32>
    %jit3A_1182 = arith.constant 0 : i32
    %jit3A_1183 = arith.constant 2047 : i32
    %max3A_1184 = vector.broadcast %jit3A_1182 : i32 to vector<64xi32>
    %max3A_1185 = arith.maxsi %max3A_1184, %convert_element_type3A_1181 : vector<64xi32>
    %min3A_1186 = vector.broadcast %jit3A_1183 : i32 to vector<64xi32>
    %min3A_1187 = arith.minsi %min3A_1186, %max3A_1185 : vector<64xi32>
    %broadcast_in_dim3A_1188 = vector.shape_cast %min3A_1187 : vector<64xi32> to vector<1x64xi32>
    %broadcast_in_dim3A_1189 = vector.shape_cast %min3A_1187 : vector<64xi32> to vector<64x1xi32>
    %eq3A_1190 = vector.broadcast %broadcast_in_dim3A_1188 : vector<1x64xi32> to vector<64x64xi32>
    %eq3A_1191 = vector.broadcast %broadcast_in_dim3A_1189 : vector<64x1xi32> to vector<64x64xi32>
    %eq3A_1192 = arith.cmpi eq, %eq3A_1190, %eq3A_1191 : vector<64x64xi32>
    %jit3A_1193 = arith.constant -1 : i32
    %broadcast_in_dim3A_1194 = vector.broadcast %jit3A_1193 : i32 to vector<64x64xi32>
    %select_n3A_1195 = arith.select %eq3A_1192, %iota3A_1072, %broadcast_in_dim3A_1194 : vector<64x64xi1>, vector<64x64xi32>
    %reduce_max3A_1196 = arith.constant dense<-2147483648> : vector<64xi32>
    %reduce_max3A_1197 = vector.multi_reduction <maxsi>, %select_n3A_1195, %reduce_max3A_1196 [1] : vector<64x64xi32> to vector<64xi32>
    %broadcast_in_dim3A_1198 = vector.shape_cast %reduce_max3A_1197 : vector<64xi32> to vector<64x1xi32>
    %eq3A_1199 = vector.broadcast %broadcast_in_dim3A_1198 : vector<64x1xi32> to vector<64x64xi32>
    %eq3A_1200 = arith.cmpi eq, %iota3A_1072, %eq3A_1199 : vector<64x64xi32>
    %jit3A_1201 = arith.constant 1.000000e+00 : f32
    %jit3A_1202 = arith.constant 0.000000e+00 : f32
    %broadcast_in_dim3A_1203 = vector.broadcast %jit3A_1201 : f32 to vector<64x64xf32>
    %broadcast_in_dim3A_1204 = vector.broadcast %jit3A_1202 : f32 to vector<64x64xf32>
    %select_n3A_1205 = arith.select %eq3A_1200, %broadcast_in_dim3A_1203, %broadcast_in_dim3A_1204 : vector<64x64xi1>, vector<64x64xf32>
    %dot_general3A_1206 = arith.constant dense<0.000000e+00> : vector<64x64xf32>
    %dot_general3A_1207 = tpu.matmul %select_n3A_1205, %concatenate3A_1176, %dot_general3A_1206 {dimension_numbers = #tpu.dot_dimension_numbers<[1], [0], [0], [1], [0, 0, 1, 1], [], []>, precision = #tpu.contract_precision<fp32>, transpose_lhs_hint = false} : vector<64x64xf32>, vector<64x64xf32>, vector<64x64xf32> -> vector<64x64xf32>
    %broadcast_in_dim3A_1208 = arith.constant 0.000000e+00 : f32
    %broadcast_in_dim3A_1209 = vector.broadcast %broadcast_in_dim3A_1208 : f32 to vector<64x64xf32>
    %concatenate3A_1210 = tpu.concatenate %dot_general3A_1207, %broadcast_in_dim3A_1209 in 1 : vector<64x64xf32>, vector<64x64xf32> -> vector<64x128xf32>
    %swap3A_1211 = arith.constant 1 : index
    %swap3A_1212 = arith.constant 0 : index
    %swap3A_1213 = arith.constant 0 : index
    %swap3A_1214 = vector.load %arg5[%swap3A_1211, %swap3A_1212, %swap3A_1213] : memref<16x64x128xf32, #tpu.memory_space<vmem>>, vector<1x64x128xf32>
    %swap3A_1215 = vector.shape_cast %swap3A_1214 : vector<1x64x128xf32> to vector<64x128xf32>
    %swap3A_1216 = vector.shape_cast %concatenate3A_1210 : vector<64x128xf32> to vector<1x64x128xf32>
    tpu.vector_store %arg5[%swap3A_1211, %swap3A_1212, %swap3A_1213], %swap3A_1216 {strides = array<i32>} : memref<16x64x128xf32, #tpu.memory_space<vmem>>, vector<1x64x128xf32>,
    %add3A_1217 = arith.constant 2048 : i32
    %add3A_1218 = vector.broadcast %add3A_1217 : i32 to vector<64xi32>
    %add3A_1219 = arith.addi %min3A_1187, %add3A_1218 : vector<64xi32>
    %swap3A_1220 = arith.constant 1 : index
    %swap3A_1221 = arith.constant 0 : index
    %swap3A_1222 = vector.load %arg6[%swap3A_1220, %swap3A_1221] : memref<16x64xi32, #tpu.memory_space<vmem>>, vector<1x64xi32>
    %swap3A_1223 = vector.shape_cast %swap3A_1222 : vector<1x64xi32> to vector<64xi32>
    %swap3A_1224 = vector.shape_cast %add3A_1219 : vector<64xi32> to vector<1x64xi32>
    tpu.vector_store %arg6[%swap3A_1220, %swap3A_1221], %swap3A_1224 {strides = array<i32>} : memref<16x64xi32, #tpu.memory_space<vmem>>, vector<1x64xi32>,
    %get3A_1225 = arith.constant 2 : index
    %get3A_1226 = arith.constant 0 : index
    %get3A_1227 = arith.constant 0 : index
    %get3A_1228 = vector.load %arg7[%get3A_1225, %get3A_1226, %get3A_1227] : memref<16x40x2048xf32, #tpu.memory_space<vmem>>, vector<1x40x2048xf32>
    %get3A_1229 = vector.shape_cast %get3A_1228 : vector<1x40x2048xf32> to vector<40x2048xf32>
    %get3A_1230 = arith.constant 2 : index
    %get3A_1231 = arith.constant 0 : index
    %get3A_1232 = arith.constant 0 : index
    %get3A_1233 = vector.load %arg2[%get3A_1230, %get3A_1231, %get3A_1232] : memref<16x2048x64xf32, #tpu.memory_space<vmem>>, vector<1x2048x64xf32>
    %get3A_1234 = vector.shape_cast %get3A_1233 : vector<1x2048x64xf32> to vector<2048x64xf32>
    %dot_general3A_1235 = arith.constant dense<0.000000e+00> : vector<40x64xf32>
    %dot_general3A_1236 = tpu.matmul %get3A_1229, %get3A_1234, %dot_general3A_1235 {dimension_numbers = #tpu.dot_dimension_numbers<[1], [0], [0], [1], [0, 0, 1, 1], [], []>, precision = #tpu.contract_precision<fp32>, transpose_lhs_hint = false} : vector<40x2048xf32>, vector<2048x64xf32>, vector<40x64xf32> -> vector<40x64xf32>
    %reduce_max3A_1237 = arith.constant dense<0xFF800000> : vector<40xf32>
    %reduce_max3A_1238 = vector.multi_reduction <maximumf>, %dot_general3A_1236, %reduce_max3A_1237 [1] : vector<40x64xf32> to vector<40xf32>
    %broadcast_in_dim3A_1239 = vector.shape_cast %reduce_max3A_1238 : vector<40xf32> to vector<40x1xf32>
    %sub3A_1240 = vector.broadcast %broadcast_in_dim3A_1239 : vector<40x1xf32> to vector<40x64xf32>
    %sub3A_1241 = arith.subf %dot_general3A_1236, %sub3A_1240 : vector<40x64xf32>
    %exp3A_1242 = math.exp %sub3A_1241 : vector<40x64xf32>
    %reduce_sum3A_1243 = arith.constant dense<0.000000e+00> : vector<40xf32>
    %reduce_sum3A_1244 = vector.multi_reduction <add>, %exp3A_1242, %reduce_sum3A_1243 [1] : vector<40x64xf32> to vector<40xf32>
    %broadcast_in_dim3A_1245 = vector.shape_cast %reduce_sum3A_1244 : vector<40xf32> to vector<40x1xf32>
    %div3A_1246 = vector.broadcast %broadcast_in_dim3A_1245 : vector<40x1xf32> to vector<40x64xf32>
    %div3A_1247 = arith.divf %exp3A_1242, %div3A_1246 : vector<40x64xf32>
    %get3A_1248 = arith.constant 2 : index
    %get3A_1249 = arith.constant 0 : index
    %get3A_1250 = arith.constant 0 : index
    %get3A_1251 = vector.load %arg4[%get3A_1248, %get3A_1249, %get3A_1250] : memref<16x64x64xf32, #tpu.memory_space<vmem>>, vector<1x64x64xf32>
    %get3A_1252 = vector.shape_cast %get3A_1251 : vector<1x64x64xf32> to vector<64x64xf32>
    %dot_general3A_1253 = arith.constant dense<0.000000e+00> : vector<40x64xf32>
    %dot_general3A_1254 = tpu.matmul %div3A_1247, %get3A_1252, %dot_general3A_1253 {dimension_numbers = #tpu.dot_dimension_numbers<[1], [0], [0], [1], [0, 0, 1, 1], [], []>, transpose_lhs_hint = false} : vector<40x64xf32>, vector<64x64xf32>, vector<40x64xf32> -> vector<40x64xf32>
    %broadcast_in_dim3A_1255 = arith.constant 0.000000e+00 : f32
    %broadcast_in_dim3A_1256 = vector.broadcast %broadcast_in_dim3A_1255 : f32 to vector<24x64xf32>
    %concatenate3A_1257 = tpu.concatenate %dot_general3A_1254, %broadcast_in_dim3A_1256 in 0 : vector<40x64xf32>, vector<24x64xf32> -> vector<64x64xf32>
    %get3A_1258 = arith.constant 2 : index
    %get3A_1259 = arith.constant 0 : index
    %get3A_1260 = vector.load %arg3[%get3A_1258, %get3A_1259] : memref<16x64xf32, #tpu.memory_space<vmem>>, vector<1x64xf32>
    %get3A_1261 = vector.shape_cast %get3A_1260 : vector<1x64xf32> to vector<64xf32>
    %convert_element_type3A_1262 = arith.fptosi %get3A_1261 : vector<64xf32> to vector<64xi32>
    %jit3A_1263 = arith.constant 0 : i32
    %jit3A_1264 = arith.constant 2047 : i32
    %max3A_1265 = vector.broadcast %jit3A_1263 : i32 to vector<64xi32>
    %max3A_1266 = arith.maxsi %max3A_1265, %convert_element_type3A_1262 : vector<64xi32>
    %min3A_1267 = vector.broadcast %jit3A_1264 : i32 to vector<64xi32>
    %min3A_1268 = arith.minsi %min3A_1267, %max3A_1266 : vector<64xi32>
    %broadcast_in_dim3A_1269 = vector.shape_cast %min3A_1268 : vector<64xi32> to vector<1x64xi32>
    %broadcast_in_dim3A_1270 = vector.shape_cast %min3A_1268 : vector<64xi32> to vector<64x1xi32>
    %eq3A_1271 = vector.broadcast %broadcast_in_dim3A_1269 : vector<1x64xi32> to vector<64x64xi32>
    %eq3A_1272 = vector.broadcast %broadcast_in_dim3A_1270 : vector<64x1xi32> to vector<64x64xi32>
    %eq3A_1273 = arith.cmpi eq, %eq3A_1271, %eq3A_1272 : vector<64x64xi32>
    %jit3A_1274 = arith.constant -1 : i32
    %broadcast_in_dim3A_1275 = vector.broadcast %jit3A_1274 : i32 to vector<64x64xi32>
    %select_n3A_1276 = arith.select %eq3A_1273, %iota3A_1072, %broadcast_in_dim3A_1275 : vector<64x64xi1>, vector<64x64xi32>
    %reduce_max3A_1277 = arith.constant dense<-2147483648> : vector<64xi32>
    %reduce_max3A_1278 = vector.multi_reduction <maxsi>, %select_n3A_1276, %reduce_max3A_1277 [1] : vector<64x64xi32> to vector<64xi32>
    %broadcast_in_dim3A_1279 = vector.shape_cast %reduce_max3A_1278 : vector<64xi32> to vector<64x1xi32>
    %eq3A_1280 = vector.broadcast %broadcast_in_dim3A_1279 : vector<64x1xi32> to vector<64x64xi32>
    %eq3A_1281 = arith.cmpi eq, %iota3A_1072, %eq3A_1280 : vector<64x64xi32>
    %jit3A_1282 = arith.constant 1.000000e+00 : f32
    %jit3A_1283 = arith.constant 0.000000e+00 : f32
    %broadcast_in_dim3A_1284 = vector.broadcast %jit3A_1282 : f32 to vector<64x64xf32>
    %broadcast_in_dim3A_1285 = vector.broadcast %jit3A_1283 : f32 to vector<64x64xf32>
    %select_n3A_1286 = arith.select %eq3A_1281, %broadcast_in_dim3A_1284, %broadcast_in_dim3A_1285 : vector<64x64xi1>, vector<64x64xf32>
    %dot_general3A_1287 = arith.constant dense<0.000000e+00> : vector<64x64xf32>
    %dot_general3A_1288 = tpu.matmul %select_n3A_1286, %concatenate3A_1257, %dot_general3A_1287 {dimension_numbers = #tpu.dot_dimension_numbers<[1], [0], [0], [1], [0, 0, 1, 1], [], []>, precision = #tpu.contract_precision<fp32>, transpose_lhs_hint = false} : vector<64x64xf32>, vector<64x64xf32>, vector<64x64xf32> -> vector<64x64xf32>
    %broadcast_in_dim3A_1289 = arith.constant 0.000000e+00 : f32
    %broadcast_in_dim3A_1290 = vector.broadcast %broadcast_in_dim3A_1289 : f32 to vector<64x64xf32>
    %concatenate3A_1291 = tpu.concatenate %dot_general3A_1288, %broadcast_in_dim3A_1290 in 1 : vector<64x64xf32>, vector<64x64xf32> -> vector<64x128xf32>
    %swap3A_1292 = arith.constant 2 : index
    %swap3A_1293 = arith.constant 0 : index
    %swap3A_1294 = arith.constant 0 : index
    %swap3A_1295 = vector.load %arg5[%swap3A_1292, %swap3A_1293, %swap3A_1294] : memref<16x64x128xf32, #tpu.memory_space<vmem>>, vector<1x64x128xf32>
    %swap3A_1296 = vector.shape_cast %swap3A_1295 : vector<1x64x128xf32> to vector<64x128xf32>
    %swap3A_1297 = vector.shape_cast %concatenate3A_1291 : vector<64x128xf32> to vector<1x64x128xf32>
    tpu.vector_store %arg5[%swap3A_1292, %swap3A_1293, %swap3A_1294], %swap3A_1297 {strides = array<i32>} : memref<16x64x128xf32, #tpu.memory_space<vmem>>, vector<1x64x128xf32>,
    %add3A_1298 = arith.constant 4096 : i32
    %add3A_1299 = vector.broadcast %add3A_1298 : i32 to vector<64xi32>
    %add3A_1300 = arith.addi %min3A_1268, %add3A_1299 : vector<64xi32>
    %swap3A_1301 = arith.constant 2 : index
    %swap3A_1302 = arith.constant 0 : index
    %swap3A_1303 = vector.load %arg6[%swap3A_1301, %swap3A_1302] : memref<16x64xi32, #tpu.memory_space<vmem>>, vector<1x64xi32>
    %swap3A_1304 = vector.shape_cast %swap3A_1303 : vector<1x64xi32> to vector<64xi32>
    %swap3A_1305 = vector.shape_cast %add3A_1300 : vector<64xi32> to vector<1x64xi32>
    tpu.vector_store %arg6[%swap3A_1301, %swap3A_1302], %swap3A_1305 {strides = array<i32>} : memref<16x64xi32, #tpu.memory_space<vmem>>, vector<1x64xi32>,
    %get3A_1306 = arith.constant 3 : index
    %get3A_1307 = arith.constant 0 : index
    %get3A_1308 = arith.constant 0 : index
    %get3A_1309 = vector.load %arg7[%get3A_1306, %get3A_1307, %get3A_1308] : memref<16x40x2048xf32, #tpu.memory_space<vmem>>, vector<1x40x2048xf32>
    %get3A_1310 = vector.shape_cast %get3A_1309 : vector<1x40x2048xf32> to vector<40x2048xf32>
    %get3A_1311 = arith.constant 3 : index
    %get3A_1312 = arith.constant 0 : index
    %get3A_1313 = arith.constant 0 : index
    %get3A_1314 = vector.load %arg2[%get3A_1311, %get3A_1312, %get3A_1313] : memref<16x2048x64xf32, #tpu.memory_space<vmem>>, vector<1x2048x64xf32>
    %get3A_1315 = vector.shape_cast %get3A_1314 : vector<1x2048x64xf32> to vector<2048x64xf32>
    %dot_general3A_1316 = arith.constant dense<0.000000e+00> : vector<40x64xf32>
    %dot_general3A_1317 = tpu.matmul %get3A_1310, %get3A_1315, %dot_general3A_1316 {dimension_numbers = #tpu.dot_dimension_numbers<[1], [0], [0], [1], [0, 0, 1, 1], [], []>, precision = #tpu.contract_precision<fp32>, transpose_lhs_hint = false} : vector<40x2048xf32>, vector<2048x64xf32>, vector<40x64xf32> -> vector<40x64xf32>
    %reduce_max3A_1318 = arith.constant dense<0xFF800000> : vector<40xf32>
    %reduce_max3A_1319 = vector.multi_reduction <maximumf>, %dot_general3A_1317, %reduce_max3A_1318 [1] : vector<40x64xf32> to vector<40xf32>
    %broadcast_in_dim3A_1320 = vector.shape_cast %reduce_max3A_1319 : vector<40xf32> to vector<40x1xf32>
    %sub3A_1321 = vector.broadcast %broadcast_in_dim3A_1320 : vector<40x1xf32> to vector<40x64xf32>
    %sub3A_1322 = arith.subf %dot_general3A_1317, %sub3A_1321 : vector<40x64xf32>
    %exp3A_1323 = math.exp %sub3A_1322 : vector<40x64xf32>
    %reduce_sum3A_1324 = arith.constant dense<0.000000e+00> : vector<40xf32>
    %reduce_sum3A_1325 = vector.multi_reduction <add>, %exp3A_1323, %reduce_sum3A_1324 [1] : vector<40x64xf32> to vector<40xf32>
    %broadcast_in_dim3A_1326 = vector.shape_cast %reduce_sum3A_1325 : vector<40xf32> to vector<40x1xf32>
    %div3A_1327 = vector.broadcast %broadcast_in_dim3A_1326 : vector<40x1xf32> to vector<40x64xf32>
    %div3A_1328 = arith.divf %exp3A_1323, %div3A_1327 : vector<40x64xf32>
    %get3A_1329 = arith.constant 3 : index
    %get3A_1330 = arith.constant 0 : index
    %get3A_1331 = arith.constant 0 : index
    %get3A_1332 = vector.load %arg4[%get3A_1329, %get3A_1330, %get3A_1331] : memref<16x64x64xf32, #tpu.memory_space<vmem>>, vector<1x64x64xf32>
    %get3A_1333 = vector.shape_cast %get3A_1332 : vector<1x64x64xf32> to vector<64x64xf32>
    %dot_general3A_1334 = arith.constant dense<0.000000e+00> : vector<40x64xf32>
    %dot_general3A_1335 = tpu.matmul %div3A_1328, %get3A_1333, %dot_general3A_1334 {dimension_numbers = #tpu.dot_dimension_numbers<[1], [0], [0], [1], [0, 0, 1, 1], [], []>, transpose_lhs_hint = false} : vector<40x64xf32>, vector<64x64xf32>, vector<40x64xf32> -> vector<40x64xf32>
    %broadcast_in_dim3A_1336 = arith.constant 0.000000e+00 : f32
    %broadcast_in_dim3A_1337 = vector.broadcast %broadcast_in_dim3A_1336 : f32 to vector<24x64xf32>
    %concatenate3A_1338 = tpu.concatenate %dot_general3A_1335, %broadcast_in_dim3A_1337 in 0 : vector<40x64xf32>, vector<24x64xf32> -> vector<64x64xf32>
    %get3A_1339 = arith.constant 3 : index
    %get3A_1340 = arith.constant 0 : index
    %get3A_1341 = vector.load %arg3[%get3A_1339, %get3A_1340] : memref<16x64xf32, #tpu.memory_space<vmem>>, vector<1x64xf32>
    %get3A_1342 = vector.shape_cast %get3A_1341 : vector<1x64xf32> to vector<64xf32>
    %convert_element_type3A_1343 = arith.fptosi %get3A_1342 : vector<64xf32> to vector<64xi32>
    %jit3A_1344 = arith.constant 0 : i32
    %jit3A_1345 = arith.constant 2047 : i32
    %max3A_1346 = vector.broadcast %jit3A_1344 : i32 to vector<64xi32>
    %max3A_1347 = arith.maxsi %max3A_1346, %convert_element_type3A_1343 : vector<64xi32>
    %min3A_1348 = vector.broadcast %jit3A_1345 : i32 to vector<64xi32>
    %min3A_1349 = arith.minsi %min3A_1348, %max3A_1347 : vector<64xi32>
    %broadcast_in_dim3A_1350 = vector.shape_cast %min3A_1349 : vector<64xi32> to vector<1x64xi32>
    %broadcast_in_dim3A_1351 = vector.shape_cast %min3A_1349 : vector<64xi32> to vector<64x1xi32>
    %eq3A_1352 = vector.broadcast %broadcast_in_dim3A_1350 : vector<1x64xi32> to vector<64x64xi32>
    %eq3A_1353 = vector.broadcast %broadcast_in_dim3A_1351 : vector<64x1xi32> to vector<64x64xi32>
    %eq3A_1354 = arith.cmpi eq, %eq3A_1352, %eq3A_1353 : vector<64x64xi32>
    %jit3A_1355 = arith.constant -1 : i32
    %broadcast_in_dim3A_1356 = vector.broadcast %jit3A_1355 : i32 to vector<64x64xi32>
    %select_n3A_1357 = arith.select %eq3A_1354, %iota3A_1072, %broadcast_in_dim3A_1356 : vector<64x64xi1>, vector<64x64xi32>
    %reduce_max3A_1358 = arith.constant dense<-2147483648> : vector<64xi32>
    %reduce_max3A_1359 = vector.multi_reduction <maxsi>, %select_n3A_1357, %reduce_max3A_1358 [1] : vector<64x64xi32> to vector<64xi32>
    %broadcast_in_dim3A_1360 = vector.shape_cast %reduce_max3A_1359 : vector<64xi32> to vector<64x1xi32>
    %eq3A_1361 = vector.broadcast %broadcast_in_dim3A_1360 : vector<64x1xi32> to vector<64x64xi32>
    %eq3A_1362 = arith.cmpi eq, %iota3A_1072, %eq3A_1361 : vector<64x64xi32>
    %jit3A_1363 = arith.constant 1.000000e+00 : f32
    %jit3A_1364 = arith.constant 0.000000e+00 : f32
    %broadcast_in_dim3A_1365 = vector.broadcast %jit3A_1363 : f32 to vector<64x64xf32>
    %broadcast_in_dim3A_1366 = vector.broadcast %jit3A_1364 : f32 to vector<64x64xf32>
    %select_n3A_1367 = arith.select %eq3A_1362, %broadcast_in_dim3A_1365, %broadcast_in_dim3A_1366 : vector<64x64xi1>, vector<64x64xf32>
    %dot_general3A_1368 = arith.constant dense<0.000000e+00> : vector<64x64xf32>
    %dot_general3A_1369 = tpu.matmul %select_n3A_1367, %concatenate3A_1338, %dot_general3A_1368 {dimension_numbers = #tpu.dot_dimension_numbers<[1], [0], [0], [1], [0, 0, 1, 1], [], []>, precision = #tpu.contract_precision<fp32>, transpose_lhs_hint = false} : vector<64x64xf32>, vector<64x64xf32>, vector<64x64xf32> -> vector<64x64xf32>
    %broadcast_in_dim3A_1370 = arith.constant 0.000000e+00 : f32
    %broadcast_in_dim3A_1371 = vector.broadcast %broadcast_in_dim3A_1370 : f32 to vector<64x64xf32>
    %concatenate3A_1372 = tpu.concatenate %dot_general3A_1369, %broadcast_in_dim3A_1371 in 1 : vector<64x64xf32>, vector<64x64xf32> -> vector<64x128xf32>
    %swap3A_1373 = arith.constant 3 : index
    %swap3A_1374 = arith.constant 0 : index
    %swap3A_1375 = arith.constant 0 : index
    %swap3A_1376 = vector.load %arg5[%swap3A_1373, %swap3A_1374, %swap3A_1375] : memref<16x64x128xf32, #tpu.memory_space<vmem>>, vector<1x64x128xf32>
    %swap3A_1377 = vector.shape_cast %swap3A_1376 : vector<1x64x128xf32> to vector<64x128xf32>
    %swap3A_1378 = vector.shape_cast %concatenate3A_1372 : vector<64x128xf32> to vector<1x64x128xf32>
    tpu.vector_store %arg5[%swap3A_1373, %swap3A_1374, %swap3A_1375], %swap3A_1378 {strides = array<i32>} : memref<16x64x128xf32, #tpu.memory_space<vmem>>, vector<1x64x128xf32>,
    %add3A_1379 = arith.constant 6144 : i32
    %add3A_1380 = vector.broadcast %add3A_1379 : i32 to vector<64xi32>
    %add3A_1381 = arith.addi %min3A_1349, %add3A_1380 : vector<64xi32>
    %swap3A_1382 = arith.constant 3 : index
    %swap3A_1383 = arith.constant 0 : index
    %swap3A_1384 = vector.load %arg6[%swap3A_1382, %swap3A_1383] : memref<16x64xi32, #tpu.memory_space<vmem>>, vector<1x64xi32>
    %swap3A_1385 = vector.shape_cast %swap3A_1384 : vector<1x64xi32> to vector<64xi32>
    %swap3A_1386 = vector.shape_cast %add3A_1381 : vector<64xi32> to vector<1x64xi32>
    tpu.vector_store %arg6[%swap3A_1382, %swap3A_1383], %swap3A_1386 {strides = array<i32>} : memref<16x64xi32, #tpu.memory_space<vmem>>, vector<1x64xi32>,
    %get3A_1387 = arith.constant 4 : index
    %get3A_1388 = arith.constant 0 : index
    %get3A_1389 = arith.constant 0 : index
    %get3A_1390 = vector.load %arg7[%get3A_1387, %get3A_1388, %get3A_1389] : memref<16x40x2048xf32, #tpu.memory_space<vmem>>, vector<1x40x2048xf32>
    %get3A_1391 = vector.shape_cast %get3A_1390 : vector<1x40x2048xf32> to vector<40x2048xf32>
    %get3A_1392 = arith.constant 4 : index
    %get3A_1393 = arith.constant 0 : index
    %get3A_1394 = arith.constant 0 : index
    %get3A_1395 = vector.load %arg2[%get3A_1392, %get3A_1393, %get3A_1394] : memref<16x2048x64xf32, #tpu.memory_space<vmem>>, vector<1x2048x64xf32>
    %get3A_1396 = vector.shape_cast %get3A_1395 : vector<1x2048x64xf32> to vector<2048x64xf32>
    %dot_general3A_1397 = arith.constant dense<0.000000e+00> : vector<40x64xf32>
    %dot_general3A_1398 = tpu.matmul %get3A_1391, %get3A_1396, %dot_general3A_1397 {dimension_numbers = #tpu.dot_dimension_numbers<[1], [0], [0], [1], [0, 0, 1, 1], [], []>, precision = #tpu.contract_precision<fp32>, transpose_lhs_hint = false} : vector<40x2048xf32>, vector<2048x64xf32>, vector<40x64xf32> -> vector<40x64xf32>
    %reduce_max3A_1399 = arith.constant dense<0xFF800000> : vector<40xf32>
    %reduce_max3A_1400 = vector.multi_reduction <maximumf>, %dot_general3A_1398, %reduce_max3A_1399 [1] : vector<40x64xf32> to vector<40xf32>
    %broadcast_in_dim3A_1401 = vector.shape_cast %reduce_max3A_1400 : vector<40xf32> to vector<40x1xf32>
    %sub3A_1402 = vector.broadcast %broadcast_in_dim3A_1401 : vector<40x1xf32> to vector<40x64xf32>
    %sub3A_1403 = arith.subf %dot_general3A_1398, %sub3A_1402 : vector<40x64xf32>
    %exp3A_1404 = math.exp %sub3A_1403 : vector<40x64xf32>
    %reduce_sum3A_1405 = arith.constant dense<0.000000e+00> : vector<40xf32>
    %reduce_sum3A_1406 = vector.multi_reduction <add>, %exp3A_1404, %reduce_sum3A_1405 [1] : vector<40x64xf32> to vector<40xf32>
    %broadcast_in_dim3A_1407 = vector.shape_cast %reduce_sum3A_1406 : vector<40xf32> to vector<40x1xf32>
    %div3A_1408 = vector.broadcast %broadcast_in_dim3A_1407 : vector<40x1xf32> to vector<40x64xf32>
    %div3A_1409 = arith.divf %exp3A_1404, %div3A_1408 : vector<40x64xf32>
    %get3A_1410 = arith.constant 4 : index
    %get3A_1411 = arith.constant 0 : index
    %get3A_1412 = arith.constant 0 : index
    %get3A_1413 = vector.load %arg4[%get3A_1410, %get3A_1411, %get3A_1412] : memref<16x64x64xf32, #tpu.memory_space<vmem>>, vector<1x64x64xf32>
    %get3A_1414 = vector.shape_cast %get3A_1413 : vector<1x64x64xf32> to vector<64x64xf32>
    %dot_general3A_1415 = arith.constant dense<0.000000e+00> : vector<40x64xf32>
    %dot_general3A_1416 = tpu.matmul %div3A_1409, %get3A_1414, %dot_general3A_1415 {dimension_numbers = #tpu.dot_dimension_numbers<[1], [0], [0], [1], [0, 0, 1, 1], [], []>, transpose_lhs_hint = false} : vector<40x64xf32>, vector<64x64xf32>, vector<40x64xf32> -> vector<40x64xf32>
    %broadcast_in_dim3A_1417 = arith.constant 0.000000e+00 : f32
    %broadcast_in_dim3A_1418 = vector.broadcast %broadcast_in_dim3A_1417 : f32 to vector<24x64xf32>
    %concatenate3A_1419 = tpu.concatenate %dot_general3A_1416, %broadcast_in_dim3A_1418 in 0 : vector<40x64xf32>, vector<24x64xf32> -> vector<64x64xf32>
    %get3A_1420 = arith.constant 4 : index
    %get3A_1421 = arith.constant 0 : index
    %get3A_1422 = vector.load %arg3[%get3A_1420, %get3A_1421] : memref<16x64xf32, #tpu.memory_space<vmem>>, vector<1x64xf32>
    %get3A_1423 = vector.shape_cast %get3A_1422 : vector<1x64xf32> to vector<64xf32>
    %convert_element_type3A_1424 = arith.fptosi %get3A_1423 : vector<64xf32> to vector<64xi32>
    %jit3A_1425 = arith.constant 0 : i32
    %jit3A_1426 = arith.constant 2047 : i32
    %max3A_1427 = vector.broadcast %jit3A_1425 : i32 to vector<64xi32>
    %max3A_1428 = arith.maxsi %max3A_1427, %convert_element_type3A_1424 : vector<64xi32>
    %min3A_1429 = vector.broadcast %jit3A_1426 : i32 to vector<64xi32>
    %min3A_1430 = arith.minsi %min3A_1429, %max3A_1428 : vector<64xi32>
    %broadcast_in_dim3A_1431 = vector.shape_cast %min3A_1430 : vector<64xi32> to vector<1x64xi32>
    %broadcast_in_dim3A_1432 = vector.shape_cast %min3A_1430 : vector<64xi32> to vector<64x1xi32>
    %eq3A_1433 = vector.broadcast %broadcast_in_dim3A_1431 : vector<1x64xi32> to vector<64x64xi32>
    %eq3A_1434 = vector.broadcast %broadcast_in_dim3A_1432 : vector<64x1xi32> to vector<64x64xi32>
    %eq3A_1435 = arith.cmpi eq, %eq3A_1433, %eq3A_1434 : vector<64x64xi32>
    %jit3A_1436 = arith.constant -1 : i32
    %broadcast_in_dim3A_1437 = vector.broadcast %jit3A_1436 : i32 to vector<64x64xi32>
    %select_n3A_1438 = arith.select %eq3A_1435, %iota3A_1072, %broadcast_in_dim3A_1437 : vector<64x64xi1>, vector<64x64xi32>
    %reduce_max3A_1439 = arith.constant dense<-2147483648> : vector<64xi32>
    %reduce_max3A_1440 = vector.multi_reduction <maxsi>, %select_n3A_1438, %reduce_max3A_1439 [1] : vector<64x64xi32> to vector<64xi32>
    %broadcast_in_dim3A_1441 = vector.shape_cast %reduce_max3A_1440 : vector<64xi32> to vector<64x1xi32>
    %eq3A_1442 = vector.broadcast %broadcast_in_dim3A_1441 : vector<64x1xi32> to vector<64x64xi32>
    %eq3A_1443 = arith.cmpi eq, %iota3A_1072, %eq3A_1442 : vector<64x64xi32>
    %jit3A_1444 = arith.constant 1.000000e+00 : f32
    %jit3A_1445 = arith.constant 0.000000e+00 : f32
    %broadcast_in_dim3A_1446 = vector.broadcast %jit3A_1444 : f32 to vector<64x64xf32>
    %broadcast_in_dim3A_1447 = vector.broadcast %jit3A_1445 : f32 to vector<64x64xf32>
    %select_n3A_1448 = arith.select %eq3A_1443, %broadcast_in_dim3A_1446, %broadcast_in_dim3A_1447 : vector<64x64xi1>, vector<64x64xf32>
    %dot_general3A_1449 = arith.constant dense<0.000000e+00> : vector<64x64xf32>
    %dot_general3A_1450 = tpu.matmul %select_n3A_1448, %concatenate3A_1419, %dot_general3A_1449 {dimension_numbers = #tpu.dot_dimension_numbers<[1], [0], [0], [1], [0, 0, 1, 1], [], []>, precision = #tpu.contract_precision<fp32>, transpose_lhs_hint = false} : vector<64x64xf32>, vector<64x64xf32>, vector<64x64xf32> -> vector<64x64xf32>
    %broadcast_in_dim3A_1451 = arith.constant 0.000000e+00 : f32
    %broadcast_in_dim3A_1452 = vector.broadcast %broadcast_in_dim3A_1451 : f32 to vector<64x64xf32>
    %concatenate3A_1453 = tpu.concatenate %dot_general3A_1450, %broadcast_in_dim3A_1452 in 1 : vector<64x64xf32>, vector<64x64xf32> -> vector<64x128xf32>
    %swap3A_1454 = arith.constant 4 : index
    %swap3A_1455 = arith.constant 0 : index
    %swap3A_1456 = arith.constant 0 : index
    %swap3A_1457 = vector.load %arg5[%swap3A_1454, %swap3A_1455, %swap3A_1456] : memref<16x64x128xf32, #tpu.memory_space<vmem>>, vector<1x64x128xf32>
    %swap3A_1458 = vector.shape_cast %swap3A_1457 : vector<1x64x128xf32> to vector<64x128xf32>
    %swap3A_1459 = vector.shape_cast %concatenate3A_1453 : vector<64x128xf32> to vector<1x64x128xf32>
    tpu.vector_store %arg5[%swap3A_1454, %swap3A_1455, %swap3A_1456], %swap3A_1459 {strides = array<i32>} : memref<16x64x128xf32, #tpu.memory_space<vmem>>, vector<1x64x128xf32>,
    %add3A_1460 = arith.constant 8192 : i32
    %add3A_1461 = vector.broadcast %add3A_1460 : i32 to vector<64xi32>
    %add3A_1462 = arith.addi %min3A_1430, %add3A_1461 : vector<64xi32>
    %swap3A_1463 = arith.constant 4 : index
    %swap3A_1464 = arith.constant 0 : index
    %swap3A_1465 = vector.load %arg6[%swap3A_1463, %swap3A_1464] : memref<16x64xi32, #tpu.memory_space<vmem>>, vector<1x64xi32>
    %swap3A_1466 = vector.shape_cast %swap3A_1465 : vector<1x64xi32> to vector<64xi32>
    %swap3A_1467 = vector.shape_cast %add3A_1462 : vector<64xi32> to vector<1x64xi32>
    tpu.vector_store %arg6[%swap3A_1463, %swap3A_1464], %swap3A_1467 {strides = array<i32>} : memref<16x64xi32, #tpu.memory_space<vmem>>, vector<1x64xi32>,
    %get3A_1468 = arith.constant 5 : index
    %get3A_1469 = arith.constant 0 : index
    %get3A_1470 = arith.constant 0 : index
    %get3A_1471 = vector.load %arg7[%get3A_1468, %get3A_1469, %get3A_1470] : memref<16x40x2048xf32, #tpu.memory_space<vmem>>, vector<1x40x2048xf32>
    %get3A_1472 = vector.shape_cast %get3A_1471 : vector<1x40x2048xf32> to vector<40x2048xf32>
    %get3A_1473 = arith.constant 5 : index
    %get3A_1474 = arith.constant 0 : index
    %get3A_1475 = arith.constant 0 : index
    %get3A_1476 = vector.load %arg2[%get3A_1473, %get3A_1474, %get3A_1475] : memref<16x2048x64xf32, #tpu.memory_space<vmem>>, vector<1x2048x64xf32>
    %get3A_1477 = vector.shape_cast %get3A_1476 : vector<1x2048x64xf32> to vector<2048x64xf32>
    %dot_general3A_1478 = arith.constant dense<0.000000e+00> : vector<40x64xf32>
    %dot_general3A_1479 = tpu.matmul %get3A_1472, %get3A_1477, %dot_general3A_1478 {dimension_numbers = #tpu.dot_dimension_numbers<[1], [0], [0], [1], [0, 0, 1, 1], [], []>, precision = #tpu.contract_precision<fp32>, transpose_lhs_hint = false} : vector<40x2048xf32>, vector<2048x64xf32>, vector<40x64xf32> -> vector<40x64xf32>
    %reduce_max3A_1480 = arith.constant dense<0xFF800000> : vector<40xf32>
    %reduce_max3A_1481 = vector.multi_reduction <maximumf>, %dot_general3A_1479, %reduce_max3A_1480 [1] : vector<40x64xf32> to vector<40xf32>
    %broadcast_in_dim3A_1482 = vector.shape_cast %reduce_max3A_1481 : vector<40xf32> to vector<40x1xf32>
    %sub3A_1483 = vector.broadcast %broadcast_in_dim3A_1482 : vector<40x1xf32> to vector<40x64xf32>
    %sub3A_1484 = arith.subf %dot_general3A_1479, %sub3A_1483 : vector<40x64xf32>
    %exp3A_1485 = math.exp %sub3A_1484 : vector<40x64xf32>
    %reduce_sum3A_1486 = arith.constant dense<0.000000e+00> : vector<40xf32>
    %reduce_sum3A_1487 = vector.multi_reduction <add>, %exp3A_1485, %reduce_sum3A_1486 [1] : vector<40x64xf32> to vector<40xf32>
    %broadcast_in_dim3A_1488 = vector.shape_cast %reduce_sum3A_1487 : vector<40xf32> to vector<40x1xf32>
    %div3A_1489 = vector.broadcast %broadcast_in_dim3A_1488 : vector<40x1xf32> to vector<40x64xf32>
    %div3A_1490 = arith.divf %exp3A_1485, %div3A_1489 : vector<40x64xf32>
    %get3A_1491 = arith.constant 5 : index
    %get3A_1492 = arith.constant 0 : index
    %get3A_1493 = arith.constant 0 : index
    %get3A_1494 = vector.load %arg4[%get3A_1491, %get3A_1492, %get3A_1493] : memref<16x64x64xf32, #tpu.memory_space<vmem>>, vector<1x64x64xf32>
    %get3A_1495 = vector.shape_cast %get3A_1494 : vector<1x64x64xf32> to vector<64x64xf32>
    %dot_general3A_1496 = arith.constant dense<0.000000e+00> : vector<40x64xf32>
    %dot_general3A_1497 = tpu.matmul %div3A_1490, %get3A_1495, %dot_general3A_1496 {dimension_numbers = #tpu.dot_dimension_numbers<[1], [0], [0], [1], [0, 0, 1, 1], [], []>, transpose_lhs_hint = false} : vector<40x64xf32>, vector<64x64xf32>, vector<40x64xf32> -> vector<40x64xf32>
    %broadcast_in_dim3A_1498 = arith.constant 0.000000e+00 : f32
    %broadcast_in_dim3A_1499 = vector.broadcast %broadcast_in_dim3A_1498 : f32 to vector<24x64xf32>
    %concatenate3A_1500 = tpu.concatenate %dot_general3A_1497, %broadcast_in_dim3A_1499 in 0 : vector<40x64xf32>, vector<24x64xf32> -> vector<64x64xf32>
    %get3A_1501 = arith.constant 5 : index
    %get3A_1502 = arith.constant 0 : index
    %get3A_1503 = vector.load %arg3[%get3A_1501, %get3A_1502] : memref<16x64xf32, #tpu.memory_space<vmem>>, vector<1x64xf32>
    %get3A_1504 = vector.shape_cast %get3A_1503 : vector<1x64xf32> to vector<64xf32>
    %convert_element_type3A_1505 = arith.fptosi %get3A_1504 : vector<64xf32> to vector<64xi32>
    %jit3A_1506 = arith.constant 0 : i32
    %jit3A_1507 = arith.constant 2047 : i32
    %max3A_1508 = vector.broadcast %jit3A_1506 : i32 to vector<64xi32>
    %max3A_1509 = arith.maxsi %max3A_1508, %convert_element_type3A_1505 : vector<64xi32>
    %min3A_1510 = vector.broadcast %jit3A_1507 : i32 to vector<64xi32>
    %min3A_1511 = arith.minsi %min3A_1510, %max3A_1509 : vector<64xi32>
    %broadcast_in_dim3A_1512 = vector.shape_cast %min3A_1511 : vector<64xi32> to vector<1x64xi32>
    %broadcast_in_dim3A_1513 = vector.shape_cast %min3A_1511 : vector<64xi32> to vector<64x1xi32>
    %eq3A_1514 = vector.broadcast %broadcast_in_dim3A_1512 : vector<1x64xi32> to vector<64x64xi32>
    %eq3A_1515 = vector.broadcast %broadcast_in_dim3A_1513 : vector<64x1xi32> to vector<64x64xi32>
    %eq3A_1516 = arith.cmpi eq, %eq3A_1514, %eq3A_1515 : vector<64x64xi32>
    %jit3A_1517 = arith.constant -1 : i32
    %broadcast_in_dim3A_1518 = vector.broadcast %jit3A_1517 : i32 to vector<64x64xi32>
    %select_n3A_1519 = arith.select %eq3A_1516, %iota3A_1072, %broadcast_in_dim3A_1518 : vector<64x64xi1>, vector<64x64xi32>
    %reduce_max3A_1520 = arith.constant dense<-2147483648> : vector<64xi32>
    %reduce_max3A_1521 = vector.multi_reduction <maxsi>, %select_n3A_1519, %reduce_max3A_1520 [1] : vector<64x64xi32> to vector<64xi32>
    %broadcast_in_dim3A_1522 = vector.shape_cast %reduce_max3A_1521 : vector<64xi32> to vector<64x1xi32>
    %eq3A_1523 = vector.broadcast %broadcast_in_dim3A_1522 : vector<64x1xi32> to vector<64x64xi32>
    %eq3A_1524 = arith.cmpi eq, %iota3A_1072, %eq3A_1523 : vector<64x64xi32>
    %jit3A_1525 = arith.constant 1.000000e+00 : f32
    %jit3A_1526 = arith.constant 0.000000e+00 : f32
    %broadcast_in_dim3A_1527 = vector.broadcast %jit3A_1525 : f32 to vector<64x64xf32>
    %broadcast_in_dim3A_1528 = vector.broadcast %jit3A_1526 : f32 to vector<64x64xf32>
    %select_n3A_1529 = arith.select %eq3A_1524, %broadcast_in_dim3A_1527, %broadcast_in_dim3A_1528 : vector<64x64xi1>, vector<64x64xf32>
    %dot_general3A_1530 = arith.constant dense<0.000000e+00> : vector<64x64xf32>
    %dot_general3A_1531 = tpu.matmul %select_n3A_1529, %concatenate3A_1500, %dot_general3A_1530 {dimension_numbers = #tpu.dot_dimension_numbers<[1], [0], [0], [1], [0, 0, 1, 1], [], []>, precision = #tpu.contract_precision<fp32>, transpose_lhs_hint = false} : vector<64x64xf32>, vector<64x64xf32>, vector<64x64xf32> -> vector<64x64xf32>
    %broadcast_in_dim3A_1532 = arith.constant 0.000000e+00 : f32
    %broadcast_in_dim3A_1533 = vector.broadcast %broadcast_in_dim3A_1532 : f32 to vector<64x64xf32>
    %concatenate3A_1534 = tpu.concatenate %dot_general3A_1531, %broadcast_in_dim3A_1533 in 1 : vector<64x64xf32>, vector<64x64xf32> -> vector<64x128xf32>
    %swap3A_1535 = arith.constant 5 : index
    %swap3A_1536 = arith.constant 0 : index
    %swap3A_1537 = arith.constant 0 : index
    %swap3A_1538 = vector.load %arg5[%swap3A_1535, %swap3A_1536, %swap3A_1537] : memref<16x64x128xf32, #tpu.memory_space<vmem>>, vector<1x64x128xf32>
    %swap3A_1539 = vector.shape_cast %swap3A_1538 : vector<1x64x128xf32> to vector<64x128xf32>
    %swap3A_1540 = vector.shape_cast %concatenate3A_1534 : vector<64x128xf32> to vector<1x64x128xf32>
    tpu.vector_store %arg5[%swap3A_1535, %swap3A_1536, %swap3A_1537], %swap3A_1540 {strides = array<i32>} : memref<16x64x128xf32, #tpu.memory_space<vmem>>, vector<1x64x128xf32>,
    %add3A_1541 = arith.constant 10240 : i32
    %add3A_1542 = vector.broadcast %add3A_1541 : i32 to vector<64xi32>
    %add3A_1543 = arith.addi %min3A_1511, %add3A_1542 : vector<64xi32>
    %swap3A_1544 = arith.constant 5 : index
    %swap3A_1545 = arith.constant 0 : index
    %swap3A_1546 = vector.load %arg6[%swap3A_1544, %swap3A_1545] : memref<16x64xi32, #tpu.memory_space<vmem>>, vector<1x64xi32>
    %swap3A_1547 = vector.shape_cast %swap3A_1546 : vector<1x64xi32> to vector<64xi32>
    %swap3A_1548 = vector.shape_cast %add3A_1543 : vector<64xi32> to vector<1x64xi32>
    tpu.vector_store %arg6[%swap3A_1544, %swap3A_1545], %swap3A_1548 {strides = array<i32>} : memref<16x64xi32, #tpu.memory_space<vmem>>, vector<1x64xi32>,
    %get3A_1549 = arith.constant 6 : index
    %get3A_1550 = arith.constant 0 : index
    %get3A_1551 = arith.constant 0 : index
    %get3A_1552 = vector.load %arg7[%get3A_1549, %get3A_1550, %get3A_1551] : memref<16x40x2048xf32, #tpu.memory_space<vmem>>, vector<1x40x2048xf32>
    %get3A_1553 = vector.shape_cast %get3A_1552 : vector<1x40x2048xf32> to vector<40x2048xf32>
    %get3A_1554 = arith.constant 6 : index
    %get3A_1555 = arith.constant 0 : index
    %get3A_1556 = arith.constant 0 : index
    %get3A_1557 = vector.load %arg2[%get3A_1554, %get3A_1555, %get3A_1556] : memref<16x2048x64xf32, #tpu.memory_space<vmem>>, vector<1x2048x64xf32>
    %get3A_1558 = vector.shape_cast %get3A_1557 : vector<1x2048x64xf32> to vector<2048x64xf32>
    %dot_general3A_1559 = arith.constant dense<0.000000e+00> : vector<40x64xf32>
    %dot_general3A_1560 = tpu.matmul %get3A_1553, %get3A_1558, %dot_general3A_1559 {dimension_numbers = #tpu.dot_dimension_numbers<[1], [0], [0], [1], [0, 0, 1, 1], [], []>, precision = #tpu.contract_precision<fp32>, transpose_lhs_hint = false} : vector<40x2048xf32>, vector<2048x64xf32>, vector<40x64xf32> -> vector<40x64xf32>
    %reduce_max3A_1561 = arith.constant dense<0xFF800000> : vector<40xf32>
    %reduce_max3A_1562 = vector.multi_reduction <maximumf>, %dot_general3A_1560, %reduce_max3A_1561 [1] : vector<40x64xf32> to vector<40xf32>
    %broadcast_in_dim3A_1563 = vector.shape_cast %reduce_max3A_1562 : vector<40xf32> to vector<40x1xf32>
    %sub3A_1564 = vector.broadcast %broadcast_in_dim3A_1563 : vector<40x1xf32> to vector<40x64xf32>
    %sub3A_1565 = arith.subf %dot_general3A_1560, %sub3A_1564 : vector<40x64xf32>
    %exp3A_1566 = math.exp %sub3A_1565 : vector<40x64xf32>
    %reduce_sum3A_1567 = arith.constant dense<0.000000e+00> : vector<40xf32>
    %reduce_sum3A_1568 = vector.multi_reduction <add>, %exp3A_1566, %reduce_sum3A_1567 [1] : vector<40x64xf32> to vector<40xf32>
    %broadcast_in_dim3A_1569 = vector.shape_cast %reduce_sum3A_1568 : vector<40xf32> to vector<40x1xf32>
    %div3A_1570 = vector.broadcast %broadcast_in_dim3A_1569 : vector<40x1xf32> to vector<40x64xf32>
    %div3A_1571 = arith.divf %exp3A_1566, %div3A_1570 : vector<40x64xf32>
    %get3A_1572 = arith.constant 6 : index
    %get3A_1573 = arith.constant 0 : index
    %get3A_1574 = arith.constant 0 : index
    %get3A_1575 = vector.load %arg4[%get3A_1572, %get3A_1573, %get3A_1574] : memref<16x64x64xf32, #tpu.memory_space<vmem>>, vector<1x64x64xf32>
    %get3A_1576 = vector.shape_cast %get3A_1575 : vector<1x64x64xf32> to vector<64x64xf32>
    %dot_general3A_1577 = arith.constant dense<0.000000e+00> : vector<40x64xf32>
    %dot_general3A_1578 = tpu.matmul %div3A_1571, %get3A_1576, %dot_general3A_1577 {dimension_numbers = #tpu.dot_dimension_numbers<[1], [0], [0], [1], [0, 0, 1, 1], [], []>, transpose_lhs_hint = false} : vector<40x64xf32>, vector<64x64xf32>, vector<40x64xf32> -> vector<40x64xf32>
    %broadcast_in_dim3A_1579 = arith.constant 0.000000e+00 : f32
    %broadcast_in_dim3A_1580 = vector.broadcast %broadcast_in_dim3A_1579 : f32 to vector<24x64xf32>
    %concatenate3A_1581 = tpu.concatenate %dot_general3A_1578, %broadcast_in_dim3A_1580 in 0 : vector<40x64xf32>, vector<24x64xf32> -> vector<64x64xf32>
    %get3A_1582 = arith.constant 6 : index
    %get3A_1583 = arith.constant 0 : index
    %get3A_1584 = vector.load %arg3[%get3A_1582, %get3A_1583] : memref<16x64xf32, #tpu.memory_space<vmem>>, vector<1x64xf32>
    %get3A_1585 = vector.shape_cast %get3A_1584 : vector<1x64xf32> to vector<64xf32>
    %convert_element_type3A_1586 = arith.fptosi %get3A_1585 : vector<64xf32> to vector<64xi32>
    %jit3A_1587 = arith.constant 0 : i32
    %jit3A_1588 = arith.constant 2047 : i32
    %max3A_1589 = vector.broadcast %jit3A_1587 : i32 to vector<64xi32>
    %max3A_1590 = arith.maxsi %max3A_1589, %convert_element_type3A_1586 : vector<64xi32>
    %min3A_1591 = vector.broadcast %jit3A_1588 : i32 to vector<64xi32>
    %min3A_1592 = arith.minsi %min3A_1591, %max3A_1590 : vector<64xi32>
    %broadcast_in_dim3A_1593 = vector.shape_cast %min3A_1592 : vector<64xi32> to vector<1x64xi32>
    %broadcast_in_dim3A_1594 = vector.shape_cast %min3A_1592 : vector<64xi32> to vector<64x1xi32>
    %eq3A_1595 = vector.broadcast %broadcast_in_dim3A_1593 : vector<1x64xi32> to vector<64x64xi32>
    %eq3A_1596 = vector.broadcast %broadcast_in_dim3A_1594 : vector<64x1xi32> to vector<64x64xi32>
    %eq3A_1597 = arith.cmpi eq, %eq3A_1595, %eq3A_1596 : vector<64x64xi32>
    %jit3A_1598 = arith.constant -1 : i32
    %broadcast_in_dim3A_1599 = vector.broadcast %jit3A_1598 : i32 to vector<64x64xi32>
    %select_n3A_1600 = arith.select %eq3A_1597, %iota3A_1072, %broadcast_in_dim3A_1599 : vector<64x64xi1>, vector<64x64xi32>
    %reduce_max3A_1601 = arith.constant dense<-2147483648> : vector<64xi32>
    %reduce_max3A_1602 = vector.multi_reduction <maxsi>, %select_n3A_1600, %reduce_max3A_1601 [1] : vector<64x64xi32> to vector<64xi32>
    %broadcast_in_dim3A_1603 = vector.shape_cast %reduce_max3A_1602 : vector<64xi32> to vector<64x1xi32>
    %eq3A_1604 = vector.broadcast %broadcast_in_dim3A_1603 : vector<64x1xi32> to vector<64x64xi32>
    %eq3A_1605 = arith.cmpi eq, %iota3A_1072, %eq3A_1604 : vector<64x64xi32>
    %jit3A_1606 = arith.constant 1.000000e+00 : f32
    %jit3A_1607 = arith.constant 0.000000e+00 : f32
    %broadcast_in_dim3A_1608 = vector.broadcast %jit3A_1606 : f32 to vector<64x64xf32>
    %broadcast_in_dim3A_1609 = vector.broadcast %jit3A_1607 : f32 to vector<64x64xf32>
    %select_n3A_1610 = arith.select %eq3A_1605, %broadcast_in_dim3A_1608, %broadcast_in_dim3A_1609 : vector<64x64xi1>, vector<64x64xf32>
    %dot_general3A_1611 = arith.constant dense<0.000000e+00> : vector<64x64xf32>
    %dot_general3A_1612 = tpu.matmul %select_n3A_1610, %concatenate3A_1581, %dot_general3A_1611 {dimension_numbers = #tpu.dot_dimension_numbers<[1], [0], [0], [1], [0, 0, 1, 1], [], []>, precision = #tpu.contract_precision<fp32>, transpose_lhs_hint = false} : vector<64x64xf32>, vector<64x64xf32>, vector<64x64xf32> -> vector<64x64xf32>
    %broadcast_in_dim3A_1613 = arith.constant 0.000000e+00 : f32
    %broadcast_in_dim3A_1614 = vector.broadcast %broadcast_in_dim3A_1613 : f32 to vector<64x64xf32>
    %concatenate3A_1615 = tpu.concatenate %dot_general3A_1612, %broadcast_in_dim3A_1614 in 1 : vector<64x64xf32>, vector<64x64xf32> -> vector<64x128xf32>
    %swap3A_1616 = arith.constant 6 : index
    %swap3A_1617 = arith.constant 0 : index
    %swap3A_1618 = arith.constant 0 : index
    %swap3A_1619 = vector.load %arg5[%swap3A_1616, %swap3A_1617, %swap3A_1618] : memref<16x64x128xf32, #tpu.memory_space<vmem>>, vector<1x64x128xf32>
    %swap3A_1620 = vector.shape_cast %swap3A_1619 : vector<1x64x128xf32> to vector<64x128xf32>
    %swap3A_1621 = vector.shape_cast %concatenate3A_1615 : vector<64x128xf32> to vector<1x64x128xf32>
    tpu.vector_store %arg5[%swap3A_1616, %swap3A_1617, %swap3A_1618], %swap3A_1621 {strides = array<i32>} : memref<16x64x128xf32, #tpu.memory_space<vmem>>, vector<1x64x128xf32>,
    %add3A_1622 = arith.constant 12288 : i32
    %add3A_1623 = vector.broadcast %add3A_1622 : i32 to vector<64xi32>
    %add3A_1624 = arith.addi %min3A_1592, %add3A_1623 : vector<64xi32>
    %swap3A_1625 = arith.constant 6 : index
    %swap3A_1626 = arith.constant 0 : index
    %swap3A_1627 = vector.load %arg6[%swap3A_1625, %swap3A_1626] : memref<16x64xi32, #tpu.memory_space<vmem>>, vector<1x64xi32>
    %swap3A_1628 = vector.shape_cast %swap3A_1627 : vector<1x64xi32> to vector<64xi32>
    %swap3A_1629 = vector.shape_cast %add3A_1624 : vector<64xi32> to vector<1x64xi32>
    tpu.vector_store %arg6[%swap3A_1625, %swap3A_1626], %swap3A_1629 {strides = array<i32>} : memref<16x64xi32, #tpu.memory_space<vmem>>, vector<1x64xi32>,
    %get3A_1630 = arith.constant 7 : index
    %get3A_1631 = arith.constant 0 : index
    %get3A_1632 = arith.constant 0 : index
    %get3A_1633 = vector.load %arg7[%get3A_1630, %get3A_1631, %get3A_1632] : memref<16x40x2048xf32, #tpu.memory_space<vmem>>, vector<1x40x2048xf32>
    %get3A_1634 = vector.shape_cast %get3A_1633 : vector<1x40x2048xf32> to vector<40x2048xf32>
    %get3A_1635 = arith.constant 7 : index
    %get3A_1636 = arith.constant 0 : index
    %get3A_1637 = arith.constant 0 : index
    %get3A_1638 = vector.load %arg2[%get3A_1635, %get3A_1636, %get3A_1637] : memref<16x2048x64xf32, #tpu.memory_space<vmem>>, vector<1x2048x64xf32>
    %get3A_1639 = vector.shape_cast %get3A_1638 : vector<1x2048x64xf32> to vector<2048x64xf32>
    %dot_general3A_1640 = arith.constant dense<0.000000e+00> : vector<40x64xf32>
    %dot_general3A_1641 = tpu.matmul %get3A_1634, %get3A_1639, %dot_general3A_1640 {dimension_numbers = #tpu.dot_dimension_numbers<[1], [0], [0], [1], [0, 0, 1, 1], [], []>, precision = #tpu.contract_precision<fp32>, transpose_lhs_hint = false} : vector<40x2048xf32>, vector<2048x64xf32>, vector<40x64xf32> -> vector<40x64xf32>
    %reduce_max3A_1642 = arith.constant dense<0xFF800000> : vector<40xf32>
    %reduce_max3A_1643 = vector.multi_reduction <maximumf>, %dot_general3A_1641, %reduce_max3A_1642 [1] : vector<40x64xf32> to vector<40xf32>
    %broadcast_in_dim3A_1644 = vector.shape_cast %reduce_max3A_1643 : vector<40xf32> to vector<40x1xf32>
    %sub3A_1645 = vector.broadcast %broadcast_in_dim3A_1644 : vector<40x1xf32> to vector<40x64xf32>
    %sub3A_1646 = arith.subf %dot_general3A_1641, %sub3A_1645 : vector<40x64xf32>
    %exp3A_1647 = math.exp %sub3A_1646 : vector<40x64xf32>
    %reduce_sum3A_1648 = arith.constant dense<0.000000e+00> : vector<40xf32>
    %reduce_sum3A_1649 = vector.multi_reduction <add>, %exp3A_1647, %reduce_sum3A_1648 [1] : vector<40x64xf32> to vector<40xf32>
    %broadcast_in_dim3A_1650 = vector.shape_cast %reduce_sum3A_1649 : vector<40xf32> to vector<40x1xf32>
    %div3A_1651 = vector.broadcast %broadcast_in_dim3A_1650 : vector<40x1xf32> to vector<40x64xf32>
    %div3A_1652 = arith.divf %exp3A_1647, %div3A_1651 : vector<40x64xf32>
    %get3A_1653 = arith.constant 7 : index
    %get3A_1654 = arith.constant 0 : index
    %get3A_1655 = arith.constant 0 : index
    %get3A_1656 = vector.load %arg4[%get3A_1653, %get3A_1654, %get3A_1655] : memref<16x64x64xf32, #tpu.memory_space<vmem>>, vector<1x64x64xf32>
    %get3A_1657 = vector.shape_cast %get3A_1656 : vector<1x64x64xf32> to vector<64x64xf32>
    %dot_general3A_1658 = arith.constant dense<0.000000e+00> : vector<40x64xf32>
    %dot_general3A_1659 = tpu.matmul %div3A_1652, %get3A_1657, %dot_general3A_1658 {dimension_numbers = #tpu.dot_dimension_numbers<[1], [0], [0], [1], [0, 0, 1, 1], [], []>, transpose_lhs_hint = false} : vector<40x64xf32>, vector<64x64xf32>, vector<40x64xf32> -> vector<40x64xf32>
    %broadcast_in_dim3A_1660 = arith.constant 0.000000e+00 : f32
    %broadcast_in_dim3A_1661 = vector.broadcast %broadcast_in_dim3A_1660 : f32 to vector<24x64xf32>
    %concatenate3A_1662 = tpu.concatenate %dot_general3A_1659, %broadcast_in_dim3A_1661 in 0 : vector<40x64xf32>, vector<24x64xf32> -> vector<64x64xf32>
    %get3A_1663 = arith.constant 7 : index
    %get3A_1664 = arith.constant 0 : index
    %get3A_1665 = vector.load %arg3[%get3A_1663, %get3A_1664] : memref<16x64xf32, #tpu.memory_space<vmem>>, vector<1x64xf32>
    %get3A_1666 = vector.shape_cast %get3A_1665 : vector<1x64xf32> to vector<64xf32>
    %convert_element_type3A_1667 = arith.fptosi %get3A_1666 : vector<64xf32> to vector<64xi32>
    %jit3A_1668 = arith.constant 0 : i32
    %jit3A_1669 = arith.constant 2047 : i32
    %max3A_1670 = vector.broadcast %jit3A_1668 : i32 to vector<64xi32>
    %max3A_1671 = arith.maxsi %max3A_1670, %convert_element_type3A_1667 : vector<64xi32>
    %min3A_1672 = vector.broadcast %jit3A_1669 : i32 to vector<64xi32>
    %min3A_1673 = arith.minsi %min3A_1672, %max3A_1671 : vector<64xi32>
    %broadcast_in_dim3A_1674 = vector.shape_cast %min3A_1673 : vector<64xi32> to vector<1x64xi32>
    %broadcast_in_dim3A_1675 = vector.shape_cast %min3A_1673 : vector<64xi32> to vector<64x1xi32>
    %eq3A_1676 = vector.broadcast %broadcast_in_dim3A_1674 : vector<1x64xi32> to vector<64x64xi32>
    %eq3A_1677 = vector.broadcast %broadcast_in_dim3A_1675 : vector<64x1xi32> to vector<64x64xi32>
    %eq3A_1678 = arith.cmpi eq, %eq3A_1676, %eq3A_1677 : vector<64x64xi32>
    %jit3A_1679 = arith.constant -1 : i32
    %broadcast_in_dim3A_1680 = vector.broadcast %jit3A_1679 : i32 to vector<64x64xi32>
    %select_n3A_1681 = arith.select %eq3A_1678, %iota3A_1072, %broadcast_in_dim3A_1680 : vector<64x64xi1>, vector<64x64xi32>
    %reduce_max3A_1682 = arith.constant dense<-2147483648> : vector<64xi32>
    %reduce_max3A_1683 = vector.multi_reduction <maxsi>, %select_n3A_1681, %reduce_max3A_1682 [1] : vector<64x64xi32> to vector<64xi32>
    %broadcast_in_dim3A_1684 = vector.shape_cast %reduce_max3A_1683 : vector<64xi32> to vector<64x1xi32>
    %eq3A_1685 = vector.broadcast %broadcast_in_dim3A_1684 : vector<64x1xi32> to vector<64x64xi32>
    %eq3A_1686 = arith.cmpi eq, %iota3A_1072, %eq3A_1685 : vector<64x64xi32>
    %jit3A_1687 = arith.constant 1.000000e+00 : f32
    %jit3A_1688 = arith.constant 0.000000e+00 : f32
    %broadcast_in_dim3A_1689 = vector.broadcast %jit3A_1687 : f32 to vector<64x64xf32>
    %broadcast_in_dim3A_1690 = vector.broadcast %jit3A_1688 : f32 to vector<64x64xf32>
    %select_n3A_1691 = arith.select %eq3A_1686, %broadcast_in_dim3A_1689, %broadcast_in_dim3A_1690 : vector<64x64xi1>, vector<64x64xf32>
    %dot_general3A_1692 = arith.constant dense<0.000000e+00> : vector<64x64xf32>
    %dot_general3A_1693 = tpu.matmul %select_n3A_1691, %concatenate3A_1662, %dot_general3A_1692 {dimension_numbers = #tpu.dot_dimension_numbers<[1], [0], [0], [1], [0, 0, 1, 1], [], []>, precision = #tpu.contract_precision<fp32>, transpose_lhs_hint = false} : vector<64x64xf32>, vector<64x64xf32>, vector<64x64xf32> -> vector<64x64xf32>
    %broadcast_in_dim3A_1694 = arith.constant 0.000000e+00 : f32
    %broadcast_in_dim3A_1695 = vector.broadcast %broadcast_in_dim3A_1694 : f32 to vector<64x64xf32>
    %concatenate3A_1696 = tpu.concatenate %dot_general3A_1693, %broadcast_in_dim3A_1695 in 1 : vector<64x64xf32>, vector<64x64xf32> -> vector<64x128xf32>
    %swap3A_1697 = arith.constant 7 : index
    %swap3A_1698 = arith.constant 0 : index
    %swap3A_1699 = arith.constant 0 : index
    %swap3A_1700 = vector.load %arg5[%swap3A_1697, %swap3A_1698, %swap3A_1699] : memref<16x64x128xf32, #tpu.memory_space<vmem>>, vector<1x64x128xf32>
    %swap3A_1701 = vector.shape_cast %swap3A_1700 : vector<1x64x128xf32> to vector<64x128xf32>
    %swap3A_1702 = vector.shape_cast %concatenate3A_1696 : vector<64x128xf32> to vector<1x64x128xf32>
    tpu.vector_store %arg5[%swap3A_1697, %swap3A_1698, %swap3A_1699], %swap3A_1702 {strides = array<i32>} : memref<16x64x128xf32, #tpu.memory_space<vmem>>, vector<1x64x128xf32>,
    %add3A_1703 = arith.constant 14336 : i32
    %add3A_1704 = vector.broadcast %add3A_1703 : i32 to vector<64xi32>
    %add3A_1705 = arith.addi %min3A_1673, %add3A_1704 : vector<64xi32>
    %swap3A_1706 = arith.constant 7 : index
    %swap3A_1707 = arith.constant 0 : index
    %swap3A_1708 = vector.load %arg6[%swap3A_1706, %swap3A_1707] : memref<16x64xi32, #tpu.memory_space<vmem>>, vector<1x64xi32>
    %swap3A_1709 = vector.shape_cast %swap3A_1708 : vector<1x64xi32> to vector<64xi32>
    %swap3A_1710 = vector.shape_cast %add3A_1705 : vector<64xi32> to vector<1x64xi32>
    tpu.vector_store %arg6[%swap3A_1706, %swap3A_1707], %swap3A_1710 {strides = array<i32>} : memref<16x64xi32, #tpu.memory_space<vmem>>, vector<1x64xi32>,
    %get3A_1711 = arith.constant 8 : index
    %get3A_1712 = arith.constant 0 : index
    %get3A_1713 = arith.constant 0 : index
    %get3A_1714 = vector.load %arg7[%get3A_1711, %get3A_1712, %get3A_1713] : memref<16x40x2048xf32, #tpu.memory_space<vmem>>, vector<1x40x2048xf32>
    %get3A_1715 = vector.shape_cast %get3A_1714 : vector<1x40x2048xf32> to vector<40x2048xf32>
    %get3A_1716 = arith.constant 8 : index
    %get3A_1717 = arith.constant 0 : index
    %get3A_1718 = arith.constant 0 : index
    %get3A_1719 = vector.load %arg2[%get3A_1716, %get3A_1717, %get3A_1718] : memref<16x2048x64xf32, #tpu.memory_space<vmem>>, vector<1x2048x64xf32>
    %get3A_1720 = vector.shape_cast %get3A_1719 : vector<1x2048x64xf32> to vector<2048x64xf32>
    %dot_general3A_1721 = arith.constant dense<0.000000e+00> : vector<40x64xf32>
    %dot_general3A_1722 = tpu.matmul %get3A_1715, %get3A_1720, %dot_general3A_1721 {dimension_numbers = #tpu.dot_dimension_numbers<[1], [0], [0], [1], [0, 0, 1, 1], [], []>, precision = #tpu.contract_precision<fp32>, transpose_lhs_hint = false} : vector<40x2048xf32>, vector<2048x64xf32>, vector<40x64xf32> -> vector<40x64xf32>
    %reduce_max3A_1723 = arith.constant dense<0xFF800000> : vector<40xf32>
    %reduce_max3A_1724 = vector.multi_reduction <maximumf>, %dot_general3A_1722, %reduce_max3A_1723 [1] : vector<40x64xf32> to vector<40xf32>
    %broadcast_in_dim3A_1725 = vector.shape_cast %reduce_max3A_1724 : vector<40xf32> to vector<40x1xf32>
    %sub3A_1726 = vector.broadcast %broadcast_in_dim3A_1725 : vector<40x1xf32> to vector<40x64xf32>
    %sub3A_1727 = arith.subf %dot_general3A_1722, %sub3A_1726 : vector<40x64xf32>
    %exp3A_1728 = math.exp %sub3A_1727 : vector<40x64xf32>
    %reduce_sum3A_1729 = arith.constant dense<0.000000e+00> : vector<40xf32>
    %reduce_sum3A_1730 = vector.multi_reduction <add>, %exp3A_1728, %reduce_sum3A_1729 [1] : vector<40x64xf32> to vector<40xf32>
    %broadcast_in_dim3A_1731 = vector.shape_cast %reduce_sum3A_1730 : vector<40xf32> to vector<40x1xf32>
    %div3A_1732 = vector.broadcast %broadcast_in_dim3A_1731 : vector<40x1xf32> to vector<40x64xf32>
    %div3A_1733 = arith.divf %exp3A_1728, %div3A_1732 : vector<40x64xf32>
    %get3A_1734 = arith.constant 8 : index
    %get3A_1735 = arith.constant 0 : index
    %get3A_1736 = arith.constant 0 : index
    %get3A_1737 = vector.load %arg4[%get3A_1734, %get3A_1735, %get3A_1736] : memref<16x64x64xf32, #tpu.memory_space<vmem>>, vector<1x64x64xf32>
    %get3A_1738 = vector.shape_cast %get3A_1737 : vector<1x64x64xf32> to vector<64x64xf32>
    %dot_general3A_1739 = arith.constant dense<0.000000e+00> : vector<40x64xf32>
    %dot_general3A_1740 = tpu.matmul %div3A_1733, %get3A_1738, %dot_general3A_1739 {dimension_numbers = #tpu.dot_dimension_numbers<[1], [0], [0], [1], [0, 0, 1, 1], [], []>, transpose_lhs_hint = false} : vector<40x64xf32>, vector<64x64xf32>, vector<40x64xf32> -> vector<40x64xf32>
    %broadcast_in_dim3A_1741 = arith.constant 0.000000e+00 : f32
    %broadcast_in_dim3A_1742 = vector.broadcast %broadcast_in_dim3A_1741 : f32 to vector<24x64xf32>
    %concatenate3A_1743 = tpu.concatenate %dot_general3A_1740, %broadcast_in_dim3A_1742 in 0 : vector<40x64xf32>, vector<24x64xf32> -> vector<64x64xf32>
    %get3A_1744 = arith.constant 8 : index
    %get3A_1745 = arith.constant 0 : index
    %get3A_1746 = vector.load %arg3[%get3A_1744, %get3A_1745] : memref<16x64xf32, #tpu.memory_space<vmem>>, vector<1x64xf32>
    %get3A_1747 = vector.shape_cast %get3A_1746 : vector<1x64xf32> to vector<64xf32>
    %convert_element_type3A_1748 = arith.fptosi %get3A_1747 : vector<64xf32> to vector<64xi32>
    %jit3A_1749 = arith.constant 0 : i32
    %jit3A_1750 = arith.constant 2047 : i32
    %max3A_1751 = vector.broadcast %jit3A_1749 : i32 to vector<64xi32>
    %max3A_1752 = arith.maxsi %max3A_1751, %convert_element_type3A_1748 : vector<64xi32>
    %min3A_1753 = vector.broadcast %jit3A_1750 : i32 to vector<64xi32>
    %min3A_1754 = arith.minsi %min3A_1753, %max3A_1752 : vector<64xi32>
    %broadcast_in_dim3A_1755 = vector.shape_cast %min3A_1754 : vector<64xi32> to vector<1x64xi32>
    %broadcast_in_dim3A_1756 = vector.shape_cast %min3A_1754 : vector<64xi32> to vector<64x1xi32>
    %eq3A_1757 = vector.broadcast %broadcast_in_dim3A_1755 : vector<1x64xi32> to vector<64x64xi32>
    %eq3A_1758 = vector.broadcast %broadcast_in_dim3A_1756 : vector<64x1xi32> to vector<64x64xi32>
    %eq3A_1759 = arith.cmpi eq, %eq3A_1757, %eq3A_1758 : vector<64x64xi32>
    %jit3A_1760 = arith.constant -1 : i32
    %broadcast_in_dim3A_1761 = vector.broadcast %jit3A_1760 : i32 to vector<64x64xi32>
    %select_n3A_1762 = arith.select %eq3A_1759, %iota3A_1072, %broadcast_in_dim3A_1761 : vector<64x64xi1>, vector<64x64xi32>
    %reduce_max3A_1763 = arith.constant dense<-2147483648> : vector<64xi32>
    %reduce_max3A_1764 = vector.multi_reduction <maxsi>, %select_n3A_1762, %reduce_max3A_1763 [1] : vector<64x64xi32> to vector<64xi32>
    %broadcast_in_dim3A_1765 = vector.shape_cast %reduce_max3A_1764 : vector<64xi32> to vector<64x1xi32>
    %eq3A_1766 = vector.broadcast %broadcast_in_dim3A_1765 : vector<64x1xi32> to vector<64x64xi32>
    %eq3A_1767 = arith.cmpi eq, %iota3A_1072, %eq3A_1766 : vector<64x64xi32>
    %jit3A_1768 = arith.constant 1.000000e+00 : f32
    %jit3A_1769 = arith.constant 0.000000e+00 : f32
    %broadcast_in_dim3A_1770 = vector.broadcast %jit3A_1768 : f32 to vector<64x64xf32>
    %broadcast_in_dim3A_1771 = vector.broadcast %jit3A_1769 : f32 to vector<64x64xf32>
    %select_n3A_1772 = arith.select %eq3A_1767, %broadcast_in_dim3A_1770, %broadcast_in_dim3A_1771 : vector<64x64xi1>, vector<64x64xf32>
    %dot_general3A_1773 = arith.constant dense<0.000000e+00> : vector<64x64xf32>
    %dot_general3A_1774 = tpu.matmul %select_n3A_1772, %concatenate3A_1743, %dot_general3A_1773 {dimension_numbers = #tpu.dot_dimension_numbers<[1], [0], [0], [1], [0, 0, 1, 1], [], []>, precision = #tpu.contract_precision<fp32>, transpose_lhs_hint = false} : vector<64x64xf32>, vector<64x64xf32>, vector<64x64xf32> -> vector<64x64xf32>
    %broadcast_in_dim3A_1775 = arith.constant 0.000000e+00 : f32
    %broadcast_in_dim3A_1776 = vector.broadcast %broadcast_in_dim3A_1775 : f32 to vector<64x64xf32>
    %concatenate3A_1777 = tpu.concatenate %dot_general3A_1774, %broadcast_in_dim3A_1776 in 1 : vector<64x64xf32>, vector<64x64xf32> -> vector<64x128xf32>
    %swap3A_1778 = arith.constant 8 : index
    %swap3A_1779 = arith.constant 0 : index
    %swap3A_1780 = arith.constant 0 : index
    %swap3A_1781 = vector.load %arg5[%swap3A_1778, %swap3A_1779, %swap3A_1780] : memref<16x64x128xf32, #tpu.memory_space<vmem>>, vector<1x64x128xf32>
    %swap3A_1782 = vector.shape_cast %swap3A_1781 : vector<1x64x128xf32> to vector<64x128xf32>
    %swap3A_1783 = vector.shape_cast %concatenate3A_1777 : vector<64x128xf32> to vector<1x64x128xf32>
    tpu.vector_store %arg5[%swap3A_1778, %swap3A_1779, %swap3A_1780], %swap3A_1783 {strides = array<i32>} : memref<16x64x128xf32, #tpu.memory_space<vmem>>, vector<1x64x128xf32>,
    %add3A_1784 = arith.constant 16384 : i32
    %add3A_1785 = vector.broadcast %add3A_1784 : i32 to vector<64xi32>
    %add3A_1786 = arith.addi %min3A_1754, %add3A_1785 : vector<64xi32>
    %swap3A_1787 = arith.constant 8 : index
    %swap3A_1788 = arith.constant 0 : index
    %swap3A_1789 = vector.load %arg6[%swap3A_1787, %swap3A_1788] : memref<16x64xi32, #tpu.memory_space<vmem>>, vector<1x64xi32>
    %swap3A_1790 = vector.shape_cast %swap3A_1789 : vector<1x64xi32> to vector<64xi32>
    %swap3A_1791 = vector.shape_cast %add3A_1786 : vector<64xi32> to vector<1x64xi32>
    tpu.vector_store %arg6[%swap3A_1787, %swap3A_1788], %swap3A_1791 {strides = array<i32>} : memref<16x64xi32, #tpu.memory_space<vmem>>, vector<1x64xi32>,
    %get3A_1792 = arith.constant 9 : index
    %get3A_1793 = arith.constant 0 : index
    %get3A_1794 = arith.constant 0 : index
    %get3A_1795 = vector.load %arg7[%get3A_1792, %get3A_1793, %get3A_1794] : memref<16x40x2048xf32, #tpu.memory_space<vmem>>, vector<1x40x2048xf32>
    %get3A_1796 = vector.shape_cast %get3A_1795 : vector<1x40x2048xf32> to vector<40x2048xf32>
    %get3A_1797 = arith.constant 9 : index
    %get3A_1798 = arith.constant 0 : index
    %get3A_1799 = arith.constant 0 : index
    %get3A_1800 = vector.load %arg2[%get3A_1797, %get3A_1798, %get3A_1799] : memref<16x2048x64xf32, #tpu.memory_space<vmem>>, vector<1x2048x64xf32>
    %get3A_1801 = vector.shape_cast %get3A_1800 : vector<1x2048x64xf32> to vector<2048x64xf32>
    %dot_general3A_1802 = arith.constant dense<0.000000e+00> : vector<40x64xf32>
    %dot_general3A_1803 = tpu.matmul %get3A_1796, %get3A_1801, %dot_general3A_1802 {dimension_numbers = #tpu.dot_dimension_numbers<[1], [0], [0], [1], [0, 0, 1, 1], [], []>, precision = #tpu.contract_precision<fp32>, transpose_lhs_hint = false} : vector<40x2048xf32>, vector<2048x64xf32>, vector<40x64xf32> -> vector<40x64xf32>
    %reduce_max3A_1804 = arith.constant dense<0xFF800000> : vector<40xf32>
    %reduce_max3A_1805 = vector.multi_reduction <maximumf>, %dot_general3A_1803, %reduce_max3A_1804 [1] : vector<40x64xf32> to vector<40xf32>
    %broadcast_in_dim3A_1806 = vector.shape_cast %reduce_max3A_1805 : vector<40xf32> to vector<40x1xf32>
    %sub3A_1807 = vector.broadcast %broadcast_in_dim3A_1806 : vector<40x1xf32> to vector<40x64xf32>
    %sub3A_1808 = arith.subf %dot_general3A_1803, %sub3A_1807 : vector<40x64xf32>
    %exp3A_1809 = math.exp %sub3A_1808 : vector<40x64xf32>
    %reduce_sum3A_1810 = arith.constant dense<0.000000e+00> : vector<40xf32>
    %reduce_sum3A_1811 = vector.multi_reduction <add>, %exp3A_1809, %reduce_sum3A_1810 [1] : vector<40x64xf32> to vector<40xf32>
    %broadcast_in_dim3A_1812 = vector.shape_cast %reduce_sum3A_1811 : vector<40xf32> to vector<40x1xf32>
    %div3A_1813 = vector.broadcast %broadcast_in_dim3A_1812 : vector<40x1xf32> to vector<40x64xf32>
    %div3A_1814 = arith.divf %exp3A_1809, %div3A_1813 : vector<40x64xf32>
    %get3A_1815 = arith.constant 9 : index
    %get3A_1816 = arith.constant 0 : index
    %get3A_1817 = arith.constant 0 : index
    %get3A_1818 = vector.load %arg4[%get3A_1815, %get3A_1816, %get3A_1817] : memref<16x64x64xf32, #tpu.memory_space<vmem>>, vector<1x64x64xf32>
    %get3A_1819 = vector.shape_cast %get3A_1818 : vector<1x64x64xf32> to vector<64x64xf32>
    %dot_general3A_1820 = arith.constant dense<0.000000e+00> : vector<40x64xf32>
    %dot_general3A_1821 = tpu.matmul %div3A_1814, %get3A_1819, %dot_general3A_1820 {dimension_numbers = #tpu.dot_dimension_numbers<[1], [0], [0], [1], [0, 0, 1, 1], [], []>, transpose_lhs_hint = false} : vector<40x64xf32>, vector<64x64xf32>, vector<40x64xf32> -> vector<40x64xf32>
    %broadcast_in_dim3A_1822 = arith.constant 0.000000e+00 : f32
    %broadcast_in_dim3A_1823 = vector.broadcast %broadcast_in_dim3A_1822 : f32 to vector<24x64xf32>
    %concatenate3A_1824 = tpu.concatenate %dot_general3A_1821, %broadcast_in_dim3A_1823 in 0 : vector<40x64xf32>, vector<24x64xf32> -> vector<64x64xf32>
    %get3A_1825 = arith.constant 9 : index
    %get3A_1826 = arith.constant 0 : index
    %get3A_1827 = vector.load %arg3[%get3A_1825, %get3A_1826] : memref<16x64xf32, #tpu.memory_space<vmem>>, vector<1x64xf32>
    %get3A_1828 = vector.shape_cast %get3A_1827 : vector<1x64xf32> to vector<64xf32>
    %convert_element_type3A_1829 = arith.fptosi %get3A_1828 : vector<64xf32> to vector<64xi32>
    %jit3A_1830 = arith.constant 0 : i32
    %jit3A_1831 = arith.constant 2047 : i32
    %max3A_1832 = vector.broadcast %jit3A_1830 : i32 to vector<64xi32>
    %max3A_1833 = arith.maxsi %max3A_1832, %convert_element_type3A_1829 : vector<64xi32>
    %min3A_1834 = vector.broadcast %jit3A_1831 : i32 to vector<64xi32>
    %min3A_1835 = arith.minsi %min3A_1834, %max3A_1833 : vector<64xi32>
    %broadcast_in_dim3A_1836 = vector.shape_cast %min3A_1835 : vector<64xi32> to vector<1x64xi32>
    %broadcast_in_dim3A_1837 = vector.shape_cast %min3A_1835 : vector<64xi32> to vector<64x1xi32>
    %eq3A_1838 = vector.broadcast %broadcast_in_dim3A_1836 : vector<1x64xi32> to vector<64x64xi32>
    %eq3A_1839 = vector.broadcast %broadcast_in_dim3A_1837 : vector<64x1xi32> to vector<64x64xi32>
    %eq3A_1840 = arith.cmpi eq, %eq3A_1838, %eq3A_1839 : vector<64x64xi32>
    %jit3A_1841 = arith.constant -1 : i32
    %broadcast_in_dim3A_1842 = vector.broadcast %jit3A_1841 : i32 to vector<64x64xi32>
    %select_n3A_1843 = arith.select %eq3A_1840, %iota3A_1072, %broadcast_in_dim3A_1842 : vector<64x64xi1>, vector<64x64xi32>
    %reduce_max3A_1844 = arith.constant dense<-2147483648> : vector<64xi32>
    %reduce_max3A_1845 = vector.multi_reduction <maxsi>, %select_n3A_1843, %reduce_max3A_1844 [1] : vector<64x64xi32> to vector<64xi32>
    %broadcast_in_dim3A_1846 = vector.shape_cast %reduce_max3A_1845 : vector<64xi32> to vector<64x1xi32>
    %eq3A_1847 = vector.broadcast %broadcast_in_dim3A_1846 : vector<64x1xi32> to vector<64x64xi32>
    %eq3A_1848 = arith.cmpi eq, %iota3A_1072, %eq3A_1847 : vector<64x64xi32>
    %jit3A_1849 = arith.constant 1.000000e+00 : f32
    %jit3A_1850 = arith.constant 0.000000e+00 : f32
    %broadcast_in_dim3A_1851 = vector.broadcast %jit3A_1849 : f32 to vector<64x64xf32>
    %broadcast_in_dim3A_1852 = vector.broadcast %jit3A_1850 : f32 to vector<64x64xf32>
    %select_n3A_1853 = arith.select %eq3A_1848, %broadcast_in_dim3A_1851, %broadcast_in_dim3A_1852 : vector<64x64xi1>, vector<64x64xf32>
    %dot_general3A_1854 = arith.constant dense<0.000000e+00> : vector<64x64xf32>
    %dot_general3A_1855 = tpu.matmul %select_n3A_1853, %concatenate3A_1824, %dot_general3A_1854 {dimension_numbers = #tpu.dot_dimension_numbers<[1], [0], [0], [1], [0, 0, 1, 1], [], []>, precision = #tpu.contract_precision<fp32>, transpose_lhs_hint = false} : vector<64x64xf32>, vector<64x64xf32>, vector<64x64xf32> -> vector<64x64xf32>
    %broadcast_in_dim3A_1856 = arith.constant 0.000000e+00 : f32
    %broadcast_in_dim3A_1857 = vector.broadcast %broadcast_in_dim3A_1856 : f32 to vector<64x64xf32>
    %concatenate3A_1858 = tpu.concatenate %dot_general3A_1855, %broadcast_in_dim3A_1857 in 1 : vector<64x64xf32>, vector<64x64xf32> -> vector<64x128xf32>
    %swap3A_1859 = arith.constant 9 : index
    %swap3A_1860 = arith.constant 0 : index
    %swap3A_1861 = arith.constant 0 : index
    %swap3A_1862 = vector.load %arg5[%swap3A_1859, %swap3A_1860, %swap3A_1861] : memref<16x64x128xf32, #tpu.memory_space<vmem>>, vector<1x64x128xf32>
    %swap3A_1863 = vector.shape_cast %swap3A_1862 : vector<1x64x128xf32> to vector<64x128xf32>
    %swap3A_1864 = vector.shape_cast %concatenate3A_1858 : vector<64x128xf32> to vector<1x64x128xf32>
    tpu.vector_store %arg5[%swap3A_1859, %swap3A_1860, %swap3A_1861], %swap3A_1864 {strides = array<i32>} : memref<16x64x128xf32, #tpu.memory_space<vmem>>, vector<1x64x128xf32>,
    %add3A_1865 = arith.constant 18432 : i32
    %add3A_1866 = vector.broadcast %add3A_1865 : i32 to vector<64xi32>
    %add3A_1867 = arith.addi %min3A_1835, %add3A_1866 : vector<64xi32>
    %swap3A_1868 = arith.constant 9 : index
    %swap3A_1869 = arith.constant 0 : index
    %swap3A_1870 = vector.load %arg6[%swap3A_1868, %swap3A_1869] : memref<16x64xi32, #tpu.memory_space<vmem>>, vector<1x64xi32>
    %swap3A_1871 = vector.shape_cast %swap3A_1870 : vector<1x64xi32> to vector<64xi32>
    %swap3A_1872 = vector.shape_cast %add3A_1867 : vector<64xi32> to vector<1x64xi32>
    tpu.vector_store %arg6[%swap3A_1868, %swap3A_1869], %swap3A_1872 {strides = array<i32>} : memref<16x64xi32, #tpu.memory_space<vmem>>, vector<1x64xi32>,
    %get3A_1873 = arith.constant 10 : index
    %get3A_1874 = arith.constant 0 : index
    %get3A_1875 = arith.constant 0 : index
    %get3A_1876 = vector.load %arg7[%get3A_1873, %get3A_1874, %get3A_1875] : memref<16x40x2048xf32, #tpu.memory_space<vmem>>, vector<1x40x2048xf32>
    %get3A_1877 = vector.shape_cast %get3A_1876 : vector<1x40x2048xf32> to vector<40x2048xf32>
    %get3A_1878 = arith.constant 10 : index
    %get3A_1879 = arith.constant 0 : index
    %get3A_1880 = arith.constant 0 : index
    %get3A_1881 = vector.load %arg2[%get3A_1878, %get3A_1879, %get3A_1880] : memref<16x2048x64xf32, #tpu.memory_space<vmem>>, vector<1x2048x64xf32>
    %get3A_1882 = vector.shape_cast %get3A_1881 : vector<1x2048x64xf32> to vector<2048x64xf32>
    %dot_general3A_1883 = arith.constant dense<0.000000e+00> : vector<40x64xf32>
    %dot_general3A_1884 = tpu.matmul %get3A_1877, %get3A_1882, %dot_general3A_1883 {dimension_numbers = #tpu.dot_dimension_numbers<[1], [0], [0], [1], [0, 0, 1, 1], [], []>, precision = #tpu.contract_precision<fp32>, transpose_lhs_hint = false} : vector<40x2048xf32>, vector<2048x64xf32>, vector<40x64xf32> -> vector<40x64xf32>
    %reduce_max3A_1885 = arith.constant dense<0xFF800000> : vector<40xf32>
    %reduce_max3A_1886 = vector.multi_reduction <maximumf>, %dot_general3A_1884, %reduce_max3A_1885 [1] : vector<40x64xf32> to vector<40xf32>
    %broadcast_in_dim3A_1887 = vector.shape_cast %reduce_max3A_1886 : vector<40xf32> to vector<40x1xf32>
    %sub3A_1888 = vector.broadcast %broadcast_in_dim3A_1887 : vector<40x1xf32> to vector<40x64xf32>
    %sub3A_1889 = arith.subf %dot_general3A_1884, %sub3A_1888 : vector<40x64xf32>
    %exp3A_1890 = math.exp %sub3A_1889 : vector<40x64xf32>
    %reduce_sum3A_1891 = arith.constant dense<0.000000e+00> : vector<40xf32>
    %reduce_sum3A_1892 = vector.multi_reduction <add>, %exp3A_1890, %reduce_sum3A_1891 [1] : vector<40x64xf32> to vector<40xf32>
    %broadcast_in_dim3A_1893 = vector.shape_cast %reduce_sum3A_1892 : vector<40xf32> to vector<40x1xf32>
    %div3A_1894 = vector.broadcast %broadcast_in_dim3A_1893 : vector<40x1xf32> to vector<40x64xf32>
    %div3A_1895 = arith.divf %exp3A_1890, %div3A_1894 : vector<40x64xf32>
    %get3A_1896 = arith.constant 10 : index
    %get3A_1897 = arith.constant 0 : index
    %get3A_1898 = arith.constant 0 : index
    %get3A_1899 = vector.load %arg4[%get3A_1896, %get3A_1897, %get3A_1898] : memref<16x64x64xf32, #tpu.memory_space<vmem>>, vector<1x64x64xf32>
    %get3A_1900 = vector.shape_cast %get3A_1899 : vector<1x64x64xf32> to vector<64x64xf32>
    %dot_general3A_1901 = arith.constant dense<0.000000e+00> : vector<40x64xf32>
    %dot_general3A_1902 = tpu.matmul %div3A_1895, %get3A_1900, %dot_general3A_1901 {dimension_numbers = #tpu.dot_dimension_numbers<[1], [0], [0], [1], [0, 0, 1, 1], [], []>, transpose_lhs_hint = false} : vector<40x64xf32>, vector<64x64xf32>, vector<40x64xf32> -> vector<40x64xf32>
    %broadcast_in_dim3A_1903 = arith.constant 0.000000e+00 : f32
    %broadcast_in_dim3A_1904 = vector.broadcast %broadcast_in_dim3A_1903 : f32 to vector<24x64xf32>
    %concatenate3A_1905 = tpu.concatenate %dot_general3A_1902, %broadcast_in_dim3A_1904 in 0 : vector<40x64xf32>, vector<24x64xf32> -> vector<64x64xf32>
    %get3A_1906 = arith.constant 10 : index
    %get3A_1907 = arith.constant 0 : index
    %get3A_1908 = vector.load %arg3[%get3A_1906, %get3A_1907] : memref<16x64xf32, #tpu.memory_space<vmem>>, vector<1x64xf32>
    %get3A_1909 = vector.shape_cast %get3A_1908 : vector<1x64xf32> to vector<64xf32>
    %convert_element_type3A_1910 = arith.fptosi %get3A_1909 : vector<64xf32> to vector<64xi32>
    %jit3A_1911 = arith.constant 0 : i32
    %jit3A_1912 = arith.constant 2047 : i32
    %max3A_1913 = vector.broadcast %jit3A_1911 : i32 to vector<64xi32>
    %max3A_1914 = arith.maxsi %max3A_1913, %convert_element_type3A_1910 : vector<64xi32>
    %min3A_1915 = vector.broadcast %jit3A_1912 : i32 to vector<64xi32>
    %min3A_1916 = arith.minsi %min3A_1915, %max3A_1914 : vector<64xi32>
    %broadcast_in_dim3A_1917 = vector.shape_cast %min3A_1916 : vector<64xi32> to vector<1x64xi32>
    %broadcast_in_dim3A_1918 = vector.shape_cast %min3A_1916 : vector<64xi32> to vector<64x1xi32>
    %eq3A_1919 = vector.broadcast %broadcast_in_dim3A_1917 : vector<1x64xi32> to vector<64x64xi32>
    %eq3A_1920 = vector.broadcast %broadcast_in_dim3A_1918 : vector<64x1xi32> to vector<64x64xi32>
    %eq3A_1921 = arith.cmpi eq, %eq3A_1919, %eq3A_1920 : vector<64x64xi32>
    %jit3A_1922 = arith.constant -1 : i32
    %broadcast_in_dim3A_1923 = vector.broadcast %jit3A_1922 : i32 to vector<64x64xi32>
    %select_n3A_1924 = arith.select %eq3A_1921, %iota3A_1072, %broadcast_in_dim3A_1923 : vector<64x64xi1>, vector<64x64xi32>
    %reduce_max3A_1925 = arith.constant dense<-2147483648> : vector<64xi32>
    %reduce_max3A_1926 = vector.multi_reduction <maxsi>, %select_n3A_1924, %reduce_max3A_1925 [1] : vector<64x64xi32> to vector<64xi32>
    %broadcast_in_dim3A_1927 = vector.shape_cast %reduce_max3A_1926 : vector<64xi32> to vector<64x1xi32>
    %eq3A_1928 = vector.broadcast %broadcast_in_dim3A_1927 : vector<64x1xi32> to vector<64x64xi32>
    %eq3A_1929 = arith.cmpi eq, %iota3A_1072, %eq3A_1928 : vector<64x64xi32>
    %jit3A_1930 = arith.constant 1.000000e+00 : f32
    %jit3A_1931 = arith.constant 0.000000e+00 : f32
    %broadcast_in_dim3A_1932 = vector.broadcast %jit3A_1930 : f32 to vector<64x64xf32>
    %broadcast_in_dim3A_1933 = vector.broadcast %jit3A_1931 : f32 to vector<64x64xf32>
    %select_n3A_1934 = arith.select %eq3A_1929, %broadcast_in_dim3A_1932, %broadcast_in_dim3A_1933 : vector<64x64xi1>, vector<64x64xf32>
    %dot_general3A_1935 = arith.constant dense<0.000000e+00> : vector<64x64xf32>
    %dot_general3A_1936 = tpu.matmul %select_n3A_1934, %concatenate3A_1905, %dot_general3A_1935 {dimension_numbers = #tpu.dot_dimension_numbers<[1], [0], [0], [1], [0, 0, 1, 1], [], []>, precision = #tpu.contract_precision<fp32>, transpose_lhs_hint = false} : vector<64x64xf32>, vector<64x64xf32>, vector<64x64xf32> -> vector<64x64xf32>
    %broadcast_in_dim3A_1937 = arith.constant 0.000000e+00 : f32
    %broadcast_in_dim3A_1938 = vector.broadcast %broadcast_in_dim3A_1937 : f32 to vector<64x64xf32>
    %concatenate3A_1939 = tpu.concatenate %dot_general3A_1936, %broadcast_in_dim3A_1938 in 1 : vector<64x64xf32>, vector<64x64xf32> -> vector<64x128xf32>
    %swap3A_1940 = arith.constant 10 : index
    %swap3A_1941 = arith.constant 0 : index
    %swap3A_1942 = arith.constant 0 : index
    %swap3A_1943 = vector.load %arg5[%swap3A_1940, %swap3A_1941, %swap3A_1942] : memref<16x64x128xf32, #tpu.memory_space<vmem>>, vector<1x64x128xf32>
    %swap3A_1944 = vector.shape_cast %swap3A_1943 : vector<1x64x128xf32> to vector<64x128xf32>
    %swap3A_1945 = vector.shape_cast %concatenate3A_1939 : vector<64x128xf32> to vector<1x64x128xf32>
    tpu.vector_store %arg5[%swap3A_1940, %swap3A_1941, %swap3A_1942], %swap3A_1945 {strides = array<i32>} : memref<16x64x128xf32, #tpu.memory_space<vmem>>, vector<1x64x128xf32>,
    %add3A_1946 = arith.constant 20480 : i32
    %add3A_1947 = vector.broadcast %add3A_1946 : i32 to vector<64xi32>
    %add3A_1948 = arith.addi %min3A_1916, %add3A_1947 : vector<64xi32>
    %swap3A_1949 = arith.constant 10 : index
    %swap3A_1950 = arith.constant 0 : index
    %swap3A_1951 = vector.load %arg6[%swap3A_1949, %swap3A_1950] : memref<16x64xi32, #tpu.memory_space<vmem>>, vector<1x64xi32>
    %swap3A_1952 = vector.shape_cast %swap3A_1951 : vector<1x64xi32> to vector<64xi32>
    %swap3A_1953 = vector.shape_cast %add3A_1948 : vector<64xi32> to vector<1x64xi32>
    tpu.vector_store %arg6[%swap3A_1949, %swap3A_1950], %swap3A_1953 {strides = array<i32>} : memref<16x64xi32, #tpu.memory_space<vmem>>, vector<1x64xi32>,
    %get3A_1954 = arith.constant 11 : index
    %get3A_1955 = arith.constant 0 : index
    %get3A_1956 = arith.constant 0 : index
    %get3A_1957 = vector.load %arg7[%get3A_1954, %get3A_1955, %get3A_1956] : memref<16x40x2048xf32, #tpu.memory_space<vmem>>, vector<1x40x2048xf32>
    %get3A_1958 = vector.shape_cast %get3A_1957 : vector<1x40x2048xf32> to vector<40x2048xf32>
    %get3A_1959 = arith.constant 11 : index
    %get3A_1960 = arith.constant 0 : index
    %get3A_1961 = arith.constant 0 : index
    %get3A_1962 = vector.load %arg2[%get3A_1959, %get3A_1960, %get3A_1961] : memref<16x2048x64xf32, #tpu.memory_space<vmem>>, vector<1x2048x64xf32>
    %get3A_1963 = vector.shape_cast %get3A_1962 : vector<1x2048x64xf32> to vector<2048x64xf32>
    %dot_general3A_1964 = arith.constant dense<0.000000e+00> : vector<40x64xf32>
    %dot_general3A_1965 = tpu.matmul %get3A_1958, %get3A_1963, %dot_general3A_1964 {dimension_numbers = #tpu.dot_dimension_numbers<[1], [0], [0], [1], [0, 0, 1, 1], [], []>, precision = #tpu.contract_precision<fp32>, transpose_lhs_hint = false} : vector<40x2048xf32>, vector<2048x64xf32>, vector<40x64xf32> -> vector<40x64xf32>
    %reduce_max3A_1966 = arith.constant dense<0xFF800000> : vector<40xf32>
    %reduce_max3A_1967 = vector.multi_reduction <maximumf>, %dot_general3A_1965, %reduce_max3A_1966 [1] : vector<40x64xf32> to vector<40xf32>
    %broadcast_in_dim3A_1968 = vector.shape_cast %reduce_max3A_1967 : vector<40xf32> to vector<40x1xf32>
    %sub3A_1969 = vector.broadcast %broadcast_in_dim3A_1968 : vector<40x1xf32> to vector<40x64xf32>
    %sub3A_1970 = arith.subf %dot_general3A_1965, %sub3A_1969 : vector<40x64xf32>
    %exp3A_1971 = math.exp %sub3A_1970 : vector<40x64xf32>
    %reduce_sum3A_1972 = arith.constant dense<0.000000e+00> : vector<40xf32>
    %reduce_sum3A_1973 = vector.multi_reduction <add>, %exp3A_1971, %reduce_sum3A_1972 [1] : vector<40x64xf32> to vector<40xf32>
    %broadcast_in_dim3A_1974 = vector.shape_cast %reduce_sum3A_1973 : vector<40xf32> to vector<40x1xf32>
    %div3A_1975 = vector.broadcast %broadcast_in_dim3A_1974 : vector<40x1xf32> to vector<40x64xf32>
    %div3A_1976 = arith.divf %exp3A_1971, %div3A_1975 : vector<40x64xf32>
    %get3A_1977 = arith.constant 11 : index
    %get3A_1978 = arith.constant 0 : index
    %get3A_1979 = arith.constant 0 : index
    %get3A_1980 = vector.load %arg4[%get3A_1977, %get3A_1978, %get3A_1979] : memref<16x64x64xf32, #tpu.memory_space<vmem>>, vector<1x64x64xf32>
    %get3A_1981 = vector.shape_cast %get3A_1980 : vector<1x64x64xf32> to vector<64x64xf32>
    %dot_general3A_1982 = arith.constant dense<0.000000e+00> : vector<40x64xf32>
    %dot_general3A_1983 = tpu.matmul %div3A_1976, %get3A_1981, %dot_general3A_1982 {dimension_numbers = #tpu.dot_dimension_numbers<[1], [0], [0], [1], [0, 0, 1, 1], [], []>, transpose_lhs_hint = false} : vector<40x64xf32>, vector<64x64xf32>, vector<40x64xf32> -> vector<40x64xf32>
    %broadcast_in_dim3A_1984 = arith.constant 0.000000e+00 : f32
    %broadcast_in_dim3A_1985 = vector.broadcast %broadcast_in_dim3A_1984 : f32 to vector<24x64xf32>
    %concatenate3A_1986 = tpu.concatenate %dot_general3A_1983, %broadcast_in_dim3A_1985 in 0 : vector<40x64xf32>, vector<24x64xf32> -> vector<64x64xf32>
    %get3A_1987 = arith.constant 11 : index
    %get3A_1988 = arith.constant 0 : index
    %get3A_1989 = vector.load %arg3[%get3A_1987, %get3A_1988] : memref<16x64xf32, #tpu.memory_space<vmem>>, vector<1x64xf32>
    %get3A_1990 = vector.shape_cast %get3A_1989 : vector<1x64xf32> to vector<64xf32>
    %convert_element_type3A_1991 = arith.fptosi %get3A_1990 : vector<64xf32> to vector<64xi32>
    %jit3A_1992 = arith.constant 0 : i32
    %jit3A_1993 = arith.constant 2047 : i32
    %max3A_1994 = vector.broadcast %jit3A_1992 : i32 to vector<64xi32>
    %max3A_1995 = arith.maxsi %max3A_1994, %convert_element_type3A_1991 : vector<64xi32>
    %min3A_1996 = vector.broadcast %jit3A_1993 : i32 to vector<64xi32>
    %min3A_1997 = arith.minsi %min3A_1996, %max3A_1995 : vector<64xi32>
    %broadcast_in_dim3A_1998 = vector.shape_cast %min3A_1997 : vector<64xi32> to vector<1x64xi32>
    %broadcast_in_dim3A_1999 = vector.shape_cast %min3A_1997 : vector<64xi32> to vector<64x1xi32>
    %eq3A_2000 = vector.broadcast %broadcast_in_dim3A_1998 : vector<1x64xi32> to vector<64x64xi32>
    %eq3A_2001 = vector.broadcast %broadcast_in_dim3A_1999 : vector<64x1xi32> to vector<64x64xi32>
    %eq3A_2002 = arith.cmpi eq, %eq3A_2000, %eq3A_2001 : vector<64x64xi32>
    %jit3A_2003 = arith.constant -1 : i32
    %broadcast_in_dim3A_2004 = vector.broadcast %jit3A_2003 : i32 to vector<64x64xi32>
    %select_n3A_2005 = arith.select %eq3A_2002, %iota3A_1072, %broadcast_in_dim3A_2004 : vector<64x64xi1>, vector<64x64xi32>
    %reduce_max3A_2006 = arith.constant dense<-2147483648> : vector<64xi32>
    %reduce_max3A_2007 = vector.multi_reduction <maxsi>, %select_n3A_2005, %reduce_max3A_2006 [1] : vector<64x64xi32> to vector<64xi32>
    %broadcast_in_dim3A_2008 = vector.shape_cast %reduce_max3A_2007 : vector<64xi32> to vector<64x1xi32>
    %eq3A_2009 = vector.broadcast %broadcast_in_dim3A_2008 : vector<64x1xi32> to vector<64x64xi32>
    %eq3A_2010 = arith.cmpi eq, %iota3A_1072, %eq3A_2009 : vector<64x64xi32>
    %jit3A_2011 = arith.constant 1.000000e+00 : f32
    %jit3A_2012 = arith.constant 0.000000e+00 : f32
    %broadcast_in_dim3A_2013 = vector.broadcast %jit3A_2011 : f32 to vector<64x64xf32>
    %broadcast_in_dim3A_2014 = vector.broadcast %jit3A_2012 : f32 to vector<64x64xf32>
    %select_n3A_2015 = arith.select %eq3A_2010, %broadcast_in_dim3A_2013, %broadcast_in_dim3A_2014 : vector<64x64xi1>, vector<64x64xf32>
    %dot_general3A_2016 = arith.constant dense<0.000000e+00> : vector<64x64xf32>
    %dot_general3A_2017 = tpu.matmul %select_n3A_2015, %concatenate3A_1986, %dot_general3A_2016 {dimension_numbers = #tpu.dot_dimension_numbers<[1], [0], [0], [1], [0, 0, 1, 1], [], []>, precision = #tpu.contract_precision<fp32>, transpose_lhs_hint = false} : vector<64x64xf32>, vector<64x64xf32>, vector<64x64xf32> -> vector<64x64xf32>
    %broadcast_in_dim3A_2018 = arith.constant 0.000000e+00 : f32
    %broadcast_in_dim3A_2019 = vector.broadcast %broadcast_in_dim3A_2018 : f32 to vector<64x64xf32>
    %concatenate3A_2020 = tpu.concatenate %dot_general3A_2017, %broadcast_in_dim3A_2019 in 1 : vector<64x64xf32>, vector<64x64xf32> -> vector<64x128xf32>
    %swap3A_2021 = arith.constant 11 : index
    %swap3A_2022 = arith.constant 0 : index
    %swap3A_2023 = arith.constant 0 : index
    %swap3A_2024 = vector.load %arg5[%swap3A_2021, %swap3A_2022, %swap3A_2023] : memref<16x64x128xf32, #tpu.memory_space<vmem>>, vector<1x64x128xf32>
    %swap3A_2025 = vector.shape_cast %swap3A_2024 : vector<1x64x128xf32> to vector<64x128xf32>
    %swap3A_2026 = vector.shape_cast %concatenate3A_2020 : vector<64x128xf32> to vector<1x64x128xf32>
    tpu.vector_store %arg5[%swap3A_2021, %swap3A_2022, %swap3A_2023], %swap3A_2026 {strides = array<i32>} : memref<16x64x128xf32, #tpu.memory_space<vmem>>, vector<1x64x128xf32>,
    %add3A_2027 = arith.constant 22528 : i32
    %add3A_2028 = vector.broadcast %add3A_2027 : i32 to vector<64xi32>
    %add3A_2029 = arith.addi %min3A_1997, %add3A_2028 : vector<64xi32>
    %swap3A_2030 = arith.constant 11 : index
    %swap3A_2031 = arith.constant 0 : index
    %swap3A_2032 = vector.load %arg6[%swap3A_2030, %swap3A_2031] : memref<16x64xi32, #tpu.memory_space<vmem>>, vector<1x64xi32>
    %swap3A_2033 = vector.shape_cast %swap3A_2032 : vector<1x64xi32> to vector<64xi32>
    %swap3A_2034 = vector.shape_cast %add3A_2029 : vector<64xi32> to vector<1x64xi32>
    tpu.vector_store %arg6[%swap3A_2030, %swap3A_2031], %swap3A_2034 {strides = array<i32>} : memref<16x64xi32, #tpu.memory_space<vmem>>, vector<1x64xi32>,
    %get3A_2035 = arith.constant 12 : index
    %get3A_2036 = arith.constant 0 : index
    %get3A_2037 = arith.constant 0 : index
    %get3A_2038 = vector.load %arg7[%get3A_2035, %get3A_2036, %get3A_2037] : memref<16x40x2048xf32, #tpu.memory_space<vmem>>, vector<1x40x2048xf32>
    %get3A_2039 = vector.shape_cast %get3A_2038 : vector<1x40x2048xf32> to vector<40x2048xf32>
    %get3A_2040 = arith.constant 12 : index
    %get3A_2041 = arith.constant 0 : index
    %get3A_2042 = arith.constant 0 : index
    %get3A_2043 = vector.load %arg2[%get3A_2040, %get3A_2041, %get3A_2042] : memref<16x2048x64xf32, #tpu.memory_space<vmem>>, vector<1x2048x64xf32>
    %get3A_2044 = vector.shape_cast %get3A_2043 : vector<1x2048x64xf32> to vector<2048x64xf32>
    %dot_general3A_2045 = arith.constant dense<0.000000e+00> : vector<40x64xf32>
    %dot_general3A_2046 = tpu.matmul %get3A_2039, %get3A_2044, %dot_general3A_2045 {dimension_numbers = #tpu.dot_dimension_numbers<[1], [0], [0], [1], [0, 0, 1, 1], [], []>, precision = #tpu.contract_precision<fp32>, transpose_lhs_hint = false} : vector<40x2048xf32>, vector<2048x64xf32>, vector<40x64xf32> -> vector<40x64xf32>
    %reduce_max3A_2047 = arith.constant dense<0xFF800000> : vector<40xf32>
    %reduce_max3A_2048 = vector.multi_reduction <maximumf>, %dot_general3A_2046, %reduce_max3A_2047 [1] : vector<40x64xf32> to vector<40xf32>
    %broadcast_in_dim3A_2049 = vector.shape_cast %reduce_max3A_2048 : vector<40xf32> to vector<40x1xf32>
    %sub3A_2050 = vector.broadcast %broadcast_in_dim3A_2049 : vector<40x1xf32> to vector<40x64xf32>
    %sub3A_2051 = arith.subf %dot_general3A_2046, %sub3A_2050 : vector<40x64xf32>
    %exp3A_2052 = math.exp %sub3A_2051 : vector<40x64xf32>
    %reduce_sum3A_2053 = arith.constant dense<0.000000e+00> : vector<40xf32>
    %reduce_sum3A_2054 = vector.multi_reduction <add>, %exp3A_2052, %reduce_sum3A_2053 [1] : vector<40x64xf32> to vector<40xf32>
    %broadcast_in_dim3A_2055 = vector.shape_cast %reduce_sum3A_2054 : vector<40xf32> to vector<40x1xf32>
    %div3A_2056 = vector.broadcast %broadcast_in_dim3A_2055 : vector<40x1xf32> to vector<40x64xf32>
    %div3A_2057 = arith.divf %exp3A_2052, %div3A_2056 : vector<40x64xf32>
    %get3A_2058 = arith.constant 12 : index
    %get3A_2059 = arith.constant 0 : index
    %get3A_2060 = arith.constant 0 : index
    %get3A_2061 = vector.load %arg4[%get3A_2058, %get3A_2059, %get3A_2060] : memref<16x64x64xf32, #tpu.memory_space<vmem>>, vector<1x64x64xf32>
    %get3A_2062 = vector.shape_cast %get3A_2061 : vector<1x64x64xf32> to vector<64x64xf32>
    %dot_general3A_2063 = arith.constant dense<0.000000e+00> : vector<40x64xf32>
    %dot_general3A_2064 = tpu.matmul %div3A_2057, %get3A_2062, %dot_general3A_2063 {dimension_numbers = #tpu.dot_dimension_numbers<[1], [0], [0], [1], [0, 0, 1, 1], [], []>, transpose_lhs_hint = false} : vector<40x64xf32>, vector<64x64xf32>, vector<40x64xf32> -> vector<40x64xf32>
    %broadcast_in_dim3A_2065 = arith.constant 0.000000e+00 : f32
    %broadcast_in_dim3A_2066 = vector.broadcast %broadcast_in_dim3A_2065 : f32 to vector<24x64xf32>
    %concatenate3A_2067 = tpu.concatenate %dot_general3A_2064, %broadcast_in_dim3A_2066 in 0 : vector<40x64xf32>, vector<24x64xf32> -> vector<64x64xf32>
    %get3A_2068 = arith.constant 12 : index
    %get3A_2069 = arith.constant 0 : index
    %get3A_2070 = vector.load %arg3[%get3A_2068, %get3A_2069] : memref<16x64xf32, #tpu.memory_space<vmem>>, vector<1x64xf32>
    %get3A_2071 = vector.shape_cast %get3A_2070 : vector<1x64xf32> to vector<64xf32>
    %convert_element_type3A_2072 = arith.fptosi %get3A_2071 : vector<64xf32> to vector<64xi32>
    %jit3A_2073 = arith.constant 0 : i32
    %jit3A_2074 = arith.constant 2047 : i32
    %max3A_2075 = vector.broadcast %jit3A_2073 : i32 to vector<64xi32>
    %max3A_2076 = arith.maxsi %max3A_2075, %convert_element_type3A_2072 : vector<64xi32>
    %min3A_2077 = vector.broadcast %jit3A_2074 : i32 to vector<64xi32>
    %min3A_2078 = arith.minsi %min3A_2077, %max3A_2076 : vector<64xi32>
    %broadcast_in_dim3A_2079 = vector.shape_cast %min3A_2078 : vector<64xi32> to vector<1x64xi32>
    %broadcast_in_dim3A_2080 = vector.shape_cast %min3A_2078 : vector<64xi32> to vector<64x1xi32>
    %eq3A_2081 = vector.broadcast %broadcast_in_dim3A_2079 : vector<1x64xi32> to vector<64x64xi32>
    %eq3A_2082 = vector.broadcast %broadcast_in_dim3A_2080 : vector<64x1xi32> to vector<64x64xi32>
    %eq3A_2083 = arith.cmpi eq, %eq3A_2081, %eq3A_2082 : vector<64x64xi32>
    %jit3A_2084 = arith.constant -1 : i32
    %broadcast_in_dim3A_2085 = vector.broadcast %jit3A_2084 : i32 to vector<64x64xi32>
    %select_n3A_2086 = arith.select %eq3A_2083, %iota3A_1072, %broadcast_in_dim3A_2085 : vector<64x64xi1>, vector<64x64xi32>
    %reduce_max3A_2087 = arith.constant dense<-2147483648> : vector<64xi32>
    %reduce_max3A_2088 = vector.multi_reduction <maxsi>, %select_n3A_2086, %reduce_max3A_2087 [1] : vector<64x64xi32> to vector<64xi32>
    %broadcast_in_dim3A_2089 = vector.shape_cast %reduce_max3A_2088 : vector<64xi32> to vector<64x1xi32>
    %eq3A_2090 = vector.broadcast %broadcast_in_dim3A_2089 : vector<64x1xi32> to vector<64x64xi32>
    %eq3A_2091 = arith.cmpi eq, %iota3A_1072, %eq3A_2090 : vector<64x64xi32>
    %jit3A_2092 = arith.constant 1.000000e+00 : f32
    %jit3A_2093 = arith.constant 0.000000e+00 : f32
    %broadcast_in_dim3A_2094 = vector.broadcast %jit3A_2092 : f32 to vector<64x64xf32>
    %broadcast_in_dim3A_2095 = vector.broadcast %jit3A_2093 : f32 to vector<64x64xf32>
    %select_n3A_2096 = arith.select %eq3A_2091, %broadcast_in_dim3A_2094, %broadcast_in_dim3A_2095 : vector<64x64xi1>, vector<64x64xf32>
    %dot_general3A_2097 = arith.constant dense<0.000000e+00> : vector<64x64xf32>
    %dot_general3A_2098 = tpu.matmul %select_n3A_2096, %concatenate3A_2067, %dot_general3A_2097 {dimension_numbers = #tpu.dot_dimension_numbers<[1], [0], [0], [1], [0, 0, 1, 1], [], []>, precision = #tpu.contract_precision<fp32>, transpose_lhs_hint = false} : vector<64x64xf32>, vector<64x64xf32>, vector<64x64xf32> -> vector<64x64xf32>
    %broadcast_in_dim3A_2099 = arith.constant 0.000000e+00 : f32
    %broadcast_in_dim3A_2100 = vector.broadcast %broadcast_in_dim3A_2099 : f32 to vector<64x64xf32>
    %concatenate3A_2101 = tpu.concatenate %dot_general3A_2098, %broadcast_in_dim3A_2100 in 1 : vector<64x64xf32>, vector<64x64xf32> -> vector<64x128xf32>
    %swap3A_2102 = arith.constant 12 : index
    %swap3A_2103 = arith.constant 0 : index
    %swap3A_2104 = arith.constant 0 : index
    %swap3A_2105 = vector.load %arg5[%swap3A_2102, %swap3A_2103, %swap3A_2104] : memref<16x64x128xf32, #tpu.memory_space<vmem>>, vector<1x64x128xf32>
    %swap3A_2106 = vector.shape_cast %swap3A_2105 : vector<1x64x128xf32> to vector<64x128xf32>
    %swap3A_2107 = vector.shape_cast %concatenate3A_2101 : vector<64x128xf32> to vector<1x64x128xf32>
    tpu.vector_store %arg5[%swap3A_2102, %swap3A_2103, %swap3A_2104], %swap3A_2107 {strides = array<i32>} : memref<16x64x128xf32, #tpu.memory_space<vmem>>, vector<1x64x128xf32>,
    %add3A_2108 = arith.constant 24576 : i32
    %add3A_2109 = vector.broadcast %add3A_2108 : i32 to vector<64xi32>
    %add3A_2110 = arith.addi %min3A_2078, %add3A_2109 : vector<64xi32>
    %swap3A_2111 = arith.constant 12 : index
    %swap3A_2112 = arith.constant 0 : index
    %swap3A_2113 = vector.load %arg6[%swap3A_2111, %swap3A_2112] : memref<16x64xi32, #tpu.memory_space<vmem>>, vector<1x64xi32>
    %swap3A_2114 = vector.shape_cast %swap3A_2113 : vector<1x64xi32> to vector<64xi32>
    %swap3A_2115 = vector.shape_cast %add3A_2110 : vector<64xi32> to vector<1x64xi32>
    tpu.vector_store %arg6[%swap3A_2111, %swap3A_2112], %swap3A_2115 {strides = array<i32>} : memref<16x64xi32, #tpu.memory_space<vmem>>, vector<1x64xi32>,
    %get3A_2116 = arith.constant 13 : index
    %get3A_2117 = arith.constant 0 : index
    %get3A_2118 = arith.constant 0 : index
    %get3A_2119 = vector.load %arg7[%get3A_2116, %get3A_2117, %get3A_2118] : memref<16x40x2048xf32, #tpu.memory_space<vmem>>, vector<1x40x2048xf32>
    %get3A_2120 = vector.shape_cast %get3A_2119 : vector<1x40x2048xf32> to vector<40x2048xf32>
    %get3A_2121 = arith.constant 13 : index
    %get3A_2122 = arith.constant 0 : index
    %get3A_2123 = arith.constant 0 : index
    %get3A_2124 = vector.load %arg2[%get3A_2121, %get3A_2122, %get3A_2123] : memref<16x2048x64xf32, #tpu.memory_space<vmem>>, vector<1x2048x64xf32>
    %get3A_2125 = vector.shape_cast %get3A_2124 : vector<1x2048x64xf32> to vector<2048x64xf32>
    %dot_general3A_2126 = arith.constant dense<0.000000e+00> : vector<40x64xf32>
    %dot_general3A_2127 = tpu.matmul %get3A_2120, %get3A_2125, %dot_general3A_2126 {dimension_numbers = #tpu.dot_dimension_numbers<[1], [0], [0], [1], [0, 0, 1, 1], [], []>, precision = #tpu.contract_precision<fp32>, transpose_lhs_hint = false} : vector<40x2048xf32>, vector<2048x64xf32>, vector<40x64xf32> -> vector<40x64xf32>
    %reduce_max3A_2128 = arith.constant dense<0xFF800000> : vector<40xf32>
    %reduce_max3A_2129 = vector.multi_reduction <maximumf>, %dot_general3A_2127, %reduce_max3A_2128 [1] : vector<40x64xf32> to vector<40xf32>
    %broadcast_in_dim3A_2130 = vector.shape_cast %reduce_max3A_2129 : vector<40xf32> to vector<40x1xf32>
    %sub3A_2131 = vector.broadcast %broadcast_in_dim3A_2130 : vector<40x1xf32> to vector<40x64xf32>
    %sub3A_2132 = arith.subf %dot_general3A_2127, %sub3A_2131 : vector<40x64xf32>
    %exp3A_2133 = math.exp %sub3A_2132 : vector<40x64xf32>
    %reduce_sum3A_2134 = arith.constant dense<0.000000e+00> : vector<40xf32>
    %reduce_sum3A_2135 = vector.multi_reduction <add>, %exp3A_2133, %reduce_sum3A_2134 [1] : vector<40x64xf32> to vector<40xf32>
    %broadcast_in_dim3A_2136 = vector.shape_cast %reduce_sum3A_2135 : vector<40xf32> to vector<40x1xf32>
    %div3A_2137 = vector.broadcast %broadcast_in_dim3A_2136 : vector<40x1xf32> to vector<40x64xf32>
    %div3A_2138 = arith.divf %exp3A_2133, %div3A_2137 : vector<40x64xf32>
    %get3A_2139 = arith.constant 13 : index
    %get3A_2140 = arith.constant 0 : index
    %get3A_2141 = arith.constant 0 : index
    %get3A_2142 = vector.load %arg4[%get3A_2139, %get3A_2140, %get3A_2141] : memref<16x64x64xf32, #tpu.memory_space<vmem>>, vector<1x64x64xf32>
    %get3A_2143 = vector.shape_cast %get3A_2142 : vector<1x64x64xf32> to vector<64x64xf32>
    %dot_general3A_2144 = arith.constant dense<0.000000e+00> : vector<40x64xf32>
    %dot_general3A_2145 = tpu.matmul %div3A_2138, %get3A_2143, %dot_general3A_2144 {dimension_numbers = #tpu.dot_dimension_numbers<[1], [0], [0], [1], [0, 0, 1, 1], [], []>, transpose_lhs_hint = false} : vector<40x64xf32>, vector<64x64xf32>, vector<40x64xf32> -> vector<40x64xf32>
    %broadcast_in_dim3A_2146 = arith.constant 0.000000e+00 : f32
    %broadcast_in_dim3A_2147 = vector.broadcast %broadcast_in_dim3A_2146 : f32 to vector<24x64xf32>
    %concatenate3A_2148 = tpu.concatenate %dot_general3A_2145, %broadcast_in_dim3A_2147 in 0 : vector<40x64xf32>, vector<24x64xf32> -> vector<64x64xf32>
    %get3A_2149 = arith.constant 13 : index
    %get3A_2150 = arith.constant 0 : index
    %get3A_2151 = vector.load %arg3[%get3A_2149, %get3A_2150] : memref<16x64xf32, #tpu.memory_space<vmem>>, vector<1x64xf32>
    %get3A_2152 = vector.shape_cast %get3A_2151 : vector<1x64xf32> to vector<64xf32>
    %convert_element_type3A_2153 = arith.fptosi %get3A_2152 : vector<64xf32> to vector<64xi32>
    %jit3A_2154 = arith.constant 0 : i32
    %jit3A_2155 = arith.constant 2047 : i32
    %max3A_2156 = vector.broadcast %jit3A_2154 : i32 to vector<64xi32>
    %max3A_2157 = arith.maxsi %max3A_2156, %convert_element_type3A_2153 : vector<64xi32>
    %min3A_2158 = vector.broadcast %jit3A_2155 : i32 to vector<64xi32>
    %min3A_2159 = arith.minsi %min3A_2158, %max3A_2157 : vector<64xi32>
    %broadcast_in_dim3A_2160 = vector.shape_cast %min3A_2159 : vector<64xi32> to vector<1x64xi32>
    %broadcast_in_dim3A_2161 = vector.shape_cast %min3A_2159 : vector<64xi32> to vector<64x1xi32>
    %eq3A_2162 = vector.broadcast %broadcast_in_dim3A_2160 : vector<1x64xi32> to vector<64x64xi32>
    %eq3A_2163 = vector.broadcast %broadcast_in_dim3A_2161 : vector<64x1xi32> to vector<64x64xi32>
    %eq3A_2164 = arith.cmpi eq, %eq3A_2162, %eq3A_2163 : vector<64x64xi32>
    %jit3A_2165 = arith.constant -1 : i32
    %broadcast_in_dim3A_2166 = vector.broadcast %jit3A_2165 : i32 to vector<64x64xi32>
    %select_n3A_2167 = arith.select %eq3A_2164, %iota3A_1072, %broadcast_in_dim3A_2166 : vector<64x64xi1>, vector<64x64xi32>
    %reduce_max3A_2168 = arith.constant dense<-2147483648> : vector<64xi32>
    %reduce_max3A_2169 = vector.multi_reduction <maxsi>, %select_n3A_2167, %reduce_max3A_2168 [1] : vector<64x64xi32> to vector<64xi32>
    %broadcast_in_dim3A_2170 = vector.shape_cast %reduce_max3A_2169 : vector<64xi32> to vector<64x1xi32>
    %eq3A_2171 = vector.broadcast %broadcast_in_dim3A_2170 : vector<64x1xi32> to vector<64x64xi32>
    %eq3A_2172 = arith.cmpi eq, %iota3A_1072, %eq3A_2171 : vector<64x64xi32>
    %jit3A_2173 = arith.constant 1.000000e+00 : f32
    %jit3A_2174 = arith.constant 0.000000e+00 : f32
    %broadcast_in_dim3A_2175 = vector.broadcast %jit3A_2173 : f32 to vector<64x64xf32>
    %broadcast_in_dim3A_2176 = vector.broadcast %jit3A_2174 : f32 to vector<64x64xf32>
    %select_n3A_2177 = arith.select %eq3A_2172, %broadcast_in_dim3A_2175, %broadcast_in_dim3A_2176 : vector<64x64xi1>, vector<64x64xf32>
    %dot_general3A_2178 = arith.constant dense<0.000000e+00> : vector<64x64xf32>
    %dot_general3A_2179 = tpu.matmul %select_n3A_2177, %concatenate3A_2148, %dot_general3A_2178 {dimension_numbers = #tpu.dot_dimension_numbers<[1], [0], [0], [1], [0, 0, 1, 1], [], []>, precision = #tpu.contract_precision<fp32>, transpose_lhs_hint = false} : vector<64x64xf32>, vector<64x64xf32>, vector<64x64xf32> -> vector<64x64xf32>
    %broadcast_in_dim3A_2180 = arith.constant 0.000000e+00 : f32
    %broadcast_in_dim3A_2181 = vector.broadcast %broadcast_in_dim3A_2180 : f32 to vector<64x64xf32>
    %concatenate3A_2182 = tpu.concatenate %dot_general3A_2179, %broadcast_in_dim3A_2181 in 1 : vector<64x64xf32>, vector<64x64xf32> -> vector<64x128xf32>
    %swap3A_2183 = arith.constant 13 : index
    %swap3A_2184 = arith.constant 0 : index
    %swap3A_2185 = arith.constant 0 : index
    %swap3A_2186 = vector.load %arg5[%swap3A_2183, %swap3A_2184, %swap3A_2185] : memref<16x64x128xf32, #tpu.memory_space<vmem>>, vector<1x64x128xf32>
    %swap3A_2187 = vector.shape_cast %swap3A_2186 : vector<1x64x128xf32> to vector<64x128xf32>
    %swap3A_2188 = vector.shape_cast %concatenate3A_2182 : vector<64x128xf32> to vector<1x64x128xf32>
    tpu.vector_store %arg5[%swap3A_2183, %swap3A_2184, %swap3A_2185], %swap3A_2188 {strides = array<i32>} : memref<16x64x128xf32, #tpu.memory_space<vmem>>, vector<1x64x128xf32>,
    %add3A_2189 = arith.constant 26624 : i32
    %add3A_2190 = vector.broadcast %add3A_2189 : i32 to vector<64xi32>
    %add3A_2191 = arith.addi %min3A_2159, %add3A_2190 : vector<64xi32>
    %swap3A_2192 = arith.constant 13 : index
    %swap3A_2193 = arith.constant 0 : index
    %swap3A_2194 = vector.load %arg6[%swap3A_2192, %swap3A_2193] : memref<16x64xi32, #tpu.memory_space<vmem>>, vector<1x64xi32>
    %swap3A_2195 = vector.shape_cast %swap3A_2194 : vector<1x64xi32> to vector<64xi32>
    %swap3A_2196 = vector.shape_cast %add3A_2191 : vector<64xi32> to vector<1x64xi32>
    tpu.vector_store %arg6[%swap3A_2192, %swap3A_2193], %swap3A_2196 {strides = array<i32>} : memref<16x64xi32, #tpu.memory_space<vmem>>, vector<1x64xi32>,
    %get3A_2197 = arith.constant 14 : index
    %get3A_2198 = arith.constant 0 : index
    %get3A_2199 = arith.constant 0 : index
    %get3A_2200 = vector.load %arg7[%get3A_2197, %get3A_2198, %get3A_2199] : memref<16x40x2048xf32, #tpu.memory_space<vmem>>, vector<1x40x2048xf32>
    %get3A_2201 = vector.shape_cast %get3A_2200 : vector<1x40x2048xf32> to vector<40x2048xf32>
    %get3A_2202 = arith.constant 14 : index
    %get3A_2203 = arith.constant 0 : index
    %get3A_2204 = arith.constant 0 : index
    %get3A_2205 = vector.load %arg2[%get3A_2202, %get3A_2203, %get3A_2204] : memref<16x2048x64xf32, #tpu.memory_space<vmem>>, vector<1x2048x64xf32>
    %get3A_2206 = vector.shape_cast %get3A_2205 : vector<1x2048x64xf32> to vector<2048x64xf32>
    %dot_general3A_2207 = arith.constant dense<0.000000e+00> : vector<40x64xf32>
    %dot_general3A_2208 = tpu.matmul %get3A_2201, %get3A_2206, %dot_general3A_2207 {dimension_numbers = #tpu.dot_dimension_numbers<[1], [0], [0], [1], [0, 0, 1, 1], [], []>, precision = #tpu.contract_precision<fp32>, transpose_lhs_hint = false} : vector<40x2048xf32>, vector<2048x64xf32>, vector<40x64xf32> -> vector<40x64xf32>
    %reduce_max3A_2209 = arith.constant dense<0xFF800000> : vector<40xf32>
    %reduce_max3A_2210 = vector.multi_reduction <maximumf>, %dot_general3A_2208, %reduce_max3A_2209 [1] : vector<40x64xf32> to vector<40xf32>
    %broadcast_in_dim3A_2211 = vector.shape_cast %reduce_max3A_2210 : vector<40xf32> to vector<40x1xf32>
    %sub3A_2212 = vector.broadcast %broadcast_in_dim3A_2211 : vector<40x1xf32> to vector<40x64xf32>
    %sub3A_2213 = arith.subf %dot_general3A_2208, %sub3A_2212 : vector<40x64xf32>
    %exp3A_2214 = math.exp %sub3A_2213 : vector<40x64xf32>
    %reduce_sum3A_2215 = arith.constant dense<0.000000e+00> : vector<40xf32>
    %reduce_sum3A_2216 = vector.multi_reduction <add>, %exp3A_2214, %reduce_sum3A_2215 [1] : vector<40x64xf32> to vector<40xf32>
    %broadcast_in_dim3A_2217 = vector.shape_cast %reduce_sum3A_2216 : vector<40xf32> to vector<40x1xf32>
    %div3A_2218 = vector.broadcast %broadcast_in_dim3A_2217 : vector<40x1xf32> to vector<40x64xf32>
    %div3A_2219 = arith.divf %exp3A_2214, %div3A_2218 : vector<40x64xf32>
    %get3A_2220 = arith.constant 14 : index
    %get3A_2221 = arith.constant 0 : index
    %get3A_2222 = arith.constant 0 : index
    %get3A_2223 = vector.load %arg4[%get3A_2220, %get3A_2221, %get3A_2222] : memref<16x64x64xf32, #tpu.memory_space<vmem>>, vector<1x64x64xf32>
    %get3A_2224 = vector.shape_cast %get3A_2223 : vector<1x64x64xf32> to vector<64x64xf32>
    %dot_general3A_2225 = arith.constant dense<0.000000e+00> : vector<40x64xf32>
    %dot_general3A_2226 = tpu.matmul %div3A_2219, %get3A_2224, %dot_general3A_2225 {dimension_numbers = #tpu.dot_dimension_numbers<[1], [0], [0], [1], [0, 0, 1, 1], [], []>, transpose_lhs_hint = false} : vector<40x64xf32>, vector<64x64xf32>, vector<40x64xf32> -> vector<40x64xf32>
    %broadcast_in_dim3A_2227 = arith.constant 0.000000e+00 : f32
    %broadcast_in_dim3A_2228 = vector.broadcast %broadcast_in_dim3A_2227 : f32 to vector<24x64xf32>
    %concatenate3A_2229 = tpu.concatenate %dot_general3A_2226, %broadcast_in_dim3A_2228 in 0 : vector<40x64xf32>, vector<24x64xf32> -> vector<64x64xf32>
    %get3A_2230 = arith.constant 14 : index
    %get3A_2231 = arith.constant 0 : index
    %get3A_2232 = vector.load %arg3[%get3A_2230, %get3A_2231] : memref<16x64xf32, #tpu.memory_space<vmem>>, vector<1x64xf32>
    %get3A_2233 = vector.shape_cast %get3A_2232 : vector<1x64xf32> to vector<64xf32>
    %convert_element_type3A_2234 = arith.fptosi %get3A_2233 : vector<64xf32> to vector<64xi32>
    %jit3A_2235 = arith.constant 0 : i32
    %jit3A_2236 = arith.constant 2047 : i32
    %max3A_2237 = vector.broadcast %jit3A_2235 : i32 to vector<64xi32>
    %max3A_2238 = arith.maxsi %max3A_2237, %convert_element_type3A_2234 : vector<64xi32>
    %min3A_2239 = vector.broadcast %jit3A_2236 : i32 to vector<64xi32>
    %min3A_2240 = arith.minsi %min3A_2239, %max3A_2238 : vector<64xi32>
    %broadcast_in_dim3A_2241 = vector.shape_cast %min3A_2240 : vector<64xi32> to vector<1x64xi32>
    %broadcast_in_dim3A_2242 = vector.shape_cast %min3A_2240 : vector<64xi32> to vector<64x1xi32>
    %eq3A_2243 = vector.broadcast %broadcast_in_dim3A_2241 : vector<1x64xi32> to vector<64x64xi32>
    %eq3A_2244 = vector.broadcast %broadcast_in_dim3A_2242 : vector<64x1xi32> to vector<64x64xi32>
    %eq3A_2245 = arith.cmpi eq, %eq3A_2243, %eq3A_2244 : vector<64x64xi32>
    %jit3A_2246 = arith.constant -1 : i32
    %broadcast_in_dim3A_2247 = vector.broadcast %jit3A_2246 : i32 to vector<64x64xi32>
    %select_n3A_2248 = arith.select %eq3A_2245, %iota3A_1072, %broadcast_in_dim3A_2247 : vector<64x64xi1>, vector<64x64xi32>
    %reduce_max3A_2249 = arith.constant dense<-2147483648> : vector<64xi32>
    %reduce_max3A_2250 = vector.multi_reduction <maxsi>, %select_n3A_2248, %reduce_max3A_2249 [1] : vector<64x64xi32> to vector<64xi32>
    %broadcast_in_dim3A_2251 = vector.shape_cast %reduce_max3A_2250 : vector<64xi32> to vector<64x1xi32>
    %eq3A_2252 = vector.broadcast %broadcast_in_dim3A_2251 : vector<64x1xi32> to vector<64x64xi32>
    %eq3A_2253 = arith.cmpi eq, %iota3A_1072, %eq3A_2252 : vector<64x64xi32>
    %jit3A_2254 = arith.constant 1.000000e+00 : f32
    %jit3A_2255 = arith.constant 0.000000e+00 : f32
    %broadcast_in_dim3A_2256 = vector.broadcast %jit3A_2254 : f32 to vector<64x64xf32>
    %broadcast_in_dim3A_2257 = vector.broadcast %jit3A_2255 : f32 to vector<64x64xf32>
    %select_n3A_2258 = arith.select %eq3A_2253, %broadcast_in_dim3A_2256, %broadcast_in_dim3A_2257 : vector<64x64xi1>, vector<64x64xf32>
    %dot_general3A_2259 = arith.constant dense<0.000000e+00> : vector<64x64xf32>
    %dot_general3A_2260 = tpu.matmul %select_n3A_2258, %concatenate3A_2229, %dot_general3A_2259 {dimension_numbers = #tpu.dot_dimension_numbers<[1], [0], [0], [1], [0, 0, 1, 1], [], []>, precision = #tpu.contract_precision<fp32>, transpose_lhs_hint = false} : vector<64x64xf32>, vector<64x64xf32>, vector<64x64xf32> -> vector<64x64xf32>
    %broadcast_in_dim3A_2261 = arith.constant 0.000000e+00 : f32
    %broadcast_in_dim3A_2262 = vector.broadcast %broadcast_in_dim3A_2261 : f32 to vector<64x64xf32>
    %concatenate3A_2263 = tpu.concatenate %dot_general3A_2260, %broadcast_in_dim3A_2262 in 1 : vector<64x64xf32>, vector<64x64xf32> -> vector<64x128xf32>
    %swap3A_2264 = arith.constant 14 : index
    %swap3A_2265 = arith.constant 0 : index
    %swap3A_2266 = arith.constant 0 : index
    %swap3A_2267 = vector.load %arg5[%swap3A_2264, %swap3A_2265, %swap3A_2266] : memref<16x64x128xf32, #tpu.memory_space<vmem>>, vector<1x64x128xf32>
    %swap3A_2268 = vector.shape_cast %swap3A_2267 : vector<1x64x128xf32> to vector<64x128xf32>
    %swap3A_2269 = vector.shape_cast %concatenate3A_2263 : vector<64x128xf32> to vector<1x64x128xf32>
    tpu.vector_store %arg5[%swap3A_2264, %swap3A_2265, %swap3A_2266], %swap3A_2269 {strides = array<i32>} : memref<16x64x128xf32, #tpu.memory_space<vmem>>, vector<1x64x128xf32>,
    %add3A_2270 = arith.constant 28672 : i32
    %add3A_2271 = vector.broadcast %add3A_2270 : i32 to vector<64xi32>
    %add3A_2272 = arith.addi %min3A_2240, %add3A_2271 : vector<64xi32>
    %swap3A_2273 = arith.constant 14 : index
    %swap3A_2274 = arith.constant 0 : index
    %swap3A_2275 = vector.load %arg6[%swap3A_2273, %swap3A_2274] : memref<16x64xi32, #tpu.memory_space<vmem>>, vector<1x64xi32>
    %swap3A_2276 = vector.shape_cast %swap3A_2275 : vector<1x64xi32> to vector<64xi32>
    %swap3A_2277 = vector.shape_cast %add3A_2272 : vector<64xi32> to vector<1x64xi32>
    tpu.vector_store %arg6[%swap3A_2273, %swap3A_2274], %swap3A_2277 {strides = array<i32>} : memref<16x64xi32, #tpu.memory_space<vmem>>, vector<1x64xi32>,
    %get3A_2278 = arith.constant 15 : index
    %get3A_2279 = arith.constant 0 : index
    %get3A_2280 = arith.constant 0 : index
    %get3A_2281 = vector.load %arg7[%get3A_2278, %get3A_2279, %get3A_2280] : memref<16x40x2048xf32, #tpu.memory_space<vmem>>, vector<1x40x2048xf32>
    %get3A_2282 = vector.shape_cast %get3A_2281 : vector<1x40x2048xf32> to vector<40x2048xf32>
    %get3A_2283 = arith.constant 15 : index
    %get3A_2284 = arith.constant 0 : index
    %get3A_2285 = arith.constant 0 : index
    %get3A_2286 = vector.load %arg2[%get3A_2283, %get3A_2284, %get3A_2285] : memref<16x2048x64xf32, #tpu.memory_space<vmem>>, vector<1x2048x64xf32>
    %get3A_2287 = vector.shape_cast %get3A_2286 : vector<1x2048x64xf32> to vector<2048x64xf32>
    %dot_general3A_2288 = arith.constant dense<0.000000e+00> : vector<40x64xf32>
    %dot_general3A_2289 = tpu.matmul %get3A_2282, %get3A_2287, %dot_general3A_2288 {dimension_numbers = #tpu.dot_dimension_numbers<[1], [0], [0], [1], [0, 0, 1, 1], [], []>, precision = #tpu.contract_precision<fp32>, transpose_lhs_hint = false} : vector<40x2048xf32>, vector<2048x64xf32>, vector<40x64xf32> -> vector<40x64xf32>
    %reduce_max3A_2290 = arith.constant dense<0xFF800000> : vector<40xf32>
    %reduce_max3A_2291 = vector.multi_reduction <maximumf>, %dot_general3A_2289, %reduce_max3A_2290 [1] : vector<40x64xf32> to vector<40xf32>
    %broadcast_in_dim3A_2292 = vector.shape_cast %reduce_max3A_2291 : vector<40xf32> to vector<40x1xf32>
    %sub3A_2293 = vector.broadcast %broadcast_in_dim3A_2292 : vector<40x1xf32> to vector<40x64xf32>
    %sub3A_2294 = arith.subf %dot_general3A_2289, %sub3A_2293 : vector<40x64xf32>
    %exp3A_2295 = math.exp %sub3A_2294 : vector<40x64xf32>
    %reduce_sum3A_2296 = arith.constant dense<0.000000e+00> : vector<40xf32>
    %reduce_sum3A_2297 = vector.multi_reduction <add>, %exp3A_2295, %reduce_sum3A_2296 [1] : vector<40x64xf32> to vector<40xf32>
    %broadcast_in_dim3A_2298 = vector.shape_cast %reduce_sum3A_2297 : vector<40xf32> to vector<40x1xf32>
    %div3A_2299 = vector.broadcast %broadcast_in_dim3A_2298 : vector<40x1xf32> to vector<40x64xf32>
    %div3A_2300 = arith.divf %exp3A_2295, %div3A_2299 : vector<40x64xf32>
    %get3A_2301 = arith.constant 15 : index
    %get3A_2302 = arith.constant 0 : index
    %get3A_2303 = arith.constant 0 : index
    %get3A_2304 = vector.load %arg4[%get3A_2301, %get3A_2302, %get3A_2303] : memref<16x64x64xf32, #tpu.memory_space<vmem>>, vector<1x64x64xf32>
    %get3A_2305 = vector.shape_cast %get3A_2304 : vector<1x64x64xf32> to vector<64x64xf32>
    %dot_general3A_2306 = arith.constant dense<0.000000e+00> : vector<40x64xf32>
    %dot_general3A_2307 = tpu.matmul %div3A_2300, %get3A_2305, %dot_general3A_2306 {dimension_numbers = #tpu.dot_dimension_numbers<[1], [0], [0], [1], [0, 0, 1, 1], [], []>, transpose_lhs_hint = false} : vector<40x64xf32>, vector<64x64xf32>, vector<40x64xf32> -> vector<40x64xf32>
    %broadcast_in_dim3A_2308 = arith.constant 0.000000e+00 : f32
    %broadcast_in_dim3A_2309 = vector.broadcast %broadcast_in_dim3A_2308 : f32 to vector<24x64xf32>
    %concatenate3A_2310 = tpu.concatenate %dot_general3A_2307, %broadcast_in_dim3A_2309 in 0 : vector<40x64xf32>, vector<24x64xf32> -> vector<64x64xf32>
    %get3A_2311 = arith.constant 15 : index
    %get3A_2312 = arith.constant 0 : index
    %get3A_2313 = vector.load %arg3[%get3A_2311, %get3A_2312] : memref<16x64xf32, #tpu.memory_space<vmem>>, vector<1x64xf32>
    %get3A_2314 = vector.shape_cast %get3A_2313 : vector<1x64xf32> to vector<64xf32>
    %convert_element_type3A_2315 = arith.fptosi %get3A_2314 : vector<64xf32> to vector<64xi32>
    %jit3A_2316 = arith.constant 0 : i32
    %jit3A_2317 = arith.constant 2047 : i32
    %max3A_2318 = vector.broadcast %jit3A_2316 : i32 to vector<64xi32>
    %max3A_2319 = arith.maxsi %max3A_2318, %convert_element_type3A_2315 : vector<64xi32>
    %min3A_2320 = vector.broadcast %jit3A_2317 : i32 to vector<64xi32>
    %min3A_2321 = arith.minsi %min3A_2320, %max3A_2319 : vector<64xi32>
    %broadcast_in_dim3A_2322 = vector.shape_cast %min3A_2321 : vector<64xi32> to vector<1x64xi32>
    %broadcast_in_dim3A_2323 = vector.shape_cast %min3A_2321 : vector<64xi32> to vector<64x1xi32>
    %eq3A_2324 = vector.broadcast %broadcast_in_dim3A_2322 : vector<1x64xi32> to vector<64x64xi32>
    %eq3A_2325 = vector.broadcast %broadcast_in_dim3A_2323 : vector<64x1xi32> to vector<64x64xi32>
    %eq3A_2326 = arith.cmpi eq, %eq3A_2324, %eq3A_2325 : vector<64x64xi32>
    %jit3A_2327 = arith.constant -1 : i32
    %broadcast_in_dim3A_2328 = vector.broadcast %jit3A_2327 : i32 to vector<64x64xi32>
    %select_n3A_2329 = arith.select %eq3A_2326, %iota3A_1072, %broadcast_in_dim3A_2328 : vector<64x64xi1>, vector<64x64xi32>
    %reduce_max3A_2330 = arith.constant dense<-2147483648> : vector<64xi32>
    %reduce_max3A_2331 = vector.multi_reduction <maxsi>, %select_n3A_2329, %reduce_max3A_2330 [1] : vector<64x64xi32> to vector<64xi32>
    %broadcast_in_dim3A_2332 = vector.shape_cast %reduce_max3A_2331 : vector<64xi32> to vector<64x1xi32>
    %eq3A_2333 = vector.broadcast %broadcast_in_dim3A_2332 : vector<64x1xi32> to vector<64x64xi32>
    %eq3A_2334 = arith.cmpi eq, %iota3A_1072, %eq3A_2333 : vector<64x64xi32>
    %jit3A_2335 = arith.constant 1.000000e+00 : f32
    %jit3A_2336 = arith.constant 0.000000e+00 : f32
    %broadcast_in_dim3A_2337 = vector.broadcast %jit3A_2335 : f32 to vector<64x64xf32>
    %broadcast_in_dim3A_2338 = vector.broadcast %jit3A_2336 : f32 to vector<64x64xf32>
    %select_n3A_2339 = arith.select %eq3A_2334, %broadcast_in_dim3A_2337, %broadcast_in_dim3A_2338 : vector<64x64xi1>, vector<64x64xf32>
    %dot_general3A_2340 = arith.constant dense<0.000000e+00> : vector<64x64xf32>
    %dot_general3A_2341 = tpu.matmul %select_n3A_2339, %concatenate3A_2310, %dot_general3A_2340 {dimension_numbers = #tpu.dot_dimension_numbers<[1], [0], [0], [1], [0, 0, 1, 1], [], []>, precision = #tpu.contract_precision<fp32>, transpose_lhs_hint = false} : vector<64x64xf32>, vector<64x64xf32>, vector<64x64xf32> -> vector<64x64xf32>
    %broadcast_in_dim3A_2342 = arith.constant 0.000000e+00 : f32
    %broadcast_in_dim3A_2343 = vector.broadcast %broadcast_in_dim3A_2342 : f32 to vector<64x64xf32>
    %concatenate3A_2344 = tpu.concatenate %dot_general3A_2341, %broadcast_in_dim3A_2343 in 1 : vector<64x64xf32>, vector<64x64xf32> -> vector<64x128xf32>
    %swap3A_2345 = arith.constant 15 : index
    %swap3A_2346 = arith.constant 0 : index
    %swap3A_2347 = arith.constant 0 : index
    %swap3A_2348 = vector.load %arg5[%swap3A_2345, %swap3A_2346, %swap3A_2347] : memref<16x64x128xf32, #tpu.memory_space<vmem>>, vector<1x64x128xf32>
    %swap3A_2349 = vector.shape_cast %swap3A_2348 : vector<1x64x128xf32> to vector<64x128xf32>
    %swap3A_2350 = vector.shape_cast %concatenate3A_2344 : vector<64x128xf32> to vector<1x64x128xf32>
    tpu.vector_store %arg5[%swap3A_2345, %swap3A_2346, %swap3A_2347], %swap3A_2350 {strides = array<i32>} : memref<16x64x128xf32, #tpu.memory_space<vmem>>, vector<1x64x128xf32>,
    %add3A_2351 = arith.constant 30720 : i32
    %add3A_2352 = vector.broadcast %add3A_2351 : i32 to vector<64xi32>
    %add3A_2353 = arith.addi %min3A_2321, %add3A_2352 : vector<64xi32>
    %swap3A_2354 = arith.constant 15 : index
    %swap3A_2355 = arith.constant 0 : index
    %swap3A_2356 = vector.load %arg6[%swap3A_2354, %swap3A_2355] : memref<16x64xi32, #tpu.memory_space<vmem>>, vector<1x64xi32>
    %swap3A_2357 = vector.shape_cast %swap3A_2356 : vector<1x64xi32> to vector<64xi32>
    %swap3A_2358 = vector.shape_cast %add3A_2353 : vector<64xi32> to vector<1x64xi32>
    tpu.vector_store %arg6[%swap3A_2354, %swap3A_2355], %swap3A_2358 {strides = array<i32>} : memref<16x64xi32, #tpu.memory_space<vmem>>, vector<1x64xi32>,
    return
  }
  func.func @transform_0(%arg0: i32) -> (i32, i32) {
    %c0_i32 = arith.constant 0 : i32
    %c0_i32_0 = arith.constant 0 : i32
    %c0_i32_1 = arith.constant 0 : i32
    return %c0_i32, %c0_i32_0 : i32, i32
  }
  func.func @transform_1(%arg0: i32) -> (i32, i32, i32) {
    %c0_i32 = arith.constant 0 : i32
    %c0_i32_0 = arith.constant 0 : i32
    %c0_i32_1 = arith.constant 0 : i32
    %c0_i32_2 = arith.constant 0 : i32
    return %c0_i32, %c0_i32_0, %c0_i32_1 : i32, i32, i32
  }
  func.func @transform_2(%arg0: i32) -> (i32, i32) {
    %c0_i32 = arith.constant 0 : i32
    %c0_i32_0 = arith.constant 0 : i32
    %c0_i32_1 = arith.constant 0 : i32
    return %c0_i32, %c0_i32_0 : i32, i32
  }
  func.func @transform_3(%arg0: i32) -> (i32, i32, i32) {
    %c0_i32 = arith.constant 0 : i32
    %c0_i32_0 = arith.constant 0 : i32
    %c0_i32_1 = arith.constant 0 : i32
    %c0_i32_2 = arith.constant 0 : i32
    return %c0_i32, %c0_i32_0, %c0_i32_1 : i32, i32, i32
  }
  func.func @transform_4(%arg0: i32) -> (i32, i32, i32) {
    %c0_i32 = arith.constant 0 : i32
    %c0_i32_0 = arith.constant 0 : i32
    %c0_i32_1 = arith.constant 0 : i32
    %c0_i32_2 = arith.constant 0 : i32
    return %c0_i32, %c0_i32_0, %c0_i32_1 : i32, i32, i32
  }
  func.func @transform_5(%arg0: i32) -> (i32, i32) {
    %c0_i32 = arith.constant 0 : i32
    %c0_i32_0 = arith.constant 0 : i32
    %c0_i32_1 = arith.constant 0 : i32
    return %c0_i32, %c0_i32_0 : i32, i32
  }
}

</mosaic_0001>

<sc_bundles>
// kernel: kernel.5.cloned.1.call-start
scs
__scs_entry_jumppad:
0x0: {  	(pc) =	sbr.rel $0x88, $3  }
0x1: {  	(tag) =	ssettag $0x0;
	lr =	simm.s32 $0x1  }
0x2: {  	[smem:$0x3F9E] =	sst lr;
	_ =	strace $0xD0000000  }
0x3: {  	_ = 	snop  }
0x4: {  	_ = 	snop  }
0x5: {  	_ = 	snop  }
0x6: {  	_ = 	snop  }
0x7: {  	_ = 	snop  }
__scs_overlays_trampoline_lowered:
0x8: {  	[smem:$0x3FAD] =	sst s0  }
0x9: {  	[smem:$0x3FAE] =	sst s1  }
0xa: {  	[smem:$0x3FAF] =	sst s2  }
0xb: {  	[smem:$0x3FB0] =	sst s3  }
0xc: {  	[smem:$0x3FB1] =	sst s4  }
0xd: {  	[smem:$0x3FB2] =	sst s5  }
0xe: {  	[smem:$0x3FB3] =	sst s6  }
0xf: {  	[smem:$0x3FB4] =	sst s7  }
0x10: {  	[smem:$0x3FB5] =	sst s8  }
0x11: {  	[smem:$0x3FB6] =	sst s9;
	s0 =	simm.s32 @!p0 $0x0  }
0x12: {  	s1 =	sld [smem:$0x3F9C];
	s0 =	simm.s32 @p0 $0x1  }
0x13: {  	[smem:$0x3FB7] =	sst s0;
	s0 =	simm.s32 @!p1 $0x0  }
0x14: {  	s2 =	sld [smem:$0x3F9B];
	s0 =	simm.s32 @p1 $0x1  }
0x15: {  	[smem:$0x3FB8] =	sst s0;
	s0 =	simm.s32 @!p2 $0x0  }
0x16: {  	s3 =	sld [smem:$0x3FDB];
	s0 =	simm.s32 @p2 $0x1  }
0x17: {  	s4 =	simm.s32 $0x1BF5;
	[smem:$0x3FBA] =	sst s0  }
0x18: {  	s0 =	sld [smem:$0x3F9D];
	_ =	swait.ge [sflag:s4], $0x0  }
0x19: {  	s7 =	sld [smem:$0x3F9E]  }
0x1a: {  	s8 =	sadd.s32 $0xFFFFE003, lr  }
0x1b: {  	s9 =	sadd.s32 $0xFFFFFEF7, lr;
	s5 =	simm.s32 $0xFFFFFFFF;
	p2 =	slt.u32 s8, $0xFFFFF086  }
0x1c: {  	p1 =	slt.u32 s9, $0xF7A;
	s5 =	simm.s32 @!p2 $0x0  }
0x1d: {  	s5 =	simm.s32 @p1 $0x1;
	p0 =	seq.s32 s7, s2  }
0x1e: {  	s7 =	smul.u32 @!p0 $0xF7A, s2;
	p2 =	seq.s32 @!p0 s5, $0x0  }
0x1f: {  	s9 =	smul.u32 $0xF7A, s1;
	s8 =	simm.s32 @!p0 $0x1BF5;
	p2 =	por !p2, p0  }
0x20: {  	[sflag:s8] =	ssyncset.s32 @!p0 $0xFFFFF086;
	s6 =	sadd.s32 @!p0 s3, s7;
	s7 =	simm.s32 @!p0 $0x108  }
0x21: {  	s3 =	sadd.s32 s3, s9;
	s6 =	sadd.s32 @!p0 $0x88, s6;
	s7 =	simm.s32 @p2 $0x1082  }
0x22: {  	[simem:s7], [sflag:s8] =	dma.local @!p0 [hbm:s6], $0xF7A  }
0x23: {  	s9 =	sor.u32 $0xD0000000, s2;
	s6 =	simm.s32 $0x108;
	_ =	swait.ge @!p0 [sflag:s8], $0x0  }
0x24: {  	s3 =	sadd.s32 $0x88, s3;
	s6 =	simm.s32 @!p1 $0x1082;
	[sflag:s4] =	ssyncset.s32 $0xFFFFF086  }
0x25: {  	[simem:s6], [sflag:s4] =	dma.local [hbm:s3], $0xF7A  }
0x26: {  	[smem:$0x3F9E] =	sst s1;
	(tag) =	ssettag s2;
	_ =	strace s9  }
0x27: {  	s1 =	sld [smem:$0x3FAE]  }
0x28: {  	s2 =	sld [smem:$0x3FAF]  }
0x29: {  	s4 =	sld [smem:$0x3FB1]  }
0x2a: {  	p0 =	seq.s32 s5, $0x0;
	s5 =	sld [smem:$0x3FB2]  }
0x2b: {  	s6 =	sld [smem:$0x3FB3]  }
0x2c: {  	s7 =	sld [smem:$0x3FB4]  }
0x2d: {  	s3 =	simm.s32 $0x108;
	s8 =	sld [smem:$0x3FB5]  }
0x2e: {  	s3 =	simm.s32 @!p0 $0x1082;
	s9 =	sld [smem:$0x3FB6]  }
0x2f: {  	lr =	sadd.s32 s0, s3;
	s0 =	sld [smem:$0x3FAD]  }
0x30: {  	s3 =	sld [smem:$0x3FB0]  }
0x31: {  	[smem:$0x3FB9] =	sst s10  }
0x32: {  	s10 =	sld [smem:$0x3FB7];
	_ =	sdelay $0x3  }
0x33: {  	p0 =	seq.s32 s10, $0x1;
	s10 =	sld [smem:$0x3FB9];
	_ =	sdelay $0x3  }
0x34: {  	[smem:$0x3FB9] =	sst s10  }
0x35: {  	s10 =	sld [smem:$0x3FB8];
	_ =	sdelay $0x3  }
0x36: {  	p1 =	seq.s32 s10, $0x1;
	s10 =	sld [smem:$0x3FB9];
	_ =	sdelay $0x3  }
0x37: {  	[smem:$0x3FB9] =	sst s10  }
0x38: {  	s10 =	sld [smem:$0x3FBA]  }
0x39: {  	_ = 	snop;
	(pc) =	sbr.ind lr, $3  }
0x3a: {  	_ = 	snop  }
0x3b: {  	_ = 	snop  }
0x3c: {  	p2 =	seq.s32 s10, $0x1;
	s10 =	sld [smem:$0x3FB9]  }
0x3d: {  	_ =	shalt  }
0x3e: {  	_ =	shalt  }
0x3f: {  	_ =	shalt  }
0x40: {  	_ =	shalt  }
0x41: {  	_ =	shalt  }
0x42: {  	_ =	shalt  }
0x43: {  	_ =	shalt  }
0x44: {  	_ =	shalt  }
0x45: {  	_ =	shalt  }
0x46: {  	_ =	shalt  }
0x47: {  	_ =	shalt  }
0x48: {  	_ =	shalt  }
0x49: {  	_ =	shalt  }
0x4a: {  	_ =	shalt  }
0x4b: {  	_ =	shalt  }
0x4c: {  	_ =	shalt  }
0x4d: {  	_ =	shalt  }
0x4e: {  	_ =	shalt  }
0x4f: {  	_ =	shalt  }
0x50: {  	_ =	shalt  }
0x51: {  	_ =	shalt  }
0x52: {  	_ =	shalt  }
0x53: {  	_ =	shalt  }
0x54: {  	_ =	shalt  }
0x55: {  	_ =	shalt  }
0x56: {  	_ =	shalt  }
0x57: {  	_ =	shalt  }
0x58: {  	_ =	shalt  }
0x59: {  	_ =	shalt  }
0x5a: {  	_ =	shalt  }
0x5b: {  	_ =	shalt  }
0x5c: {  	_ =	shalt  }
0x5d: {  	_ =	shalt  }
0x5e: {  	_ =	shalt  }
0x5f: {  	_ =	shalt  }
0x60: {  	_ =	shalt  }
0x61: {  	_ =	shalt  }
0x62: {  	_ =	shalt  }
0x63: {  	_ =	shalt  }
0x64: {  	_ =	shalt  }
0x65: {  	_ =	shalt  }
0x66: {  	_ =	shalt  }
0x67: {  	_ =	shalt  }
0x68: {  	_ =	shalt  }
0x69: {  	_ =	shalt  }
0x6a: {  	_ =	shalt  }
0x6b: {  	_ =	shalt  }
0x6c: {  	_ =	shalt  }
0x6d: {  	_ =	shalt  }
0x6e: {  	_ =	shalt  }
0x6f: {  	_ =	shalt  }
0x70: {  	_ =	shalt  }
0x71: {  	_ =	shalt  }
0x72: {  	_ =	shalt  }
0x73: {  	_ =	shalt  }
0x74: {  	_ =	shalt  }
0x75: {  	_ =	shalt  }
0x76: {  	_ =	shalt  }
0x77: {  	_ =	shalt  }
0x78: {  	_ =	shalt  }
0x79: {  	_ =	shalt  }
0x7a: {  	_ =	shalt  }
0x7b: {  	_ =	shalt  }
0x7c: {  	_ =	shalt  }
0x7d: {  	_ =	shalt  }
0x7e: {  	_ =	shalt  }
0x7f: {  	_ =	shalt  }
0x80: {  	_ =	shalt  }
0x81: {  	_ =	shalt  }
0x82: {  	_ =	shalt  }
0x83: {  	_ =	shalt  }
0x84: {  	_ =	shalt  }
0x85: {  	_ =	shalt  }
0x86: {  	_ =	shalt  }
0x87: {  	_ =	shalt  }
.Lfunc_end0:
.L_simem_size_0:
called_computation_lowered:
.L_overlay_start_0:
0x88: {  	s2 =	sld [smem:$0x3FD9]  }
0x89: {  	s3 =	sld [smem:$0x3FFE];
	_ =	sdelay $0x1  }
0x8a: {  	s1 =	srdreg.scid  }
0x8b: {  	s0 =	sand.u32 $0x1, s1  }
0x8c: {  	s17 =	sshll.u32 s0, $0xA;
	s2 =	sadd.s32 s3, s2  }
0x8d: {  	s2 =	sadd.s32 s2, s17  }
0x8e: {  	[smem:$0x3FC5] =	sst s2  }
0x8f: {  	_ = 	snop  }
0x90: {  	s2 =	sld [smem:$0x3FD0];
	(tm) =	ssettm $0x1  }
0x91: {  	s18 =	sld [smem:$0x3FFB];
	_ =	sdelay $0x3  }
0x92: {  	_ =	strace s18  }
0x93: {  	s3 =	sld [smem:$0x3FFC];
	_ =	sdelay $0x3  }
0x94: {  	_ =	strace s3  }
0x95: {  	s3 =	sld [smem:$0x3FFD];
	_ =	sdelay $0x3  }
0x96: {  	_ =	strace s3  }
0x97: {  	_ =	strace $0x8FFFFFFF  }
0x98: {  	s19 =	sld [smem:$0x3FDB];
	_ =	sdelay $0x1  }
0x99: {  	s4 =	simm.s32 $_scs_section_size  }
0x9a: {  	s5 =	simm.s32 $_size__tile_overlayer_lowered;
	s6 =	simm.s32 $_tile_overlayer_lowered  }
0x9b: {  	s22 =	simm.s32 $0x1BFF;
	s21 =	sshll.u32 s6, $0x1;
	s3 =	sadd.s32 s4, s19  }
0x9c: {  	s7 =	simm.s32 $0x0;
	s20 =	sshll.u32 s5, $0x1;
	s5 =	sadd.s32 s21, s3  }
0x9d: {  	[timem:s7], [sflag:s22] =	dma.local [hbm:s5], s20  }
0x9e: {  	_ =	swait.ge [sflag:s22], s20  }
0x9f: {  	s4 =	ssub.s32 $0x0, s20;
	[sflag:s22] =	ssyncset.done $0x0  }
0xa0: {  	[sflag:s22] =	ssyncadd.s32 s4;
	_ =	sdelay $0x1  }
0xa1: {  	s23 =	simm.s32 $0x1B8B  }
0xa2: {  	_ =	swait.ge [sflag:s23], $0x1  }
0xa3: {  	[sflag:s23] =	ssyncset.done $0x0  }
0xa4: {  	s25 =	simm.s32 $0x1B8E;
	s24 =	sld [smem:$0x3FFE];
	[sflag:s23] =	ssyncadd.s32 $0xFFFFFFFF  }
0xa5: {  	s26 =	simm.s32 $execute0_lowered;
	[smem:$0x3FD2] =	sst s25  }
0xa6: {  	s5 =	sshll.u32 s26, $0x1;
	_ =	strace $0x80000046;
	[dreg:$0x1] =	wrdreg $0xFFFFFFFF  }
0xa7: {  	s28 =	simm.s32 $_size_execute0_lowered;
	s3 =	sadd.s32 s3, s5;
	[dreg:$0x0] =	wrdreg $0x0  }
0xa8: {  	s5 =	sshll.u32 s28, $0x1;
	[dreg:$0x2] =	wrdreg s3  }
0xa9: {  	[dreg:$0x3] =	wrdreg s5  }
0xaa: {  	[dreg:$0x4] =	wrdreg $0xC0  }
0xab: {  	_ =	task [dreg:s7], $0x5FFFF  }
0xac: {  	[dreg:$0x1] =	wrdreg $0xFFFFFFFF  }
0xad: {  	[dreg:$0x0] =	wrdreg $0x60  }
0xae: {  	[dreg:$0x2] =	wrdreg s2  }
0xaf: {  	[dreg:$0x3] =	wrdreg s24  }
0xb0: {  	[dreg:$0x4] =	wrdreg $0x9  }
0xb1: {  	_ =	task.clear_ibuf [dreg:s7], $0x5FFFF;
	_ =	strace $0x90000046  }
0xb2: {  	s29 =	simm.s32 $0x9;
	_ =	strace $0x80000048  }
0xb3: {  	_ =	swait.ge [sflag:s29], $0x1  }
0xb4: {  	[sflag:s29] =	ssyncadd.s32 $0xFFFFFFFF  }
0xb5: {  	_ =	strace $0x90000048  }
0xb6: {  	_ =	sfence  }
0xb7: {  	s30 =	sld [smem:$0x0];
	_ =	sdelay $0x2  }
0xb8: {  	s31 =	sshll.u32 s1, $0xD;
	s1 =	sshrl.u32 s1, $0x2  }
0xb9: {  	s3 =	sand.u32 $0x4000, s31;
	s1 =	sadd.s32 s1, s30  }
0xba: {  	s0 =	sor.u32 s3, s0;
	s1 =	sshll.u32 s1, $0x11  }
0xbb: {  	s0 =	sor.u32 s1, s0  }
0xbc: {  	s0 =	sadd.s32 $0x8F2B, s0  }
0xbd: {  	[sflag:s0] =	ssyncadd.remote.s32 $0x1  }
0xbe: {  	_ =	sfence.sel $0xFFFF  }
0xbf: {  	[dreg:$0x0] =	wrdreg $0xFFFFFFFF;
	(pc) =	sbr.abs _section_cstart, $3  }
0xc0: {  	[dreg:$0x1] =	wrdreg $0xFFFFFFFF  }
0xc1: {  	_ =	task.clear_ibuf [dreg:s7], $0x2FFFF;
	_ =	strace $0x9FFFFFFF  }
0xc2: {  	(tm) =	ssettm $0x7FFFFFFF  }
0xc3: {  	_ =	shalt  }
tec
execute0_lowered:
.L_overlay_start_1:
0x0: {  	(tag) =	ssettag $0x1  }
0x1: {  	s1 =	stileid.u32  }
0x2: {  	p0 =	sgt.u32 s1, $0x7  }
.Ltmp0:
0x3: {  	_ = 	snop;
	(pc) =	sbr.rel @p0 .LBB2_4-.Ltmp0, $4  }
0x4: {  	s6 =	rddreg [dreg:$0x0]  }
0x5: {  	s9 =	rddreg [dreg:$0x1];
	s2 =	simm.s32 $0x0  }
0x6: {  	[smem:$0x7FF] =	sst s2  }
0x7: {  	s0 =	rddreg [dreg:$0x2];
	_ =	strace $0x80000047  }
0x8: {  	s3 =	srdreg.scid;
	s7 =	sshll.u32 s1, $0x1;
	s4 =	simm.s32 $0x2080  }
0x9: {  	s5 =	simm.s32 $0x3;
	s19 =	sand.u32 $0x1, s3;
	s3 =	sadd.s32 $0x2000, s9  }
0xa: {  	[tilespmem:s4], [sflag:$0x3] =	stream.linear.gather [hbm4b:s3+s2], $0x8000, $0x38;
	[tilespmem:$0xA080] =	vst v63  }
0xb: {  	s10 =	sor.u32 s19, s7;
	_ =	swait.ge [sflag:s5], $0x8000  }
0xc: {  	s7 =	sshll.u32 s10, $0xA;
	[sflag:s5] =	ssyncset.done $0x0  }
0xd: {  	s6 =	sadd.s32 s6, s7;
	[sflag:s5] =	ssyncadd.s32 $0xFFFF8000  }
0xe: {  	[tilespmem:s2], [sflag:$0x3] =	stream.linear.gather [hbm4b:s6+s2], $0x2000, $0x38;
	[tilespmem:$0xA080] =	vst v63  }
0xf: {  	s31 =	sshll.u32 s10, $0x4;
	_ =	swait.ge [sflag:s5], $0x2000  }
0x10: {  	s7 =	sadd.s32 s31, s9;
	[sflag:s5] =	ssyncset.done $0x0  }
0x11: {  	s8 =	simm.s32 $0x2000;
	s7 =	sadd.s32 $0x1E00, s7;
	[sflag:s5] =	ssyncadd.s32 $0xFFFFE000  }
0x12: {  	[tilespmem:s8], [sflag:$0x3] =	stream.linear.gather [hbm4b:s7+s2], $0x80, $0x38;
	[tilespmem:$0xA080] =	vst v63  }
0x13: {  	_ =	swait.ge [sflag:s5], $0x80  }
0x14: {  	s10 =	sshll.u32 s10, $0xF;
	s9 =	sadd.s32 $0x3000, s9;
	[sflag:s5] =	ssyncset.done $0x0  }
0x15: {  	s10 =	sadd.s32 s9, s10;
	[sflag:s5] =	ssyncadd.s32 $0xFFFFFF80  }
0x16: {  	[hbm4b:s10+s2] =	stream.linear.scatter [tilespmem:s4], [sflag:$0x1], $0x8000, $0x38;
	[tilespmem:$0xA080] =	vst v63  }
0x17: {  	s11 =	sadd.s32 $0x1000, s10  }
0x18: {  	[hbm4b:s11+s2] =	stream.linear.scatter [tilespmem:s4], [sflag:$0x1], $0x8000, $0x38;
	[tilespmem:$0xA080] =	vst v63  }
0x19: {  	s12 =	sadd.s32 $0x2000, s10  }
0x1a: {  	[hbm4b:s12+s2] =	stream.linear.scatter [tilespmem:s4], [sflag:$0x1], $0x8000, $0x38;
	[tilespmem:$0xA080] =	vst v63  }
0x1b: {  	s13 =	sadd.s32 $0x3000, s10  }
0x1c: {  	[hbm4b:s13+s2] =	stream.linear.scatter [tilespmem:s4], [sflag:$0x1], $0x8000, $0x38;
	[tilespmem:$0xA080] =	vst v63  }
0x1d: {  	s14 =	sadd.s32 $0x4000, s10  }
0x1e: {  	[hbm4b:s14+s2] =	stream.linear.scatter [tilespmem:s4], [sflag:$0x1], $0x8000, $0x38;
	[tilespmem:$0xA080] =	vst v63  }
0x1f: {  	s15 =	sadd.s32 $0x5000, s10  }
0x20: {  	[hbm4b:s15+s2] =	stream.linear.scatter [tilespmem:s4], [sflag:$0x1], $0x8000, $0x38;
	[tilespmem:$0xA080] =	vst v63  }
0x21: {  	s16 =	sadd.s32 $0x6000, s10  }
0x22: {  	[hbm4b:s16+s2] =	stream.linear.scatter [tilespmem:s4], [sflag:$0x1], $0x8000, $0x38;
	[tilespmem:$0xA080] =	vst v63  }
0x23: {  	s18 =	simm.s32 $0x1;
	s17 =	sadd.s32 $0x7000, s10  }
0x24: {  	[hbm4b:s17+s2] =	stream.linear.scatter [tilespmem:s4], [sflag:$0x1], $0x8000, $0x38;
	[tilespmem:$0xA080] =	vst v63  }
0x25: {  	_ =	swait.ge [sflag:s18], $0x8000  }
0x26: {  	[sflag:s18] =	ssyncset.done $0x0  }
0x27: {  	[sflag:s18] =	ssyncadd.s32 $0xFFFF8000  }
0x28: {  	_ =	swait.ge [sflag:s18], $0x8000  }
0x29: {  	[sflag:s18] =	ssyncset.done $0x0  }
0x2a: {  	[sflag:s18] =	ssyncadd.s32 $0xFFFF8000  }
0x2b: {  	_ =	swait.ge [sflag:s18], $0x8000  }
0x2c: {  	[sflag:s18] =	ssyncset.done $0x0  }
0x2d: {  	[sflag:s18] =	ssyncadd.s32 $0xFFFF8000  }
0x2e: {  	_ =	swait.ge [sflag:s18], $0x8000  }
0x2f: {  	[sflag:s18] =	ssyncset.done $0x0  }
0x30: {  	[sflag:s18] =	ssyncadd.s32 $0xFFFF8000  }
0x31: {  	_ =	swait.ge [sflag:s18], $0x8000  }
0x32: {  	[sflag:s18] =	ssyncset.done $0x0  }
0x33: {  	[sflag:s18] =	ssyncadd.s32 $0xFFFF8000  }
0x34: {  	_ =	swait.ge [sflag:s18], $0x8000  }
0x35: {  	[sflag:s18] =	ssyncset.done $0x0  }
0x36: {  	s19 =	ssub.s32 $0x2, s19;
	[sflag:s18] =	ssyncadd.s32 $0xFFFF8000  }
0x37: {  	s20 =	sshrl.u32 s19, $0x1;
	_ =	swait.ge [sflag:s18], $0x8000  }
0x38: {  	s19 =	ssub.s32 s19, s20;
	[sflag:s18] =	ssyncset.done $0x0  }
0x39: {  	s21 =	smax.u32 s19, $0x1;
	[sflag:s18] =	ssyncadd.s32 $0xFFFF8000  }
0x3a: {  	p0 =	sne.s32 s21, $0x1;
	_ =	swait.ge [sflag:s18], $0x8000  }
.Ltmp1:
0x3b: {  	[sflag:s18] =	ssyncset.done $0x0;
	(pc) =	sbr.rel @!p0 .LBB2_3-.Ltmp1, $4  }
0x3c: {  	s20 =	simm.s32 $0x40;
	s19 =	simm.s32 $0x2;
	[sflag:s18] =	ssyncadd.s32 $0xFFFF8000  }
0x3d: {  	[hbm4b:s9+s20] =	stream.indirect.scatter [tilespmem:s2], [sflag:$0x2], $0x80, s8, s20, $0xb8;
	[tilespmem:$0xA080] =	vst v63  }
0x3e: {  	_ =	swait.ge [sflag:s19], $0x2000  }
0x3f: {  	s21 =	sadd.s32 $0xFFFFFFFF, s21;
	[sflag:s19] =	ssyncset.done $0x0  }
.LBB2_2:
0x40: {  	p0 =	sne.s32 s21, $0x1;
	s21 =	sadd.s32 $0xFFFFFFFF, s21;
	[sflag:s19] =	ssyncadd.s32 $0xFFFFE000  }
0x41: {  	[tilespmem:s4], [sflag:$0x3] =	stream.linear.gather [hbm4b:s3+s2], $0x8000, $0x38;
	[tilespmem:$0xA080] =	vst v63  }
0x42: {  	_ =	swait.ge [sflag:s5], $0x8000  }
0x43: {  	[sflag:s5] =	ssyncset.done $0x0  }
0x44: {  	[sflag:s5] =	ssyncadd.s32 $0xFFFF8000  }
0x45: {  	[tilespmem:s2], [sflag:$0x3] =	stream.linear.gather [hbm4b:s6+s2], $0x2000, $0x38;
	[tilespmem:$0xA080] =	vst v63  }
0x46: {  	_ =	swait.ge [sflag:s5], $0x2000  }
0x47: {  	[sflag:s5] =	ssyncset.done $0x0  }
0x48: {  	[sflag:s5] =	ssyncadd.s32 $0xFFFFE000  }
0x49: {  	[tilespmem:s8], [sflag:$0x3] =	stream.linear.gather [hbm4b:s7+s2], $0x80, $0x38;
	[tilespmem:$0xA080] =	vst v63  }
0x4a: {  	_ =	swait.ge [sflag:s5], $0x80  }
0x4b: {  	[sflag:s5] =	ssyncset.done $0x0  }
0x4c: {  	[sflag:s5] =	ssyncadd.s32 $0xFFFFFF80  }
0x4d: {  	[hbm4b:s10+s2] =	stream.linear.scatter [tilespmem:s4], [sflag:$0x1], $0x8000, $0x38;
	[tilespmem:$0xA080] =	vst v63  }
0x4e: {  	_ = 	snop  }
0x4f: {  	[hbm4b:s11+s2] =	stream.linear.scatter [tilespmem:s4], [sflag:$0x1], $0x8000, $0x38;
	[tilespmem:$0xA080] =	vst v63  }
0x50: {  	_ = 	snop  }
0x51: {  	[hbm4b:s12+s2] =	stream.linear.scatter [tilespmem:s4], [sflag:$0x1], $0x8000, $0x38;
	[tilespmem:$0xA080] =	vst v63  }
0x52: {  	_ = 	snop  }
0x53: {  	[hbm4b:s13+s2] =	stream.linear.scatter [tilespmem:s4], [sflag:$0x1], $0x8000, $0x38;
	[tilespmem:$0xA080] =	vst v63  }
0x54: {  	_ = 	snop  }
0x55: {  	[hbm4b:s14+s2] =	stream.linear.scatter [tilespmem:s4], [sflag:$0x1], $0x8000, $0x38;
	[tilespmem:$0xA080] =	vst v63  }
0x56: {  	_ = 	snop  }
0x57: {  	[hbm4b:s15+s2] =	stream.linear.scatter [tilespmem:s4], [sflag:$0x1], $0x8000, $0x38;
	[tilespmem:$0xA080] =	vst v63  }
0x58: {  	_ = 	snop  }
0x59: {  	[hbm4b:s16+s2] =	stream.linear.scatter [tilespmem:s4], [sflag:$0x1], $0x8000, $0x38;
	[tilespmem:$0xA080] =	vst v63  }
0x5a: {  	_ = 	snop  }
0x5b: {  	[hbm4b:s17+s2] =	stream.linear.scatter [tilespmem:s4], [sflag:$0x1], $0x8000, $0x38;
	[tilespmem:$0xA080] =	vst v63  }
0x5c: {  	_ =	swait.ge [sflag:s18], $0x8000  }
0x5d: {  	[sflag:s18] =	ssyncset.done $0x0  }
0x5e: {  	[sflag:s18] =	ssyncadd.s32 $0xFFFF8000  }
0x5f: {  	_ =	swait.ge [sflag:s18], $0x8000  }
0x60: {  	[sflag:s18] =	ssyncset.done $0x0  }
0x61: {  	[sflag:s18] =	ssyncadd.s32 $0xFFFF8000  }
0x62: {  	_ =	swait.ge [sflag:s18], $0x8000  }
0x63: {  	[sflag:s18] =	ssyncset.done $0x0  }
0x64: {  	[sflag:s18] =	ssyncadd.s32 $0xFFFF8000  }
0x65: {  	_ =	swait.ge [sflag:s18], $0x8000  }
0x66: {  	[sflag:s18] =	ssyncset.done $0x0  }
0x67: {  	[sflag:s18] =	ssyncadd.s32 $0xFFFF8000  }
0x68: {  	_ =	swait.ge [sflag:s18], $0x8000  }
0x69: {  	[sflag:s18] =	ssyncset.done $0x0  }
0x6a: {  	[sflag:s18] =	ssyncadd.s32 $0xFFFF8000  }
0x6b: {  	_ =	swait.ge [sflag:s18], $0x8000  }
0x6c: {  	[sflag:s18] =	ssyncset.done $0x0  }
0x6d: {  	[sflag:s18] =	ssyncadd.s32 $0xFFFF8000  }
0x6e: {  	_ =	swait.ge [sflag:s18], $0x8000  }
0x6f: {  	[sflag:s18] =	ssyncset.done $0x0  }
0x70: {  	[sflag:s18] =	ssyncadd.s32 $0xFFFF8000  }
0x71: {  	_ =	swait.ge [sflag:s18], $0x8000  }
.Ltmp2:
0x72: {  	[sflag:s18] =	ssyncset.done $0x0;
	(pc) =	sbr.rel @p0 .LBB2_2-.Ltmp2, $4  }
0x73: {  	[sflag:s18] =	ssyncadd.s32 $0xFFFF8000  }
0x74: {  	[hbm4b:s9+s20] =	stream.indirect.scatter [tilespmem:s2], [sflag:$0x2], $0x80, s8, s20, $0xb8;
	[tilespmem:$0xA080] =	vst v63  }
0x75: {  	_ =	swait.ge [sflag:s19], $0x2000  }
0x76: {  	[sflag:s19] =	ssyncset.done $0x0  }
.LBB2_3:
0x77: {  	[sflag:s19] =	ssyncadd.s32 $0xFFFFE000  }
.LBB2_4:
0x78: {  	_ =	sfence.sel $0x180000  }
0x79: {  	[bflag:$0x0] =	sbarrier.arrive $0xFFFF  }
0x7a: {  	p0 =	sne.s32 s1, $0x0;
	_ =	strace $0x90000047  }
0x7b: {  	s0 =	sadd.s32 @!p0 $0x100000, s0;
	[bflag:$0x2] =	sbarrier.arrive $0xFFFF  }
0x7c: {  	[sflag:s0] =	ssyncadd.tile.s32 @!p0 $0x1;
	_ =	shalt  }
.Lfunc_end2:
_tile_overlayer_lowered:
.L_overlay_start_2:
0x7d: {  	(tag) =	ssettag $0x2  }
0x7e: {  	s0 =	rddreg [dreg:$0x0];
	s2 =	stileid.u32  }
0x7f: {  	s1 =	rddreg [dreg:$0x1];
	p0 =	sne.s32 s2, $0x0  }
0x80: {  	s3 =	rddreg [dreg:$0x2];
	[bflag:$0x3] =	sbarrier.arrive $0xFFFF;
	s2 =	simm.s32 @!p0 $0x1C03  }
0x81: {  	[timem:s3], [sflag:s2] =	dma.local @!p0 [hbm:s0], s1  }
0x82: {  	s0 =	simm.s32 @!p0 $0x3  }
0x83: {  	_ =	swait.ge @!p0 [sflag:s0], s1  }
0x84: {  	s1 =	ssub.s32 @!p0 $0x0, s1;
	[sflag:s0] =	ssyncset.done @!p0 $0x0  }
0x85: {  	[sflag:s0] =	ssyncadd.s32 @!p0 s1  }
0x86: {  	[bflag:$0x3] =	sbarrier.arrive $0xFFFF  }
0x87: {  	_ =	shalt  }

</sc_bundles>
